<compile_context>
chip_gen: v7x
topology: tpu7x:2x2x1
jax: 0.10.2.dev20260603
libtpu: 0.0.44.dev20260713+nightly
codegen_flags: <defaults>
</compile_context>

<pallas_src>
import functools

import jax
import jax.numpy as jnp
from jax import lax
from jax.experimental import pallas as pl
from jax.experimental.pallas import tpu as pltpu
from jax.experimental.pallas import tpu_sc as plsc

F32 = jnp.float32
N_TOK = 32 * 56 * 56
DC = 128
K = 1024



def _ka_body(p_ref, w_ref, b_ref, o_ref):
    w = w_ref[...]
    b = b_ref[...]
    for s in range(4):
        a = p_ref[pl.ds(s * 256, 256), :]
        acc = jnp.dot(a, w, preferred_element_type=F32)
        o_ref[pl.ds(s * 256, 256), :] = jnp.maximum(acc + b, 0.0)


def _conv1(p1, w1r, b1):
    n1 = p1.shape[0]
    grid = (n1 // 1024,)
    return pl.pallas_call(
        _ka_body,
        grid=grid,
        in_specs=[
            pl.BlockSpec((1024, 48), lambda m: (m, 0)),
            pl.BlockSpec((48, 128), lambda m: (0, 0)),
            pl.BlockSpec((1, 128), lambda m: (0, 0)),
        ],
        out_specs=pl.BlockSpec((1024, 128), lambda m: (m, 0)),
        out_shape=jax.ShapeDtypeStruct((n1, 128), F32),
    )(p1, w1r, b1)



def _kb_body(s2d_ref, w2_ref, b2_ref, e0_ref, e1_ref,
             idx0_ref, idx1_ref, dsum_ref, z_vmem):
    b = pl.program_id(0)

    @pl.when(jnp.logical_and(b == 0, pl.program_id(1) == 0))
    def _():
        dsum_ref[...] = jnp.zeros((1, 2), F32)

    b2 = b2_ref[...]
    esqs = []
    for e_ref in (e0_ref, e1_ref):
        row = []
        for kc in range(4):
            ec = e_ref[:, pl.ds(kc * 256, 256)]
            row.append(jnp.sum(ec * ec, axis=0, keepdims=True))
        esqs.append(row)

    totals = [jnp.float32(0.0), jnp.float32(0.0)]
    for i in [pl.program_id(1)]:
        for t in range(4):
            acc = jnp.zeros((112, 256), F32)
            for di in range(2):
                for dj in range(2):
                    a = s2d_ref[0, pl.ds(i * 8 + 2 * t + di, 2),
                                pl.ds(dj, 56), :]
                    a2 = a.reshape(112, 512)
                    acc = acc + jnp.dot(a2, w2_ref[di, dj],
                                        preferred_element_type=F32)
            z_vmem[pl.ds(t * 112, 112), :] = acc + b2

        for cb, (e_ref, idx_ref) in enumerate(((e0_ref, idx0_ref),
                                               (e1_ref, idx1_ref))):
            best = [None] * 4
            bidx = [None] * 4
            for kc in range(4):
                ec = e_ref[:, pl.ds(kc * 256, 256)]
                esq = esqs[cb][kc]
                for t in range(4):
                    z0 = z_vmem[pl.ds(t * 112, 112), pl.ds(cb * 128, 128)]
                    zsq = jnp.sum(z0 * z0, axis=1, keepdims=True)
                    d = (zsq - 2.0 * jnp.dot(z0, ec, preferred_element_type=F32)
                         + esq)
                    m = jnp.min(d, axis=1, keepdims=True)
                    lane = (lax.broadcasted_iota(jnp.int32, (112, 256), 1)
                            + kc * 256)
                    cidx = jnp.min(jnp.where(d == m, lane, jnp.int32(2 ** 30)),
                                   axis=1, keepdims=True)
                    if kc == 0:
                        best[t] = m
                        bidx[t] = cidx
                    else:
                        upd = m < best[t]
                        bidx[t] = jnp.where(upd, cidx, bidx[t])
                        best[t] = jnp.where(upd, m, best[t])
            for t in range(4):
                idx_ref[0, pl.ds(t * 112, 112), :] = bidx[t]
                totals[cb] = totals[cb] + jnp.sum(best[t])

    io2 = lax.broadcasted_iota(jnp.int32, (1, 2), 1)
    dsum_ref[...] += jnp.where(io2 == 0, totals[0], totals[1])


def _conv2_quant(s2d, w2r, b2r, e0, e1):
    grid = (32, 7)
    return pl.pallas_call(
        _kb_body,
        grid=grid,
        in_specs=[
            pl.BlockSpec((1, 57, 57, 512), lambda b, i: (b, 0, 0, 0)),
            pl.BlockSpec((2, 2, 512, 256), lambda b, i: (0, 0, 0, 0)),
            pl.BlockSpec((1, 256), lambda b, i: (0, 0)),
            pl.BlockSpec((128, 1024), lambda b, i: (0, 0)),
            pl.BlockSpec((128, 1024), lambda b, i: (0, 0)),
        ],
        out_specs=[
            pl.BlockSpec((1, 448, 1), lambda b, i: (b * 7 + i, 0, 0)),
            pl.BlockSpec((1, 448, 1), lambda b, i: (b * 7 + i, 0, 0)),
            pl.BlockSpec((1, 2), lambda b, i: (0, 0)),
        ],
        out_shape=[
            jax.ShapeDtypeStruct((224, 448, 1), jnp.int32),
            jax.ShapeDtypeStruct((224, 448, 1), jnp.int32),
            jax.ShapeDtypeStruct((1, 2), F32),
        ],
        scratch_shapes=[pltpu.VMEM((448, 256), F32)],
    )(s2d, w2r, b2r, e0, e1)



def _kc_body(idx0_hbm, idx1_hbm, e0_hbm, e1_hbm,
             zq_hbm, c0_hbm, c1_hbm,
             idx0_v, idx1_v, etab_v, out_v, c0_v, c1_v):
    b = lax.axis_index("s") * 2 + lax.axis_index("c")
    pltpu.sync_copy(idx0_hbm.at[pl.ds(b * 3136, 3136)], idx0_v)
    pltpu.sync_copy(idx1_hbm.at[pl.ds(b * 3136, 3136)], idx1_v)

    zeros16 = jnp.zeros((16,), F32)
    ones16 = jnp.ones((16,), F32)
    lane_base = lax.iota(jnp.int32, 16) * 1024

    def zero_body(j, _):
        c0_v[pl.ds(j * 16, 16)] = zeros16
        c1_v[pl.ds(j * 16, 16)] = zeros16
        return 0
    lax.fori_loop(0, 1024, zero_body, 0)

    def cnt_body(j, _):
        i0 = idx0_v[pl.ds(j * 16, 16)]
        i1 = idx1_v[pl.ds(j * 16, 16)]
        plsc.addupdate_scatter(c0_v, [lane_base + i0], ones16)
        plsc.addupdate_scatter(c1_v, [lane_base + i1], ones16)
        return 0
    lax.fori_loop(0, 196, cnt_body, 0)

    pltpu.sync_copy(c0_v, c0_hbm.at[b])
    pltpu.sync_copy(c1_v, c1_hbm.at[b])

    for cb in range(2):
        src = e0_hbm if cb == 0 else e1_hbm
        idxv = idx0_v if cb == 0 else idx1_v
        for half in range(2):
            pltpu.sync_copy(src.at[pl.ds(half * 65536, 65536)], etab_v)

            def chan_body(c, _):
                cbase = c * 1024

                def tok_body(j, _):
                    i16 = idxv[pl.ds(j * 16, 16)]
                    out_v[pl.ds(j * 16, 16)] = plsc.load_gather(
                        etab_v, [cbase + i16])
                    return 0
                lax.fori_loop(0, 196, tok_body, 0)
                pltpu.sync_copy(out_v,
                                zq_hbm.at[b, cb * 128 + half * 64 + c])
                return 0
            lax.fori_loop(0, 64, chan_body, 0)


def _sc_gather_counts(idx0, idx1, e0, e1):
    mesh = plsc.VectorSubcoreMesh(core_axis_name="c", subcore_axis_name="s")
    f = functools.partial(
        pl.kernel,
        mesh=mesh,
        compiler_params=pltpu.CompilerParams(needs_layout_passes=False),
        out_type=[
            jax.ShapeDtypeStruct((32, 256, 3136), F32),
            jax.ShapeDtypeStruct((32, 16384), F32),
            jax.ShapeDtypeStruct((32, 16384), F32),
        ],
        scratch_types=[
            pltpu.VMEM((3136,), jnp.int32),
            pltpu.VMEM((3136,), jnp.int32),
            pltpu.VMEM((65536,), F32),
            pltpu.VMEM((3136,), F32),
            pltpu.VMEM((16384,), F32),
            pltpu.VMEM((16384,), F32),
        ],
    )(_kc_body)
    return f(idx0, idx1, e0.reshape(-1), e1.reshape(-1))



def _kd_body(c0_ref, c1_ref, dsum_ref, diff_ref, ppl_ref):
    pps = []
    for c_ref in (c0_ref, c1_ref):
        cnt = jnp.sum(c_ref[...], axis=0, keepdims=True)
        p = cnt * jnp.float32(1.0 / N_TOK)
        ent = jnp.sum(p * jnp.log(p + 1e-10), axis=1, keepdims=True)
        pps.append(jnp.exp(-ent))
    ppl_ref[...] = jnp.concatenate(pps, axis=1)
    s = dsum_ref[...]
    diff_ref[...] = (s[0:1, 0:1] + s[0:1, 1:2]) * jnp.float32(
        1.0 / (2.0 * N_TOK * DC))


def _finalize(c0p, c1p, dsum):
    return pl.pallas_call(
        _kd_body,
        grid=(1,),
        in_specs=[
            pl.BlockSpec((512, 1024), lambda m: (0, 0)),
            pl.BlockSpec((512, 1024), lambda m: (0, 0)),
            pl.BlockSpec((1, 2), lambda m: (0, 0)),
        ],
        out_specs=[
            pl.BlockSpec((1, 1), lambda m: (0, 0)),
            pl.BlockSpec((1, 2), lambda m: (0, 0)),
        ],
        out_shape=[
            jax.ShapeDtypeStruct((1, 1), F32),
            jax.ShapeDtypeStruct((1, 2), F32),
        ],
    )(c0p, c1p, dsum)



def _im2col_x(x):
    p = lax.conv_general_dilated_patches(
        x, (4, 4), (2, 2), 'SAME',
        dimension_numbers=('NCHW', 'OIHW', 'NCHW'))
    return jnp.transpose(p, (0, 2, 3, 1)).reshape(-1, 48)


def kernel(x, W1, b1, W2, b2, embed0, embed1):
    p1 = _im2col_x(x)
    w1r = jnp.transpose(W1.reshape(128, 48), (1, 0))
    h = _conv1(p1, w1r, b1.reshape(1, 128)).reshape(32, 112, 112, 128)

    hp = jnp.pad(h, ((0, 0), (1, 1), (1, 1), (0, 0)))
    s2d = hp.reshape(32, 57, 2, 57, 2, 128)
    s2d = jnp.transpose(s2d, (0, 1, 3, 2, 4, 5)).reshape(32, 57, 57, 512)
    w2r = W2.reshape(256, 128, 2, 2, 2, 2)
    w2r = jnp.transpose(w2r, (2, 4, 3, 5, 1, 0)).reshape(2, 2, 512, 256)

    idx0f, idx1f, dsum = _conv2_quant(s2d, w2r, b2.reshape(1, 256),
                                      embed0, embed1)
    idx0 = idx0f.reshape(-1)
    idx1 = idx1f.reshape(-1)

    zq3, c0p, c1p = _sc_gather_counts(idx0, idx1, embed0, embed1)
    z_q = zq3.reshape(32, 256, 56, 56)

    dd, pp = _finalize(c0p.reshape(512, 1024), c1p.reshape(512, 1024), dsum)
    return z_q, dd[0, 0], pp[0]

# --- scband reference (transcript-rebuilt; emitter-appended) ---
"""Pipeline reference for scband-qlayer-79654463472381 (READ-ONLY COPY).

The authoritative reference and input builder live on the scoring server;
editing this copy changes nothing except your own understanding.
"""

import jax, jax.numpy as jnp
import numpy as np

B, CIN, HW = 32, 3, 224
HID, EMBED_DIM = 128, 256
NUM_CODEBOOKS, NUM_EMBED = 2, 1024
DC = EMBED_DIM // NUM_CODEBOOKS


def setup_inputs(seed: int = 0) -> dict:
    key = jax.random.key(seed)
    ks = jax.random.split(key, 8)
    x = jax.random.normal(ks[0], (B, CIN, HW, HW), dtype=jnp.float32)
    W1 = jax.random.normal(ks[1], (HID, CIN, 4, 4), dtype=jnp.float32) * 0.05
    b1 = jnp.zeros((HID,), dtype=jnp.float32)
    W2 = jax.random.normal(ks[2], (EMBED_DIM, HID, 4, 4), dtype=jnp.float32) * 0.05
    b2 = jnp.zeros((EMBED_DIM,), dtype=jnp.float32)
    embed0 = jax.random.normal(ks[3], (DC, NUM_EMBED), dtype=jnp.float32)
    embed1 = jax.random.normal(ks[4], (DC, NUM_EMBED), dtype=jnp.float32)
    return {"x": x, "W1": W1, "b1": b1, "W2": W2, "b2": b2, "embed0": embed0, "embed1": embed1}


def _conv(x, w, b, stride):
    y = jax.lax.conv_general_dilated(x, w, (stride, stride), 'SAME',
                                     dimension_numbers=('NCHW', 'OIHW', 'NCHW'))
    return y + b[None, :, None, None]


def _quantize(z_e, embed):
    # z_e: [B, D, H, W]; embed: [D, K]  (VQ-VAE Quantize.forward)
    z = jnp.transpose(z_e, (0, 2, 3, 1))          # B, H, W, D
    flat = z.reshape(-1, z.shape[-1])              # N, D
    dist = (jnp.sum(flat ** 2, axis=1, keepdims=True)
            - 2.0 * flat @ embed
            + jnp.sum(embed ** 2, axis=0, keepdims=True))  # N, K
    embed_ind = jnp.argmin(dist, axis=1)           # N
    q = jnp.take(embed.T, embed_ind, axis=0).reshape(z.shape)  # B,H,W,D (gather)
    q = jnp.transpose(q, (0, 3, 1, 2))             # B, D, H, W
    diff = jnp.mean((jax.lax.stop_gradient(q) - z_e) ** 2)
    q_st = z_e + jax.lax.stop_gradient(q - z_e)    # straight-through
    counts = jnp.bincount(embed_ind, length=embed.shape[1]).astype(jnp.float32)
    avg_probs = counts / embed_ind.shape[0]
    ppl = jnp.exp(-jnp.sum(avg_probs * jnp.log(avg_probs + 1e-10)))
    argmin = embed_ind.reshape(z.shape[:-1])
    return q_st, diff, argmin, ppl


def reference(x, W1, b1, W2, b2, embed0, embed1):
    # QLayer.up: encoder -> chunk into num_codebooks -> per-codebook quantize -> concat
    h = jax.nn.relu(_conv(x, W1, b1, 2))
    z_e = _conv(h, W2, b2, 2)                      # [B, EMBED_DIM, 56, 56]
    chunks = jnp.split(z_e, NUM_CODEBOOKS, axis=1)
    z_q_s, diffs, ppls = [], [], []
    for ch, emb in zip(chunks, (embed0, embed1)):
        q, d, amin, p = _quantize(ch, emb)
        z_q_s.append(q)
        diffs.append(d)
        ppls.append(p)
    z_q = jnp.concatenate(z_q_s, axis=1)
    diff = sum(diffs) / len(diffs)
    return z_q, diff, jnp.stack(ppls)

if __name__ == "__main__":
    import jax
    _d = setup_inputs()
    print(jax.jit(kernel)(*tuple(_d.values())))

</pallas_src>

<mosaic_0001>
#map = affine_map<(d0, d1) -> (0)>
#map1 = affine_map<(d0, d1) -> (0, 0, 0)>
#map2 = affine_map<(d0, d1) -> (0, 0)>
module attributes {stable_mosaic.version = 14 : i64} {
  func.func @_kc_body(%arg0: i32, %arg1: i32, %arg2: memref<100352xi32, #tpu.memory_space<hbm>>, %arg3: memref<100352xi32, #tpu.memory_space<hbm>>, %arg4: memref<131072xf32, #tpu.memory_space<hbm>>, %arg5: memref<131072xf32, #tpu.memory_space<hbm>>, %arg6: memref<32x256x3136xf32, #tpu.memory_space<hbm>>, %arg7: memref<32x16384xf32, #tpu.memory_space<hbm>>, %arg8: memref<32x16384xf32, #tpu.memory_space<hbm>>, %arg9: memref<3136xi32, #tpu.memory_space<vmem>>, %arg10: memref<3136xi32, #tpu.memory_space<vmem>>, %arg11: memref<65536xf32, #tpu.memory_space<vmem>>, %arg12: memref<3136xf32, #tpu.memory_space<vmem>>, %arg13: memref<16384xf32, #tpu.memory_space<vmem>>, %arg14: memref<16384xf32, #tpu.memory_space<vmem>>) attributes {dimension_semantics = [#tpu.dimension_semantics<core_parallel>, #tpu.dimension_semantics<subcore_parallel>], iteration_bounds = array<i64: 2, 16>, scalar_prefetch = 0 : i64, scratch_operands = 6 : i64, tpu.core_type = #tpu.core_type<sc_vector_subcore>, window_params = [{transform_indices = #map}, {transform_indices = #map}, {transform_indices = #map}, {transform_indices = #map}, {transform_indices = #map1}, {transform_indices = #map2}, {transform_indices = #map2}]} {
    %mul3A = arith.constant 2 : i32
    %mul3A_0 = arith.muli %arg1, %mul3A : i32
    %add3A = arith.addi %mul3A_0, %arg0 : i32
    %mul3A_1 = arith.constant 3136 : i32
    %mul3A_2 = arith.muli %add3A, %mul3A_1 : i32
    "tpu.region"() ({
      %run_scoped3A = tpu.sem_alloc : memref<!tpu.dma_semaphore, #tpu.memory_space<semaphore_mem>>
      %dma_start3A = tpu.memref_slice %arg2[%mul3A_2] : memref<100352xi32, #tpu.memory_space<hbm>> -> memref<3136xi32, #tpu.memory_space<hbm>>
      %dma_start3A_52 = tpu.memref_slice %arg2[%mul3A_2] : memref<100352xi32, #tpu.memory_space<hbm>> -> memref<3136xi32, #tpu.memory_space<hbm>>
      tpu.enqueue_dma source(%dma_start3A_52 : memref<3136xi32, #tpu.memory_space<hbm>>) target(%arg9 : memref<3136xi32, #tpu.memory_space<vmem>>) target_semaphore(%run_scoped3A : memref<!tpu.dma_semaphore, #tpu.memory_space<semaphore_mem>>)
      %dma_wait3A = tpu.memref_slice %arg2[%mul3A_2] : memref<100352xi32, #tpu.memory_space<hbm>> -> memref<3136xi32, #tpu.memory_space<hbm>>
      %dma_wait3A_53 = tpu.memref_slice %arg2[%mul3A_2] : memref<100352xi32, #tpu.memory_space<hbm>> -> memref<3136xi32, #tpu.memory_space<hbm>>
      tpu.wait_dma2 semaphore(%run_scoped3A : memref<!tpu.dma_semaphore, #tpu.memory_space<semaphore_mem>>) src(%dma_wait3A_53 : memref<3136xi32, #tpu.memory_space<hbm>>) dst(%arg9 : memref<3136xi32, #tpu.memory_space<vmem>>)
      tpu.yield
    }) : () -> ()
    %mul3A_3 = arith.constant 3136 : i32
    %mul3A_4 = arith.muli %add3A, %mul3A_3 : i32
    "tpu.region"() ({
      %run_scoped3A = tpu.sem_alloc : memref<!tpu.dma_semaphore, #tpu.memory_space<semaphore_mem>>
      %dma_start3A = tpu.memref_slice %arg3[%mul3A_4] : memref<100352xi32, #tpu.memory_space<hbm>> -> memref<3136xi32, #tpu.memory_space<hbm>>
      %dma_start3A_52 = tpu.memref_slice %arg3[%mul3A_4] : memref<100352xi32, #tpu.memory_space<hbm>> -> memref<3136xi32, #tpu.memory_space<hbm>>
      tpu.enqueue_dma source(%dma_start3A_52 : memref<3136xi32, #tpu.memory_space<hbm>>) target(%arg10 : memref<3136xi32, #tpu.memory_space<vmem>>) target_semaphore(%run_scoped3A : memref<!tpu.dma_semaphore, #tpu.memory_space<semaphore_mem>>)
      %dma_wait3A = tpu.memref_slice %arg3[%mul3A_4] : memref<100352xi32, #tpu.memory_space<hbm>> -> memref<3136xi32, #tpu.memory_space<hbm>>
      %dma_wait3A_53 = tpu.memref_slice %arg3[%mul3A_4] : memref<100352xi32, #tpu.memory_space<hbm>> -> memref<3136xi32, #tpu.memory_space<hbm>>
      tpu.wait_dma2 semaphore(%run_scoped3A : memref<!tpu.dma_semaphore, #tpu.memory_space<semaphore_mem>>) src(%dma_wait3A_53 : memref<3136xi32, #tpu.memory_space<hbm>>) dst(%arg10 : memref<3136xi32, #tpu.memory_space<vmem>>)
      tpu.yield
    }) : () -> ()
    %broadcast_in_dim3A = arith.constant 0.000000e+00 : f32
    %broadcast_in_dim3A_5 = vector.broadcast %broadcast_in_dim3A : f32 to vector<16xf32>
    %broadcast_in_dim3A_6 = arith.constant 1.000000e+00 : f32
    %broadcast_in_dim3A_7 = vector.broadcast %broadcast_in_dim3A_6 : f32 to vector<16xf32>
    %iota3A = tpu.iota {dimensions = array<i32: 0>} : vector<16xi32>
    %mul3A_8 = arith.constant 1024 : i32
    %mul3A_9 = vector.broadcast %mul3A_8 : i32 to vector<16xi32>
    %mul3A_10 = arith.muli %iota3A, %mul3A_9 : vector<16xi32>
    %scan3A = arith.constant 0 : i32
    %scan3A_11 = arith.constant 0 : i32
    %scan3A_12 = arith.constant 1024 : i32
    %scan3A_13 = arith.addi %scan3A_11, %scan3A_12 : i32
    %scan3A_14 = arith.constant 1 : i32
    %scan3A_15 = scf.for %scan3A_52 = %scan3A_11 to %scan3A_13 step %scan3A_14 iter_args(%scan3A_53 = %scan3A) -> (i32)  : i32 {
      %mul3A_54 = arith.constant 16 : i32
      %mul3A_55 = arith.muli %scan3A_52, %mul3A_54 : i32
      %swap3A = arith.index_cast %mul3A_55 : i32 to index
      %swap3A_56 = tpu.vector_load %arg13[%swap3A] {strides = array<i32>} : memref<16384xf32, #tpu.memory_space<vmem>>, vector<16xf32>,
      tpu.vector_store %arg13[%swap3A], %broadcast_in_dim3A_5 {strides = array<i32>} : memref<16384xf32, #tpu.memory_space<vmem>>, vector<16xf32>,
      %mul3A_57 = arith.constant 16 : i32
      %mul3A_58 = arith.muli %scan3A_52, %mul3A_57 : i32
      %swap3A_59 = arith.index_cast %mul3A_58 : i32 to index
      %swap3A_60 = tpu.vector_load %arg14[%swap3A_59] {strides = array<i32>} : memref<16384xf32, #tpu.memory_space<vmem>>, vector<16xf32>,
      tpu.vector_store %arg14[%swap3A_59], %broadcast_in_dim3A_5 {strides = array<i32>} : memref<16384xf32, #tpu.memory_space<vmem>>, vector<16xf32>,
      %scan3A_61 = arith.constant 0 : i32
      scf.yield %scan3A_61 : i32
    }
    %scan3A_16 = arith.constant 1024 : i32
    %scan3A_17 = arith.constant 0 : i32
    %scan3A_18 = arith.constant 0 : i32
    %scan3A_19 = arith.constant 196 : i32
    %scan3A_20 = arith.addi %scan3A_18, %scan3A_19 : i32
    %scan3A_21 = arith.constant 1 : i32
    %scan3A_22 = scf.for %scan3A_52 = %scan3A_18 to %scan3A_20 step %scan3A_21 iter_args(%scan3A_53 = %scan3A_17) -> (i32)  : i32 {
      %mul3A_54 = arith.constant 16 : i32
      %mul3A_55 = arith.muli %scan3A_52, %mul3A_54 : i32
      %get3A = arith.index_cast %mul3A_55 : i32 to index
      %get3A_56 = tpu.vector_load %arg9[%get3A] {strides = array<i32>} : memref<3136xi32, #tpu.memory_space<vmem>>, vector<16xi32>,
      %mul3A_57 = arith.constant 16 : i32
      %mul3A_58 = arith.muli %scan3A_52, %mul3A_57 : i32
      %get3A_59 = arith.index_cast %mul3A_58 : i32 to index
      %get3A_60 = tpu.vector_load %arg10[%get3A_59] {strides = array<i32>} : memref<3136xi32, #tpu.memory_space<vmem>>, vector<16xi32>,
      %add3A_61 = arith.addi %mul3A_10, %get3A_56 : vector<16xi32>
      tpu.vector_store_idx %arg13[%add3A_61], %broadcast_in_dim3A_7 {add = true} : memref<16384xf32, #tpu.memory_space<vmem>>[vector<16xi32>], vector<16xf32>,
      %add3A_62 = arith.addi %mul3A_10, %get3A_60 : vector<16xi32>
      tpu.vector_store_idx %arg14[%add3A_62], %broadcast_in_dim3A_7 {add = true} : memref<16384xf32, #tpu.memory_space<vmem>>[vector<16xi32>], vector<16xf32>,
      %scan3A_63 = arith.constant 0 : i32
      scf.yield %scan3A_63 : i32
    }
    %scan3A_23 = arith.constant 196 : i32
    "tpu.region"() ({
      %run_scoped3A = tpu.sem_alloc : memref<!tpu.dma_semaphore, #tpu.memory_space<semaphore_mem>>
      %dma_start3A = arith.constant 0 : i32
      %dma_start3A_52 = tpu.memref_slice %arg7[%add3A, %dma_start3A] : memref<32x16384xf32, #tpu.memory_space<hbm>> -> memref<1x16384xf32, #tpu.memory_space<hbm>>
      %dma_start3A_53 = tpu.memref_squeeze %dma_start3A_52 : memref<1x16384xf32, #tpu.memory_space<hbm>> -> memref<16384xf32, #tpu.memory_space<hbm>>
      %dma_start3A_54 = arith.constant 0 : i32
      %dma_start3A_55 = tpu.memref_slice %arg7[%add3A, %dma_start3A_54] : memref<32x16384xf32, #tpu.memory_space<hbm>> -> memref<1x16384xf32, #tpu.memory_space<hbm>>
      %dma_start3A_56 = tpu.memref_squeeze %dma_start3A_55 : memref<1x16384xf32, #tpu.memory_space<hbm>> -> memref<16384xf32, #tpu.memory_space<hbm>>
      tpu.enqueue_dma source(%arg13 : memref<16384xf32, #tpu.memory_space<vmem>>) target(%dma_start3A_56 : memref<16384xf32, #tpu.memory_space<hbm>>) target_semaphore(%run_scoped3A : memref<!tpu.dma_semaphore, #tpu.memory_space<semaphore_mem>>)
      %dma_wait3A = arith.constant 0 : i32
      %dma_wait3A_57 = tpu.memref_slice %arg7[%add3A, %dma_wait3A] : memref<32x16384xf32, #tpu.memory_space<hbm>> -> memref<1x16384xf32, #tpu.memory_space<hbm>>
      %dma_wait3A_58 = tpu.memref_squeeze %dma_wait3A_57 : memref<1x16384xf32, #tpu.memory_space<hbm>> -> memref<16384xf32, #tpu.memory_space<hbm>>
      %dma_wait3A_59 = arith.constant 0 : i32
      %dma_wait3A_60 = tpu.memref_slice %arg7[%add3A, %dma_wait3A_59] : memref<32x16384xf32, #tpu.memory_space<hbm>> -> memref<1x16384xf32, #tpu.memory_space<hbm>>
      %dma_wait3A_61 = tpu.memref_squeeze %dma_wait3A_60 : memref<1x16384xf32, #tpu.memory_space<hbm>> -> memref<16384xf32, #tpu.memory_space<hbm>>
      tpu.wait_dma2 semaphore(%run_scoped3A : memref<!tpu.dma_semaphore, #tpu.memory_space<semaphore_mem>>) src(%arg13 : memref<16384xf32, #tpu.memory_space<vmem>>) dst(%dma_wait3A_61 : memref<16384xf32, #tpu.memory_space<hbm>>)
      tpu.yield
    }) : () -> ()
    "tpu.region"() ({
      %run_scoped3A = tpu.sem_alloc : memref<!tpu.dma_semaphore, #tpu.memory_space<semaphore_mem>>
      %dma_start3A = arith.constant 0 : i32
      %dma_start3A_52 = tpu.memref_slice %arg8[%add3A, %dma_start3A] : memref<32x16384xf32, #tpu.memory_space<hbm>> -> memref<1x16384xf32, #tpu.memory_space<hbm>>
      %dma_start3A_53 = tpu.memref_squeeze %dma_start3A_52 : memref<1x16384xf32, #tpu.memory_space<hbm>> -> memref<16384xf32, #tpu.memory_space<hbm>>
      %dma_start3A_54 = arith.constant 0 : i32
      %dma_start3A_55 = tpu.memref_slice %arg8[%add3A, %dma_start3A_54] : memref<32x16384xf32, #tpu.memory_space<hbm>> -> memref<1x16384xf32, #tpu.memory_space<hbm>>
      %dma_start3A_56 = tpu.memref_squeeze %dma_start3A_55 : memref<1x16384xf32, #tpu.memory_space<hbm>> -> memref<16384xf32, #tpu.memory_space<hbm>>
      tpu.enqueue_dma source(%arg14 : memref<16384xf32, #tpu.memory_space<vmem>>) target(%dma_start3A_56 : memref<16384xf32, #tpu.memory_space<hbm>>) target_semaphore(%run_scoped3A : memref<!tpu.dma_semaphore, #tpu.memory_space<semaphore_mem>>)
      %dma_wait3A = arith.constant 0 : i32
      %dma_wait3A_57 = tpu.memref_slice %arg8[%add3A, %dma_wait3A] : memref<32x16384xf32, #tpu.memory_space<hbm>> -> memref<1x16384xf32, #tpu.memory_space<hbm>>
      %dma_wait3A_58 = tpu.memref_squeeze %dma_wait3A_57 : memref<1x16384xf32, #tpu.memory_space<hbm>> -> memref<16384xf32, #tpu.memory_space<hbm>>
      %dma_wait3A_59 = arith.constant 0 : i32
      %dma_wait3A_60 = tpu.memref_slice %arg8[%add3A, %dma_wait3A_59] : memref<32x16384xf32, #tpu.memory_space<hbm>> -> memref<1x16384xf32, #tpu.memory_space<hbm>>
      %dma_wait3A_61 = tpu.memref_squeeze %dma_wait3A_60 : memref<1x16384xf32, #tpu.memory_space<hbm>> -> memref<16384xf32, #tpu.memory_space<hbm>>
      tpu.wait_dma2 semaphore(%run_scoped3A : memref<!tpu.dma_semaphore, #tpu.memory_space<semaphore_mem>>) src(%arg14 : memref<16384xf32, #tpu.memory_space<vmem>>) dst(%dma_wait3A_61 : memref<16384xf32, #tpu.memory_space<hbm>>)
      tpu.yield
    }) : () -> ()
    "tpu.region"() ({
      %run_scoped3A = tpu.sem_alloc : memref<!tpu.dma_semaphore, #tpu.memory_space<semaphore_mem>>
      %dma_start3A = arith.constant 0 : i32
      %dma_start3A_52 = tpu.memref_slice %arg4[%dma_start3A] : memref<131072xf32, #tpu.memory_space<hbm>> -> memref<65536xf32, #tpu.memory_space<hbm>>
      %dma_start3A_53 = arith.constant 0 : i32
      %dma_start3A_54 = tpu.memref_slice %arg4[%dma_start3A_53] : memref<131072xf32, #tpu.memory_space<hbm>> -> memref<65536xf32, #tpu.memory_space<hbm>>
      tpu.enqueue_dma source(%dma_start3A_54 : memref<65536xf32, #tpu.memory_space<hbm>>) target(%arg11 : memref<65536xf32, #tpu.memory_space<vmem>>) target_semaphore(%run_scoped3A : memref<!tpu.dma_semaphore, #tpu.memory_space<semaphore_mem>>)
      %dma_wait3A = arith.constant 0 : i32
      %dma_wait3A_55 = tpu.memref_slice %arg4[%dma_wait3A] : memref<131072xf32, #tpu.memory_space<hbm>> -> memref<65536xf32, #tpu.memory_space<hbm>>
      %dma_wait3A_56 = arith.constant 0 : i32
      %dma_wait3A_57 = tpu.memref_slice %arg4[%dma_wait3A_56] : memref<131072xf32, #tpu.memory_space<hbm>> -> memref<65536xf32, #tpu.memory_space<hbm>>
      tpu.wait_dma2 semaphore(%run_scoped3A : memref<!tpu.dma_semaphore, #tpu.memory_space<semaphore_mem>>) src(%dma_wait3A_57 : memref<65536xf32, #tpu.memory_space<hbm>>) dst(%arg11 : memref<65536xf32, #tpu.memory_space<vmem>>)
      tpu.yield
    }) : () -> ()
    %scan3A_24 = arith.constant 0 : i32
    %scan3A_25 = arith.constant 0 : i32
    %scan3A_26 = arith.constant 64 : i32
    %scan3A_27 = arith.addi %scan3A_25, %scan3A_26 : i32
    %scan3A_28 = arith.constant 1 : i32
    %scan3A_29 = scf.for %scan3A_52 = %scan3A_25 to %scan3A_27 step %scan3A_28 iter_args(%scan3A_53 = %scan3A_24) -> (i32)  : i32 {
      %mul3A_54 = arith.constant 1024 : i32
      %mul3A_55 = arith.muli %scan3A_52, %mul3A_54 : i32
      %scan3A_56 = arith.constant 0 : i32
      %scan3A_57 = arith.constant 0 : i32
      %scan3A_58 = arith.constant 196 : i32
      %scan3A_59 = arith.addi %scan3A_57, %scan3A_58 : i32
      %scan3A_60 = arith.constant 1 : i32
      %scan3A_61 = scf.for %scan3A_66 = %scan3A_57 to %scan3A_59 step %scan3A_60 iter_args(%scan3A_67 = %scan3A_56) -> (i32)  : i32 {
        %mul3A_68 = arith.constant 16 : i32
        %mul3A_69 = arith.muli %scan3A_66, %mul3A_68 : i32
        %get3A = arith.index_cast %mul3A_69 : i32 to index
        %get3A_70 = tpu.vector_load %arg9[%get3A] {strides = array<i32>} : memref<3136xi32, #tpu.memory_space<vmem>>, vector<16xi32>,
        %add3A_71 = vector.broadcast %mul3A_55 : i32 to vector<16xi32>
        %add3A_72 = arith.addi %add3A_71, %get3A_70 : vector<16xi32>
        %gather3A = tpu.vector_load_idx %arg11[%add3A_72] : memref<65536xf32, #tpu.memory_space<vmem>>[vector<16xi32>], vector<16xf32>,
        %mul3A_73 = arith.constant 16 : i32
        %mul3A_74 = arith.muli %scan3A_66, %mul3A_73 : i32
        %swap3A = arith.index_cast %mul3A_74 : i32 to index
        %swap3A_75 = tpu.vector_load %arg12[%swap3A] {strides = array<i32>} : memref<3136xf32, #tpu.memory_space<vmem>>, vector<16xf32>,
        tpu.vector_store %arg12[%swap3A], %gather3A {strides = array<i32>} : memref<3136xf32, #tpu.memory_space<vmem>>, vector<16xf32>,
        %scan3A_76 = arith.constant 0 : i32
        scf.yield %scan3A_76 : i32
      }
      %scan3A_62 = arith.constant 196 : i32
      %add3A_63 = arith.constant 0 : i32
      %add3A_64 = arith.addi %add3A_63, %scan3A_52 : i32
      "tpu.region"() ({
        %run_scoped3A = tpu.sem_alloc : memref<!tpu.dma_semaphore, #tpu.memory_space<semaphore_mem>>
        %dma_start3A = arith.constant 0 : i32
        %dma_start3A_66 = tpu.memref_slice %arg6[%add3A, %add3A_64, %dma_start3A] : memref<32x256x3136xf32, #tpu.memory_space<hbm>> -> memref<1x1x3136xf32, #tpu.memory_space<hbm>>
        %dma_start3A_67 = tpu.memref_squeeze %dma_start3A_66 : memref<1x1x3136xf32, #tpu.memory_space<hbm>> -> memref<3136xf32, #tpu.memory_space<hbm>>
        %dma_start3A_68 = arith.constant 0 : i32
        %dma_start3A_69 = tpu.memref_slice %arg6[%add3A, %add3A_64, %dma_start3A_68] : memref<32x256x3136xf32, #tpu.memory_space<hbm>> -> memref<1x1x3136xf32, #tpu.memory_space<hbm>>
        %dma_start3A_70 = tpu.memref_squeeze %dma_start3A_69 : memref<1x1x3136xf32, #tpu.memory_space<hbm>> -> memref<3136xf32, #tpu.memory_space<hbm>>
        tpu.enqueue_dma source(%arg12 : memref<3136xf32, #tpu.memory_space<vmem>>) target(%dma_start3A_70 : memref<3136xf32, #tpu.memory_space<hbm>>) target_semaphore(%run_scoped3A : memref<!tpu.dma_semaphore, #tpu.memory_space<semaphore_mem>>)
        %dma_wait3A = arith.constant 0 : i32
        %dma_wait3A_71 = tpu.memref_slice %arg6[%add3A, %add3A_64, %dma_wait3A] : memref<32x256x3136xf32, #tpu.memory_space<hbm>> -> memref<1x1x3136xf32, #tpu.memory_space<hbm>>
        %dma_wait3A_72 = tpu.memref_squeeze %dma_wait3A_71 : memref<1x1x3136xf32, #tpu.memory_space<hbm>> -> memref<3136xf32, #tpu.memory_space<hbm>>
        %dma_wait3A_73 = arith.constant 0 : i32
        %dma_wait3A_74 = tpu.memref_slice %arg6[%add3A, %add3A_64, %dma_wait3A_73] : memref<32x256x3136xf32, #tpu.memory_space<hbm>> -> memref<1x1x3136xf32, #tpu.memory_space<hbm>>
        %dma_wait3A_75 = tpu.memref_squeeze %dma_wait3A_74 : memref<1x1x3136xf32, #tpu.memory_space<hbm>> -> memref<3136xf32, #tpu.memory_space<hbm>>
        tpu.wait_dma2 semaphore(%run_scoped3A : memref<!tpu.dma_semaphore, #tpu.memory_space<semaphore_mem>>) src(%arg12 : memref<3136xf32, #tpu.memory_space<vmem>>) dst(%dma_wait3A_75 : memref<3136xf32, #tpu.memory_space<hbm>>)
        tpu.yield
      }) : () -> ()
      %scan3A_65 = arith.constant 0 : i32
      scf.yield %scan3A_65 : i32
    }
    %scan3A_30 = arith.constant 64 : i32
    "tpu.region"() ({
      %run_scoped3A = tpu.sem_alloc : memref<!tpu.dma_semaphore, #tpu.memory_space<semaphore_mem>>
      %dma_start3A = arith.constant 65536 : i32
      %dma_start3A_52 = tpu.memref_slice %arg4[%dma_start3A] : memref<131072xf32, #tpu.memory_space<hbm>> -> memref<65536xf32, #tpu.memory_space<hbm>>
      %dma_start3A_53 = arith.constant 65536 : i32
      %dma_start3A_54 = tpu.memref_slice %arg4[%dma_start3A_53] : memref<131072xf32, #tpu.memory_space<hbm>> -> memref<65536xf32, #tpu.memory_space<hbm>>
      tpu.enqueue_dma source(%dma_start3A_54 : memref<65536xf32, #tpu.memory_space<hbm>>) target(%arg11 : memref<65536xf32, #tpu.memory_space<vmem>>) target_semaphore(%run_scoped3A : memref<!tpu.dma_semaphore, #tpu.memory_space<semaphore_mem>>)
      %dma_wait3A = arith.constant 65536 : i32
      %dma_wait3A_55 = tpu.memref_slice %arg4[%dma_wait3A] : memref<131072xf32, #tpu.memory_space<hbm>> -> memref<65536xf32, #tpu.memory_space<hbm>>
      %dma_wait3A_56 = arith.constant 65536 : i32
      %dma_wait3A_57 = tpu.memref_slice %arg4[%dma_wait3A_56] : memref<131072xf32, #tpu.memory_space<hbm>> -> memref<65536xf32, #tpu.memory_space<hbm>>
      tpu.wait_dma2 semaphore(%run_scoped3A : memref<!tpu.dma_semaphore, #tpu.memory_space<semaphore_mem>>) src(%dma_wait3A_57 : memref<65536xf32, #tpu.memory_space<hbm>>) dst(%arg11 : memref<65536xf32, #tpu.memory_space<vmem>>)
      tpu.yield
    }) : () -> ()
    %scan3A_31 = arith.constant 0 : i32
    %scan3A_32 = arith.constant 0 : i32
    %scan3A_33 = arith.constant 64 : i32
    %scan3A_34 = arith.addi %scan3A_32, %scan3A_33 : i32
    %scan3A_35 = arith.constant 1 : i32
    %scan3A_36 = scf.for %scan3A_52 = %scan3A_32 to %scan3A_34 step %scan3A_35 iter_args(%scan3A_53 = %scan3A_31) -> (i32)  : i32 {
      %mul3A_54 = arith.constant 1024 : i32
      %mul3A_55 = arith.muli %scan3A_52, %mul3A_54 : i32
      %scan3A_56 = arith.constant 0 : i32
      %scan3A_57 = arith.constant 0 : i32
      %scan3A_58 = arith.constant 196 : i32
      %scan3A_59 = arith.addi %scan3A_57, %scan3A_58 : i32
      %scan3A_60 = arith.constant 1 : i32
      %scan3A_61 = scf.for %scan3A_66 = %scan3A_57 to %scan3A_59 step %scan3A_60 iter_args(%scan3A_67 = %scan3A_56) -> (i32)  : i32 {
        %mul3A_68 = arith.constant 16 : i32
        %mul3A_69 = arith.muli %scan3A_66, %mul3A_68 : i32
        %get3A = arith.index_cast %mul3A_69 : i32 to index
        %get3A_70 = tpu.vector_load %arg9[%get3A] {strides = array<i32>} : memref<3136xi32, #tpu.memory_space<vmem>>, vector<16xi32>,
        %add3A_71 = vector.broadcast %mul3A_55 : i32 to vector<16xi32>
        %add3A_72 = arith.addi %add3A_71, %get3A_70 : vector<16xi32>
        %gather3A = tpu.vector_load_idx %arg11[%add3A_72] : memref<65536xf32, #tpu.memory_space<vmem>>[vector<16xi32>], vector<16xf32>,
        %mul3A_73 = arith.constant 16 : i32
        %mul3A_74 = arith.muli %scan3A_66, %mul3A_73 : i32
        %swap3A = arith.index_cast %mul3A_74 : i32 to index
        %swap3A_75 = tpu.vector_load %arg12[%swap3A] {strides = array<i32>} : memref<3136xf32, #tpu.memory_space<vmem>>, vector<16xf32>,
        tpu.vector_store %arg12[%swap3A], %gather3A {strides = array<i32>} : memref<3136xf32, #tpu.memory_space<vmem>>, vector<16xf32>,
        %scan3A_76 = arith.constant 0 : i32
        scf.yield %scan3A_76 : i32
      }
      %scan3A_62 = arith.constant 196 : i32
      %add3A_63 = arith.constant 64 : i32
      %add3A_64 = arith.addi %add3A_63, %scan3A_52 : i32
      "tpu.region"() ({
        %run_scoped3A = tpu.sem_alloc : memref<!tpu.dma_semaphore, #tpu.memory_space<semaphore_mem>>
        %dma_start3A = arith.constant 0 : i32
        %dma_start3A_66 = tpu.memref_slice %arg6[%add3A, %add3A_64, %dma_start3A] : memref<32x256x3136xf32, #tpu.memory_space<hbm>> -> memref<1x1x3136xf32, #tpu.memory_space<hbm>>
        %dma_start3A_67 = tpu.memref_squeeze %dma_start3A_66 : memref<1x1x3136xf32, #tpu.memory_space<hbm>> -> memref<3136xf32, #tpu.memory_space<hbm>>
        %dma_start3A_68 = arith.constant 0 : i32
        %dma_start3A_69 = tpu.memref_slice %arg6[%add3A, %add3A_64, %dma_start3A_68] : memref<32x256x3136xf32, #tpu.memory_space<hbm>> -> memref<1x1x3136xf32, #tpu.memory_space<hbm>>
        %dma_start3A_70 = tpu.memref_squeeze %dma_start3A_69 : memref<1x1x3136xf32, #tpu.memory_space<hbm>> -> memref<3136xf32, #tpu.memory_space<hbm>>
        tpu.enqueue_dma source(%arg12 : memref<3136xf32, #tpu.memory_space<vmem>>) target(%dma_start3A_70 : memref<3136xf32, #tpu.memory_space<hbm>>) target_semaphore(%run_scoped3A : memref<!tpu.dma_semaphore, #tpu.memory_space<semaphore_mem>>)
        %dma_wait3A = arith.constant 0 : i32
        %dma_wait3A_71 = tpu.memref_slice %arg6[%add3A, %add3A_64, %dma_wait3A] : memref<32x256x3136xf32, #tpu.memory_space<hbm>> -> memref<1x1x3136xf32, #tpu.memory_space<hbm>>
        %dma_wait3A_72 = tpu.memref_squeeze %dma_wait3A_71 : memref<1x1x3136xf32, #tpu.memory_space<hbm>> -> memref<3136xf32, #tpu.memory_space<hbm>>
        %dma_wait3A_73 = arith.constant 0 : i32
        %dma_wait3A_74 = tpu.memref_slice %arg6[%add3A, %add3A_64, %dma_wait3A_73] : memref<32x256x3136xf32, #tpu.memory_space<hbm>> -> memref<1x1x3136xf32, #tpu.memory_space<hbm>>
        %dma_wait3A_75 = tpu.memref_squeeze %dma_wait3A_74 : memref<1x1x3136xf32, #tpu.memory_space<hbm>> -> memref<3136xf32, #tpu.memory_space<hbm>>
        tpu.wait_dma2 semaphore(%run_scoped3A : memref<!tpu.dma_semaphore, #tpu.memory_space<semaphore_mem>>) src(%arg12 : memref<3136xf32, #tpu.memory_space<vmem>>) dst(%dma_wait3A_75 : memref<3136xf32, #tpu.memory_space<hbm>>)
        tpu.yield
      }) : () -> ()
      %scan3A_65 = arith.constant 0 : i32
      scf.yield %scan3A_65 : i32
    }
    %scan3A_37 = arith.constant 64 : i32
    "tpu.region"() ({
      %run_scoped3A = tpu.sem_alloc : memref<!tpu.dma_semaphore, #tpu.memory_space<semaphore_mem>>
      %dma_start3A = arith.constant 0 : i32
      %dma_start3A_52 = tpu.memref_slice %arg5[%dma_start3A] : memref<131072xf32, #tpu.memory_space<hbm>> -> memref<65536xf32, #tpu.memory_space<hbm>>
      %dma_start3A_53 = arith.constant 0 : i32
      %dma_start3A_54 = tpu.memref_slice %arg5[%dma_start3A_53] : memref<131072xf32, #tpu.memory_space<hbm>> -> memref<65536xf32, #tpu.memory_space<hbm>>
      tpu.enqueue_dma source(%dma_start3A_54 : memref<65536xf32, #tpu.memory_space<hbm>>) target(%arg11 : memref<65536xf32, #tpu.memory_space<vmem>>) target_semaphore(%run_scoped3A : memref<!tpu.dma_semaphore, #tpu.memory_space<semaphore_mem>>)
      %dma_wait3A = arith.constant 0 : i32
      %dma_wait3A_55 = tpu.memref_slice %arg5[%dma_wait3A] : memref<131072xf32, #tpu.memory_space<hbm>> -> memref<65536xf32, #tpu.memory_space<hbm>>
      %dma_wait3A_56 = arith.constant 0 : i32
      %dma_wait3A_57 = tpu.memref_slice %arg5[%dma_wait3A_56] : memref<131072xf32, #tpu.memory_space<hbm>> -> memref<65536xf32, #tpu.memory_space<hbm>>
      tpu.wait_dma2 semaphore(%run_scoped3A : memref<!tpu.dma_semaphore, #tpu.memory_space<semaphore_mem>>) src(%dma_wait3A_57 : memref<65536xf32, #tpu.memory_space<hbm>>) dst(%arg11 : memref<65536xf32, #tpu.memory_space<vmem>>)
      tpu.yield
    }) : () -> ()
    %scan3A_38 = arith.constant 0 : i32
    %scan3A_39 = arith.constant 0 : i32
    %scan3A_40 = arith.constant 64 : i32
    %scan3A_41 = arith.addi %scan3A_39, %scan3A_40 : i32
    %scan3A_42 = arith.constant 1 : i32
    %scan3A_43 = scf.for %scan3A_52 = %scan3A_39 to %scan3A_41 step %scan3A_42 iter_args(%scan3A_53 = %scan3A_38) -> (i32)  : i32 {
      %mul3A_54 = arith.constant 1024 : i32
      %mul3A_55 = arith.muli %scan3A_52, %mul3A_54 : i32
      %scan3A_56 = arith.constant 0 : i32
      %scan3A_57 = arith.constant 0 : i32
      %scan3A_58 = arith.constant 196 : i32
      %scan3A_59 = arith.addi %scan3A_57, %scan3A_58 : i32
      %scan3A_60 = arith.constant 1 : i32
      %scan3A_61 = scf.for %scan3A_66 = %scan3A_57 to %scan3A_59 step %scan3A_60 iter_args(%scan3A_67 = %scan3A_56) -> (i32)  : i32 {
        %mul3A_68 = arith.constant 16 : i32
        %mul3A_69 = arith.muli %scan3A_66, %mul3A_68 : i32
        %get3A = arith.index_cast %mul3A_69 : i32 to index
        %get3A_70 = tpu.vector_load %arg10[%get3A] {strides = array<i32>} : memref<3136xi32, #tpu.memory_space<vmem>>, vector<16xi32>,
        %add3A_71 = vector.broadcast %mul3A_55 : i32 to vector<16xi32>
        %add3A_72 = arith.addi %add3A_71, %get3A_70 : vector<16xi32>
        %gather3A = tpu.vector_load_idx %arg11[%add3A_72] : memref<65536xf32, #tpu.memory_space<vmem>>[vector<16xi32>], vector<16xf32>,
        %mul3A_73 = arith.constant 16 : i32
        %mul3A_74 = arith.muli %scan3A_66, %mul3A_73 : i32
        %swap3A = arith.index_cast %mul3A_74 : i32 to index
        %swap3A_75 = tpu.vector_load %arg12[%swap3A] {strides = array<i32>} : memref<3136xf32, #tpu.memory_space<vmem>>, vector<16xf32>,
        tpu.vector_store %arg12[%swap3A], %gather3A {strides = array<i32>} : memref<3136xf32, #tpu.memory_space<vmem>>, vector<16xf32>,
        %scan3A_76 = arith.constant 0 : i32
        scf.yield %scan3A_76 : i32
      }
      %scan3A_62 = arith.constant 196 : i32
      %add3A_63 = arith.constant 128 : i32
      %add3A_64 = arith.addi %add3A_63, %scan3A_52 : i32
      "tpu.region"() ({
        %run_scoped3A = tpu.sem_alloc : memref<!tpu.dma_semaphore, #tpu.memory_space<semaphore_mem>>
        %dma_start3A = arith.constant 0 : i32
        %dma_start3A_66 = tpu.memref_slice %arg6[%add3A, %add3A_64, %dma_start3A] : memref<32x256x3136xf32, #tpu.memory_space<hbm>> -> memref<1x1x3136xf32, #tpu.memory_space<hbm>>
        %dma_start3A_67 = tpu.memref_squeeze %dma_start3A_66 : memref<1x1x3136xf32, #tpu.memory_space<hbm>> -> memref<3136xf32, #tpu.memory_space<hbm>>
        %dma_start3A_68 = arith.constant 0 : i32
        %dma_start3A_69 = tpu.memref_slice %arg6[%add3A, %add3A_64, %dma_start3A_68] : memref<32x256x3136xf32, #tpu.memory_space<hbm>> -> memref<1x1x3136xf32, #tpu.memory_space<hbm>>
        %dma_start3A_70 = tpu.memref_squeeze %dma_start3A_69 : memref<1x1x3136xf32, #tpu.memory_space<hbm>> -> memref<3136xf32, #tpu.memory_space<hbm>>
        tpu.enqueue_dma source(%arg12 : memref<3136xf32, #tpu.memory_space<vmem>>) target(%dma_start3A_70 : memref<3136xf32, #tpu.memory_space<hbm>>) target_semaphore(%run_scoped3A : memref<!tpu.dma_semaphore, #tpu.memory_space<semaphore_mem>>)
        %dma_wait3A = arith.constant 0 : i32
        %dma_wait3A_71 = tpu.memref_slice %arg6[%add3A, %add3A_64, %dma_wait3A] : memref<32x256x3136xf32, #tpu.memory_space<hbm>> -> memref<1x1x3136xf32, #tpu.memory_space<hbm>>
        %dma_wait3A_72 = tpu.memref_squeeze %dma_wait3A_71 : memref<1x1x3136xf32, #tpu.memory_space<hbm>> -> memref<3136xf32, #tpu.memory_space<hbm>>
        %dma_wait3A_73 = arith.constant 0 : i32
        %dma_wait3A_74 = tpu.memref_slice %arg6[%add3A, %add3A_64, %dma_wait3A_73] : memref<32x256x3136xf32, #tpu.memory_space<hbm>> -> memref<1x1x3136xf32, #tpu.memory_space<hbm>>
        %dma_wait3A_75 = tpu.memref_squeeze %dma_wait3A_74 : memref<1x1x3136xf32, #tpu.memory_space<hbm>> -> memref<3136xf32, #tpu.memory_space<hbm>>
        tpu.wait_dma2 semaphore(%run_scoped3A : memref<!tpu.dma_semaphore, #tpu.memory_space<semaphore_mem>>) src(%arg12 : memref<3136xf32, #tpu.memory_space<vmem>>) dst(%dma_wait3A_75 : memref<3136xf32, #tpu.memory_space<hbm>>)
        tpu.yield
      }) : () -> ()
      %scan3A_65 = arith.constant 0 : i32
      scf.yield %scan3A_65 : i32
    }
    %scan3A_44 = arith.constant 64 : i32
    "tpu.region"() ({
      %run_scoped3A = tpu.sem_alloc : memref<!tpu.dma_semaphore, #tpu.memory_space<semaphore_mem>>
      %dma_start3A = arith.constant 65536 : i32
      %dma_start3A_52 = tpu.memref_slice %arg5[%dma_start3A] : memref<131072xf32, #tpu.memory_space<hbm>> -> memref<65536xf32, #tpu.memory_space<hbm>>
      %dma_start3A_53 = arith.constant 65536 : i32
      %dma_start3A_54 = tpu.memref_slice %arg5[%dma_start3A_53] : memref<131072xf32, #tpu.memory_space<hbm>> -> memref<65536xf32, #tpu.memory_space<hbm>>
      tpu.enqueue_dma source(%dma_start3A_54 : memref<65536xf32, #tpu.memory_space<hbm>>) target(%arg11 : memref<65536xf32, #tpu.memory_space<vmem>>) target_semaphore(%run_scoped3A : memref<!tpu.dma_semaphore, #tpu.memory_space<semaphore_mem>>)
      %dma_wait3A = arith.constant 65536 : i32
      %dma_wait3A_55 = tpu.memref_slice %arg5[%dma_wait3A] : memref<131072xf32, #tpu.memory_space<hbm>> -> memref<65536xf32, #tpu.memory_space<hbm>>
      %dma_wait3A_56 = arith.constant 65536 : i32
      %dma_wait3A_57 = tpu.memref_slice %arg5[%dma_wait3A_56] : memref<131072xf32, #tpu.memory_space<hbm>> -> memref<65536xf32, #tpu.memory_space<hbm>>
      tpu.wait_dma2 semaphore(%run_scoped3A : memref<!tpu.dma_semaphore, #tpu.memory_space<semaphore_mem>>) src(%dma_wait3A_57 : memref<65536xf32, #tpu.memory_space<hbm>>) dst(%arg11 : memref<65536xf32, #tpu.memory_space<vmem>>)
      tpu.yield
    }) : () -> ()
    %scan3A_45 = arith.constant 0 : i32
    %scan3A_46 = arith.constant 0 : i32
    %scan3A_47 = arith.constant 64 : i32
    %scan3A_48 = arith.addi %scan3A_46, %scan3A_47 : i32
    %scan3A_49 = arith.constant 1 : i32
    %scan3A_50 = scf.for %scan3A_52 = %scan3A_46 to %scan3A_48 step %scan3A_49 iter_args(%scan3A_53 = %scan3A_45) -> (i32)  : i32 {
      %mul3A_54 = arith.constant 1024 : i32
      %mul3A_55 = arith.muli %scan3A_52, %mul3A_54 : i32
      %scan3A_56 = arith.constant 0 : i32
      %scan3A_57 = arith.constant 0 : i32
      %scan3A_58 = arith.constant 196 : i32
      %scan3A_59 = arith.addi %scan3A_57, %scan3A_58 : i32
      %scan3A_60 = arith.constant 1 : i32
      %scan3A_61 = scf.for %scan3A_66 = %scan3A_57 to %scan3A_59 step %scan3A_60 iter_args(%scan3A_67 = %scan3A_56) -> (i32)  : i32 {
        %mul3A_68 = arith.constant 16 : i32
        %mul3A_69 = arith.muli %scan3A_66, %mul3A_68 : i32
        %get3A = arith.index_cast %mul3A_69 : i32 to index
        %get3A_70 = tpu.vector_load %arg10[%get3A] {strides = array<i32>} : memref<3136xi32, #tpu.memory_space<vmem>>, vector<16xi32>,
        %add3A_71 = vector.broadcast %mul3A_55 : i32 to vector<16xi32>
        %add3A_72 = arith.addi %add3A_71, %get3A_70 : vector<16xi32>
        %gather3A = tpu.vector_load_idx %arg11[%add3A_72] : memref<65536xf32, #tpu.memory_space<vmem>>[vector<16xi32>], vector<16xf32>,
        %mul3A_73 = arith.constant 16 : i32
        %mul3A_74 = arith.muli %scan3A_66, %mul3A_73 : i32
        %swap3A = arith.index_cast %mul3A_74 : i32 to index
        %swap3A_75 = tpu.vector_load %arg12[%swap3A] {strides = array<i32>} : memref<3136xf32, #tpu.memory_space<vmem>>, vector<16xf32>,
        tpu.vector_store %arg12[%swap3A], %gather3A {strides = array<i32>} : memref<3136xf32, #tpu.memory_space<vmem>>, vector<16xf32>,
        %scan3A_76 = arith.constant 0 : i32
        scf.yield %scan3A_76 : i32
      }
      %scan3A_62 = arith.constant 196 : i32
      %add3A_63 = arith.constant 192 : i32
      %add3A_64 = arith.addi %add3A_63, %scan3A_52 : i32
      "tpu.region"() ({
        %run_scoped3A = tpu.sem_alloc : memref<!tpu.dma_semaphore, #tpu.memory_space<semaphore_mem>>
        %dma_start3A = arith.constant 0 : i32
        %dma_start3A_66 = tpu.memref_slice %arg6[%add3A, %add3A_64, %dma_start3A] : memref<32x256x3136xf32, #tpu.memory_space<hbm>> -> memref<1x1x3136xf32, #tpu.memory_space<hbm>>
        %dma_start3A_67 = tpu.memref_squeeze %dma_start3A_66 : memref<1x1x3136xf32, #tpu.memory_space<hbm>> -> memref<3136xf32, #tpu.memory_space<hbm>>
        %dma_start3A_68 = arith.constant 0 : i32
        %dma_start3A_69 = tpu.memref_slice %arg6[%add3A, %add3A_64, %dma_start3A_68] : memref<32x256x3136xf32, #tpu.memory_space<hbm>> -> memref<1x1x3136xf32, #tpu.memory_space<hbm>>
        %dma_start3A_70 = tpu.memref_squeeze %dma_start3A_69 : memref<1x1x3136xf32, #tpu.memory_space<hbm>> -> memref<3136xf32, #tpu.memory_space<hbm>>
        tpu.enqueue_dma source(%arg12 : memref<3136xf32, #tpu.memory_space<vmem>>) target(%dma_start3A_70 : memref<3136xf32, #tpu.memory_space<hbm>>) target_semaphore(%run_scoped3A : memref<!tpu.dma_semaphore, #tpu.memory_space<semaphore_mem>>)
        %dma_wait3A = arith.constant 0 : i32
        %dma_wait3A_71 = tpu.memref_slice %arg6[%add3A, %add3A_64, %dma_wait3A] : memref<32x256x3136xf32, #tpu.memory_space<hbm>> -> memref<1x1x3136xf32, #tpu.memory_space<hbm>>
        %dma_wait3A_72 = tpu.memref_squeeze %dma_wait3A_71 : memref<1x1x3136xf32, #tpu.memory_space<hbm>> -> memref<3136xf32, #tpu.memory_space<hbm>>
        %dma_wait3A_73 = arith.constant 0 : i32
        %dma_wait3A_74 = tpu.memref_slice %arg6[%add3A, %add3A_64, %dma_wait3A_73] : memref<32x256x3136xf32, #tpu.memory_space<hbm>> -> memref<1x1x3136xf32, #tpu.memory_space<hbm>>
        %dma_wait3A_75 = tpu.memref_squeeze %dma_wait3A_74 : memref<1x1x3136xf32, #tpu.memory_space<hbm>> -> memref<3136xf32, #tpu.memory_space<hbm>>
        tpu.wait_dma2 semaphore(%run_scoped3A : memref<!tpu.dma_semaphore, #tpu.memory_space<semaphore_mem>>) src(%arg12 : memref<3136xf32, #tpu.memory_space<vmem>>) dst(%dma_wait3A_75 : memref<3136xf32, #tpu.memory_space<hbm>>)
        tpu.yield
      }) : () -> ()
      %scan3A_65 = arith.constant 0 : i32
      scf.yield %scan3A_65 : i32
    }
    %scan3A_51 = arith.constant 64 : i32
    return
  }
}

module attributes {stable_mosaic.version = 14 : i64} {
  func.func @_ka_body(%arg0: i32, %arg1: memref<1024x48xf32, #tpu.memory_space<vmem>>, %arg2: memref<48x128xf32, #tpu.memory_space<vmem>>, %arg3: memref<1x128xf32, #tpu.memory_space<vmem>>, %arg4: memref<1024x128xf32, #tpu.memory_space<vmem>>) attributes {dimension_semantics = [#tpu.dimension_semantics<arbitrary>], iteration_bounds = array<i64: 392>, scalar_prefetch = 0 : i64, scratch_operands = 0 : i64, tpu.core_type = #tpu.core_type<tc>, window_params = [{transform_indices = @transform_0, window_bounds = array<i64: 1024, 48>}, {pipeline_mode = #tpu.pipeline_mode<synchronous>, transform_indices = @transform_1, window_bounds = array<i64: 48, 128>}, {pipeline_mode = #tpu.pipeline_mode<synchronous>, transform_indices = @transform_2, window_bounds = array<i64: 1, 128>}, {transform_indices = @transform_3, window_bounds = array<i64: 1024, 128>}]} {
    %get3A = arith.constant 0 : index
    %get3A_0 = arith.constant 0 : index
    %get3A_1 = vector.load %arg2[%get3A, %get3A_0] : memref<48x128xf32, #tpu.memory_space<vmem>>, vector<48x128xf32>
    %get3A_2 = arith.constant 0 : index
    %get3A_3 = arith.constant 0 : index
    %get3A_4 = vector.load %arg3[%get3A_2, %get3A_3] : memref<1x128xf32, #tpu.memory_space<vmem>>, vector<1x128xf32>
    %get3A_5 = arith.constant 0 : index
    %get3A_6 = arith.constant 0 : index
    %get3A_7 = vector.load %arg1[%get3A_5, %get3A_6] : memref<1024x48xf32, #tpu.memory_space<vmem>>, vector<256x48xf32>
    %dot_general3A = arith.constant dense<0.000000e+00> : vector<256x128xf32>
    %dot_general3A_8 = tpu.matmul %get3A_7, %get3A_1, %dot_general3A {dimension_numbers = #tpu.dot_dimension_numbers<[1], [0], [0], [1], [0, 0, 1, 1], [], []>, transpose_lhs_hint = false} : vector<256x48xf32>, vector<48x128xf32>, vector<256x128xf32> -> vector<256x128xf32>
    %add3A = vector.broadcast %get3A_4 : vector<1x128xf32> to vector<256x128xf32>
    %add3A_9 = arith.addf %dot_general3A_8, %add3A : vector<256x128xf32>
    %max3A = arith.constant 0.000000e+00 : f32
    %max3A_10 = vector.broadcast %max3A : f32 to vector<256x128xf32>
    %max3A_11 = arith.maximumf %add3A_9, %max3A_10 : vector<256x128xf32>
    %swap3A = arith.constant 0 : index
    %swap3A_12 = arith.constant 0 : index
    %swap3A_13 = vector.load %arg4[%swap3A, %swap3A_12] : memref<1024x128xf32, #tpu.memory_space<vmem>>, vector<256x128xf32>
    tpu.vector_store %arg4[%swap3A, %swap3A_12], %max3A_11 {strides = array<i32>} : memref<1024x128xf32, #tpu.memory_space<vmem>>, vector<256x128xf32>,
    %get3A_14 = arith.constant 256 : index
    %get3A_15 = arith.constant 0 : index
    %get3A_16 = vector.load %arg1[%get3A_14, %get3A_15] : memref<1024x48xf32, #tpu.memory_space<vmem>>, vector<256x48xf32>
    %dot_general3A_17 = arith.constant dense<0.000000e+00> : vector<256x128xf32>
    %dot_general3A_18 = tpu.matmul %get3A_16, %get3A_1, %dot_general3A_17 {dimension_numbers = #tpu.dot_dimension_numbers<[1], [0], [0], [1], [0, 0, 1, 1], [], []>, transpose_lhs_hint = false} : vector<256x48xf32>, vector<48x128xf32>, vector<256x128xf32> -> vector<256x128xf32>
    %add3A_19 = vector.broadcast %get3A_4 : vector<1x128xf32> to vector<256x128xf32>
    %add3A_20 = arith.addf %dot_general3A_18, %add3A_19 : vector<256x128xf32>
    %max3A_21 = arith.constant 0.000000e+00 : f32
    %max3A_22 = vector.broadcast %max3A_21 : f32 to vector<256x128xf32>
    %max3A_23 = arith.maximumf %add3A_20, %max3A_22 : vector<256x128xf32>
    %swap3A_24 = arith.constant 256 : index
    %swap3A_25 = arith.constant 0 : index
    %swap3A_26 = vector.load %arg4[%swap3A_24, %swap3A_25] : memref<1024x128xf32, #tpu.memory_space<vmem>>, vector<256x128xf32>
    tpu.vector_store %arg4[%swap3A_24, %swap3A_25], %max3A_23 {strides = array<i32>} : memref<1024x128xf32, #tpu.memory_space<vmem>>, vector<256x128xf32>,
    %get3A_27 = arith.constant 512 : index
    %get3A_28 = arith.constant 0 : index
    %get3A_29 = vector.load %arg1[%get3A_27, %get3A_28] : memref<1024x48xf32, #tpu.memory_space<vmem>>, vector<256x48xf32>
    %dot_general3A_30 = arith.constant dense<0.000000e+00> : vector<256x128xf32>
    %dot_general3A_31 = tpu.matmul %get3A_29, %get3A_1, %dot_general3A_30 {dimension_numbers = #tpu.dot_dimension_numbers<[1], [0], [0], [1], [0, 0, 1, 1], [], []>, transpose_lhs_hint = false} : vector<256x48xf32>, vector<48x128xf32>, vector<256x128xf32> -> vector<256x128xf32>
    %add3A_32 = vector.broadcast %get3A_4 : vector<1x128xf32> to vector<256x128xf32>
    %add3A_33 = arith.addf %dot_general3A_31, %add3A_32 : vector<256x128xf32>
    %max3A_34 = arith.constant 0.000000e+00 : f32
    %max3A_35 = vector.broadcast %max3A_34 : f32 to vector<256x128xf32>
    %max3A_36 = arith.maximumf %add3A_33, %max3A_35 : vector<256x128xf32>
    %swap3A_37 = arith.constant 512 : index
    %swap3A_38 = arith.constant 0 : index
    %swap3A_39 = vector.load %arg4[%swap3A_37, %swap3A_38] : memref<1024x128xf32, #tpu.memory_space<vmem>>, vector<256x128xf32>
    tpu.vector_store %arg4[%swap3A_37, %swap3A_38], %max3A_36 {strides = array<i32>} : memref<1024x128xf32, #tpu.memory_space<vmem>>, vector<256x128xf32>,
    %get3A_40 = arith.constant 768 : index
    %get3A_41 = arith.constant 0 : index
    %get3A_42 = vector.load %arg1[%get3A_40, %get3A_41] : memref<1024x48xf32, #tpu.memory_space<vmem>>, vector<256x48xf32>
    %dot_general3A_43 = arith.constant dense<0.000000e+00> : vector<256x128xf32>
    %dot_general3A_44 = tpu.matmul %get3A_42, %get3A_1, %dot_general3A_43 {dimension_numbers = #tpu.dot_dimension_numbers<[1], [0], [0], [1], [0, 0, 1, 1], [], []>, transpose_lhs_hint = false} : vector<256x48xf32>, vector<48x128xf32>, vector<256x128xf32> -> vector<256x128xf32>
    %add3A_45 = vector.broadcast %get3A_4 : vector<1x128xf32> to vector<256x128xf32>
    %add3A_46 = arith.addf %dot_general3A_44, %add3A_45 : vector<256x128xf32>
    %max3A_47 = arith.constant 0.000000e+00 : f32
    %max3A_48 = vector.broadcast %max3A_47 : f32 to vector<256x128xf32>
    %max3A_49 = arith.maximumf %add3A_46, %max3A_48 : vector<256x128xf32>
    %swap3A_50 = arith.constant 768 : index
    %swap3A_51 = arith.constant 0 : index
    %swap3A_52 = vector.load %arg4[%swap3A_50, %swap3A_51] : memref<1024x128xf32, #tpu.memory_space<vmem>>, vector<256x128xf32>
    tpu.vector_store %arg4[%swap3A_50, %swap3A_51], %max3A_49 {strides = array<i32>} : memref<1024x128xf32, #tpu.memory_space<vmem>>, vector<256x128xf32>,
    return
  }
  func.func @transform_0(%arg0: i32) -> (i32, i32) {
    %c0_i32 = arith.constant 0 : i32
    %c0_i32_0 = arith.constant 0 : i32
    return %arg0, %c0_i32 : i32, i32
  }
  func.func @transform_1(%arg0: i32) -> (i32, i32) {
    %c0_i32 = arith.constant 0 : i32
    %c0_i32_0 = arith.constant 0 : i32
    %c0_i32_1 = arith.constant 0 : i32
    return %c0_i32, %c0_i32_0 : i32, i32
  }
  func.func @transform_2(%arg0: i32) -> (i32, i32) {
    %c0_i32 = arith.constant 0 : i32
    %c0_i32_0 = arith.constant 0 : i32
    %c0_i32_1 = arith.constant 0 : i32
    return %c0_i32, %c0_i32_0 : i32, i32
  }
  func.func @transform_3(%arg0: i32) -> (i32, i32) {
    %c0_i32 = arith.constant 0 : i32
    %c0_i32_0 = arith.constant 0 : i32
    return %arg0, %c0_i32 : i32, i32
  }
}

module attributes {stable_mosaic.version = 14 : i64} {
  func.func @_kb_body(%arg0: i32, %arg1: i32, %arg2: memref<1x57x57x512xf32, #tpu.memory_space<vmem>>, %arg3: memref<2x2x512x256xf32, #tpu.memory_space<vmem>>, %arg4: memref<1x256xf32, #tpu.memory_space<vmem>>, %arg5: memref<128x1024xf32, #tpu.memory_space<vmem>>, %arg6: memref<128x1024xf32, #tpu.memory_space<vmem>>, %arg7: memref<1x448x1xi32, #tpu.memory_space<vmem>>, %arg8: memref<1x448x1xi32, #tpu.memory_space<vmem>>, %arg9: memref<1x2xf32, #tpu.memory_space<vmem>>, %arg10: memref<448x256xf32, #tpu.memory_space<vmem>>) attributes {dimension_semantics = [#tpu.dimension_semantics<arbitrary>, #tpu.dimension_semantics<arbitrary>], iteration_bounds = array<i64: 32, 7>, scalar_prefetch = 0 : i64, scratch_operands = 1 : i64, tpu.core_type = #tpu.core_type<tc>, window_params = [{transform_indices = @transform_0, window_bounds = array<i64: 1, 57, 57, 512>}, {pipeline_mode = #tpu.pipeline_mode<synchronous>, transform_indices = @transform_1, window_bounds = array<i64: 2, 2, 512, 256>}, {pipeline_mode = #tpu.pipeline_mode<synchronous>, transform_indices = @transform_2, window_bounds = array<i64: 1, 256>}, {pipeline_mode = #tpu.pipeline_mode<synchronous>, transform_indices = @transform_3, window_bounds = array<i64: 128, 1024>}, {pipeline_mode = #tpu.pipeline_mode<synchronous>, transform_indices = @transform_4, window_bounds = array<i64: 128, 1024>}, {transform_indices = @transform_5, window_bounds = array<i64: 1, 448, 1>}, {transform_indices = @transform_6, window_bounds = array<i64: 1, 448, 1>}, {pipeline_mode = #tpu.pipeline_mode<synchronous>, transform_indices = @transform_7, window_bounds = array<i64: 1, 2>}]} {
    %eq3A = arith.constant 0 : i32
    %eq3A_0 = arith.cmpi eq, %arg0, %eq3A : i32
    %eq3A_1 = arith.constant 0 : i32
    %eq3A_2 = arith.cmpi eq, %arg1, %eq3A_1 : i32
    %and3A = arith.andi %eq3A_0, %eq3A_2 : i1
    %convert_element_type3A = arith.extui %and3A : i1 to i32
    %cond3A = arith.constant 0 : i32
    %cond3A_3 = arith.cmpi ne, %convert_element_type3A, %cond3A : i32
    scf.if %cond3A_3 {
      %broadcast_in_dim3A_1629 = arith.constant 0.000000e+00 : f32
      %broadcast_in_dim3A_1630 = vector.broadcast %broadcast_in_dim3A_1629 : f32 to vector<1x2xf32>
      %swap3A_1631 = arith.constant 0 : index
      %swap3A_1632 = arith.constant 0 : index
      %swap3A_1633 = vector.load %arg9[%swap3A_1631, %swap3A_1632] : memref<1x2xf32, #tpu.memory_space<vmem>>, vector<1x2xf32>
      tpu.vector_store %arg9[%swap3A_1631, %swap3A_1632], %broadcast_in_dim3A_1630 {strides = array<i32>} : memref<1x2xf32, #tpu.memory_space<vmem>>, vector<1x2xf32>,
    } else {
    }
    %get3A = arith.constant 0 : index
    %get3A_4 = arith.constant 0 : index
    %get3A_5 = vector.load %arg4[%get3A, %get3A_4] : memref<1x256xf32, #tpu.memory_space<vmem>>, vector<1x256xf32>
    %get3A_6 = arith.constant 0 : index
    %get3A_7 = arith.constant 0 : index
    %get3A_8 = vector.load %arg5[%get3A_6, %get3A_7] : memref<128x1024xf32, #tpu.memory_space<vmem>>, vector<128x256xf32>
    %mul3A = arith.mulf %get3A_8, %get3A_8 : vector<128x256xf32>
    %reduce_sum3A = arith.constant dense<0.000000e+00> : vector<256xf32>
    %reduce_sum3A_9 = vector.multi_reduction <add>, %mul3A, %reduce_sum3A [0] : vector<128x256xf32> to vector<256xf32>
    %broadcast_in_dim3A = vector.shape_cast %reduce_sum3A_9 : vector<256xf32> to vector<1x256xf32>
    %get3A_10 = arith.constant 0 : index
    %get3A_11 = arith.constant 256 : index
    %get3A_12 = vector.load %arg5[%get3A_10, %get3A_11] : memref<128x1024xf32, #tpu.memory_space<vmem>>, vector<128x256xf32>
    %mul3A_13 = arith.mulf %get3A_12, %get3A_12 : vector<128x256xf32>
    %reduce_sum3A_14 = arith.constant dense<0.000000e+00> : vector<256xf32>
    %reduce_sum3A_15 = vector.multi_reduction <add>, %mul3A_13, %reduce_sum3A_14 [0] : vector<128x256xf32> to vector<256xf32>
    %broadcast_in_dim3A_16 = vector.shape_cast %reduce_sum3A_15 : vector<256xf32> to vector<1x256xf32>
    %get3A_17 = arith.constant 0 : index
    %get3A_18 = arith.constant 512 : index
    %get3A_19 = vector.load %arg5[%get3A_17, %get3A_18] : memref<128x1024xf32, #tpu.memory_space<vmem>>, vector<128x256xf32>
    %mul3A_20 = arith.mulf %get3A_19, %get3A_19 : vector<128x256xf32>
    %reduce_sum3A_21 = arith.constant dense<0.000000e+00> : vector<256xf32>
    %reduce_sum3A_22 = vector.multi_reduction <add>, %mul3A_20, %reduce_sum3A_21 [0] : vector<128x256xf32> to vector<256xf32>
    %broadcast_in_dim3A_23 = vector.shape_cast %reduce_sum3A_22 : vector<256xf32> to vector<1x256xf32>
    %get3A_24 = arith.constant 0 : index
    %get3A_25 = arith.constant 768 : index
    %get3A_26 = vector.load %arg5[%get3A_24, %get3A_25] : memref<128x1024xf32, #tpu.memory_space<vmem>>, vector<128x256xf32>
    %mul3A_27 = arith.mulf %get3A_26, %get3A_26 : vector<128x256xf32>
    %reduce_sum3A_28 = arith.constant dense<0.000000e+00> : vector<256xf32>
    %reduce_sum3A_29 = vector.multi_reduction <add>, %mul3A_27, %reduce_sum3A_28 [0] : vector<128x256xf32> to vector<256xf32>
    %broadcast_in_dim3A_30 = vector.shape_cast %reduce_sum3A_29 : vector<256xf32> to vector<1x256xf32>
    %get3A_31 = arith.constant 0 : index
    %get3A_32 = arith.constant 0 : index
    %get3A_33 = vector.load %arg6[%get3A_31, %get3A_32] : memref<128x1024xf32, #tpu.memory_space<vmem>>, vector<128x256xf32>
    %mul3A_34 = arith.mulf %get3A_33, %get3A_33 : vector<128x256xf32>
    %reduce_sum3A_35 = arith.constant dense<0.000000e+00> : vector<256xf32>
    %reduce_sum3A_36 = vector.multi_reduction <add>, %mul3A_34, %reduce_sum3A_35 [0] : vector<128x256xf32> to vector<256xf32>
    %broadcast_in_dim3A_37 = vector.shape_cast %reduce_sum3A_36 : vector<256xf32> to vector<1x256xf32>
    %get3A_38 = arith.constant 0 : index
    %get3A_39 = arith.constant 256 : index
    %get3A_40 = vector.load %arg6[%get3A_38, %get3A_39] : memref<128x1024xf32, #tpu.memory_space<vmem>>, vector<128x256xf32>
    %mul3A_41 = arith.mulf %get3A_40, %get3A_40 : vector<128x256xf32>
    %reduce_sum3A_42 = arith.constant dense<0.000000e+00> : vector<256xf32>
    %reduce_sum3A_43 = vector.multi_reduction <add>, %mul3A_41, %reduce_sum3A_42 [0] : vector<128x256xf32> to vector<256xf32>
    %broadcast_in_dim3A_44 = vector.shape_cast %reduce_sum3A_43 : vector<256xf32> to vector<1x256xf32>
    %get3A_45 = arith.constant 0 : index
    %get3A_46 = arith.constant 512 : index
    %get3A_47 = vector.load %arg6[%get3A_45, %get3A_46] : memref<128x1024xf32, #tpu.memory_space<vmem>>, vector<128x256xf32>
    %mul3A_48 = arith.mulf %get3A_47, %get3A_47 : vector<128x256xf32>
    %reduce_sum3A_49 = arith.constant dense<0.000000e+00> : vector<256xf32>
    %reduce_sum3A_50 = vector.multi_reduction <add>, %mul3A_48, %reduce_sum3A_49 [0] : vector<128x256xf32> to vector<256xf32>
    %broadcast_in_dim3A_51 = vector.shape_cast %reduce_sum3A_50 : vector<256xf32> to vector<1x256xf32>
    %get3A_52 = arith.constant 0 : index
    %get3A_53 = arith.constant 768 : index
    %get3A_54 = vector.load %arg6[%get3A_52, %get3A_53] : memref<128x1024xf32, #tpu.memory_space<vmem>>, vector<128x256xf32>
    %mul3A_55 = arith.mulf %get3A_54, %get3A_54 : vector<128x256xf32>
    %reduce_sum3A_56 = arith.constant dense<0.000000e+00> : vector<256xf32>
    %reduce_sum3A_57 = vector.multi_reduction <add>, %mul3A_55, %reduce_sum3A_56 [0] : vector<128x256xf32> to vector<256xf32>
    %broadcast_in_dim3A_58 = vector.shape_cast %reduce_sum3A_57 : vector<256xf32> to vector<1x256xf32>
    %broadcast_in_dim3A_59 = arith.constant 0.000000e+00 : f32
    %broadcast_in_dim3A_60 = vector.broadcast %broadcast_in_dim3A_59 : f32 to vector<112x256xf32>
    %mul3A_61 = arith.constant 8 : i32
    %mul3A_62 = arith.muli %arg1, %mul3A_61 : i32
    %add3A = arith.constant 0 : i32
    %add3A_63 = arith.addi %mul3A_62, %add3A : i32
    %add3A_64 = arith.constant 0 : i32
    %add3A_65 = arith.addi %add3A_63, %add3A_64 : i32
    %get3A_66 = arith.constant 0 : index
    %get3A_67 = arith.index_cast %add3A_65 : i32 to index
    %get3A_68 = arith.constant 0 : index
    %get3A_69 = arith.constant 0 : index
    %get3A_70 = vector.load %arg2[%get3A_66, %get3A_67, %get3A_68, %get3A_69] : memref<1x57x57x512xf32, #tpu.memory_space<vmem>>, vector<1x2x56x512xf32>
    %get3A_71 = vector.shape_cast %get3A_70 : vector<1x2x56x512xf32> to vector<2x56x512xf32>
    %reshape3A = vector.shape_cast %get3A_71 : vector<2x56x512xf32> to vector<112x512xf32>
    %get3A_72 = arith.constant 0 : index
    %get3A_73 = arith.constant 0 : index
    %get3A_74 = arith.constant 0 : index
    %get3A_75 = arith.constant 0 : index
    %get3A_76 = vector.load %arg3[%get3A_72, %get3A_73, %get3A_74, %get3A_75] : memref<2x2x512x256xf32, #tpu.memory_space<vmem>>, vector<1x1x512x256xf32>
    %get3A_77 = vector.shape_cast %get3A_76 : vector<1x1x512x256xf32> to vector<512x256xf32>
    %dot_general3A = arith.constant dense<0.000000e+00> : vector<112x256xf32>
    %dot_general3A_78 = tpu.matmul %reshape3A, %get3A_77, %dot_general3A {dimension_numbers = #tpu.dot_dimension_numbers<[1], [0], [0], [1], [0, 0, 1, 1], [], []>, transpose_lhs_hint = false} : vector<112x512xf32>, vector<512x256xf32>, vector<112x256xf32> -> vector<112x256xf32>
    %add3A_79 = arith.addf %broadcast_in_dim3A_60, %dot_general3A_78 : vector<112x256xf32>
    %mul3A_80 = arith.constant 8 : i32
    %mul3A_81 = arith.muli %arg1, %mul3A_80 : i32
    %add3A_82 = arith.constant 0 : i32
    %add3A_83 = arith.addi %mul3A_81, %add3A_82 : i32
    %add3A_84 = arith.constant 0 : i32
    %add3A_85 = arith.addi %add3A_83, %add3A_84 : i32
    %get3A_86 = arith.constant 0 : index
    %get3A_87 = arith.index_cast %add3A_85 : i32 to index
    %get3A_88 = arith.constant 1 : index
    %get3A_89 = arith.constant 0 : index
    %get3A_90 = vector.load %arg2[%get3A_86, %get3A_87, %get3A_88, %get3A_89] : memref<1x57x57x512xf32, #tpu.memory_space<vmem>>, vector<1x2x56x512xf32>
    %get3A_91 = vector.shape_cast %get3A_90 : vector<1x2x56x512xf32> to vector<2x56x512xf32>
    %reshape3A_92 = vector.shape_cast %get3A_91 : vector<2x56x512xf32> to vector<112x512xf32>
    %get3A_93 = arith.constant 0 : index
    %get3A_94 = arith.constant 1 : index
    %get3A_95 = arith.constant 0 : index
    %get3A_96 = arith.constant 0 : index
    %get3A_97 = vector.load %arg3[%get3A_93, %get3A_94, %get3A_95, %get3A_96] : memref<2x2x512x256xf32, #tpu.memory_space<vmem>>, vector<1x1x512x256xf32>
    %get3A_98 = vector.shape_cast %get3A_97 : vector<1x1x512x256xf32> to vector<512x256xf32>
    %dot_general3A_99 = arith.constant dense<0.000000e+00> : vector<112x256xf32>
    %dot_general3A_100 = tpu.matmul %reshape3A_92, %get3A_98, %dot_general3A_99 {dimension_numbers = #tpu.dot_dimension_numbers<[1], [0], [0], [1], [0, 0, 1, 1], [], []>, transpose_lhs_hint = false} : vector<112x512xf32>, vector<512x256xf32>, vector<112x256xf32> -> vector<112x256xf32>
    %add3A_101 = arith.addf %add3A_79, %dot_general3A_100 : vector<112x256xf32>
    %mul3A_102 = arith.constant 8 : i32
    %mul3A_103 = arith.muli %arg1, %mul3A_102 : i32
    %add3A_104 = arith.constant 0 : i32
    %add3A_105 = arith.addi %mul3A_103, %add3A_104 : i32
    %add3A_106 = arith.constant 1 : i32
    %add3A_107 = arith.addi %add3A_105, %add3A_106 : i32
    %get3A_108 = arith.constant 0 : index
    %get3A_109 = arith.index_cast %add3A_107 : i32 to index
    %get3A_110 = arith.constant 0 : index
    %get3A_111 = arith.constant 0 : index
    %get3A_112 = vector.load %arg2[%get3A_108, %get3A_109, %get3A_110, %get3A_111] : memref<1x57x57x512xf32, #tpu.memory_space<vmem>>, vector<1x2x56x512xf32>
    %get3A_113 = vector.shape_cast %get3A_112 : vector<1x2x56x512xf32> to vector<2x56x512xf32>
    %reshape3A_114 = vector.shape_cast %get3A_113 : vector<2x56x512xf32> to vector<112x512xf32>
    %get3A_115 = arith.constant 1 : index
    %get3A_116 = arith.constant 0 : index
    %get3A_117 = arith.constant 0 : index
    %get3A_118 = arith.constant 0 : index
    %get3A_119 = vector.load %arg3[%get3A_115, %get3A_116, %get3A_117, %get3A_118] : memref<2x2x512x256xf32, #tpu.memory_space<vmem>>, vector<1x1x512x256xf32>
    %get3A_120 = vector.shape_cast %get3A_119 : vector<1x1x512x256xf32> to vector<512x256xf32>
    %dot_general3A_121 = arith.constant dense<0.000000e+00> : vector<112x256xf32>
    %dot_general3A_122 = tpu.matmul %reshape3A_114, %get3A_120, %dot_general3A_121 {dimension_numbers = #tpu.dot_dimension_numbers<[1], [0], [0], [1], [0, 0, 1, 1], [], []>, transpose_lhs_hint = false} : vector<112x512xf32>, vector<512x256xf32>, vector<112x256xf32> -> vector<112x256xf32>
    %add3A_123 = arith.addf %add3A_101, %dot_general3A_122 : vector<112x256xf32>
    %mul3A_124 = arith.constant 8 : i32
    %mul3A_125 = arith.muli %arg1, %mul3A_124 : i32
    %add3A_126 = arith.constant 0 : i32
    %add3A_127 = arith.addi %mul3A_125, %add3A_126 : i32
    %add3A_128 = arith.constant 1 : i32
    %add3A_129 = arith.addi %add3A_127, %add3A_128 : i32
    %get3A_130 = arith.constant 0 : index
    %get3A_131 = arith.index_cast %add3A_129 : i32 to index
    %get3A_132 = arith.constant 1 : index
    %get3A_133 = arith.constant 0 : index
    %get3A_134 = vector.load %arg2[%get3A_130, %get3A_131, %get3A_132, %get3A_133] : memref<1x57x57x512xf32, #tpu.memory_space<vmem>>, vector<1x2x56x512xf32>
    %get3A_135 = vector.shape_cast %get3A_134 : vector<1x2x56x512xf32> to vector<2x56x512xf32>
    %reshape3A_136 = vector.shape_cast %get3A_135 : vector<2x56x512xf32> to vector<112x512xf32>
    %get3A_137 = arith.constant 1 : index
    %get3A_138 = arith.constant 1 : index
    %get3A_139 = arith.constant 0 : index
    %get3A_140 = arith.constant 0 : index
    %get3A_141 = vector.load %arg3[%get3A_137, %get3A_138, %get3A_139, %get3A_140] : memref<2x2x512x256xf32, #tpu.memory_space<vmem>>, vector<1x1x512x256xf32>
    %get3A_142 = vector.shape_cast %get3A_141 : vector<1x1x512x256xf32> to vector<512x256xf32>
    %dot_general3A_143 = arith.constant dense<0.000000e+00> : vector<112x256xf32>
    %dot_general3A_144 = tpu.matmul %reshape3A_136, %get3A_142, %dot_general3A_143 {dimension_numbers = #tpu.dot_dimension_numbers<[1], [0], [0], [1], [0, 0, 1, 1], [], []>, transpose_lhs_hint = false} : vector<112x512xf32>, vector<512x256xf32>, vector<112x256xf32> -> vector<112x256xf32>
    %add3A_145 = arith.addf %add3A_123, %dot_general3A_144 : vector<112x256xf32>
    %add3A_146 = vector.broadcast %get3A_5 : vector<1x256xf32> to vector<112x256xf32>
    %add3A_147 = arith.addf %add3A_145, %add3A_146 : vector<112x256xf32>
    %swap3A = arith.constant 0 : index
    %swap3A_148 = arith.constant 0 : index
    %swap3A_149 = vector.load %arg10[%swap3A, %swap3A_148] : memref<448x256xf32, #tpu.memory_space<vmem>>, vector<112x256xf32>
    tpu.vector_store %arg10[%swap3A, %swap3A_148], %add3A_147 {strides = array<i32>} : memref<448x256xf32, #tpu.memory_space<vmem>>, vector<112x256xf32>,
    %broadcast_in_dim3A_150 = arith.constant 0.000000e+00 : f32
    %broadcast_in_dim3A_151 = vector.broadcast %broadcast_in_dim3A_150 : f32 to vector<112x256xf32>
    %mul3A_152 = arith.constant 8 : i32
    %mul3A_153 = arith.muli %arg1, %mul3A_152 : i32
    %add3A_154 = arith.constant 2 : i32
    %add3A_155 = arith.addi %mul3A_153, %add3A_154 : i32
    %add3A_156 = arith.constant 0 : i32
    %add3A_157 = arith.addi %add3A_155, %add3A_156 : i32
    %get3A_158 = arith.constant 0 : index
    %get3A_159 = arith.index_cast %add3A_157 : i32 to index
    %get3A_160 = arith.constant 0 : index
    %get3A_161 = arith.constant 0 : index
    %get3A_162 = vector.load %arg2[%get3A_158, %get3A_159, %get3A_160, %get3A_161] : memref<1x57x57x512xf32, #tpu.memory_space<vmem>>, vector<1x2x56x512xf32>
    %get3A_163 = vector.shape_cast %get3A_162 : vector<1x2x56x512xf32> to vector<2x56x512xf32>
    %reshape3A_164 = vector.shape_cast %get3A_163 : vector<2x56x512xf32> to vector<112x512xf32>
    %get3A_165 = arith.constant 0 : index
    %get3A_166 = arith.constant 0 : index
    %get3A_167 = arith.constant 0 : index
    %get3A_168 = arith.constant 0 : index
    %get3A_169 = vector.load %arg3[%get3A_165, %get3A_166, %get3A_167, %get3A_168] : memref<2x2x512x256xf32, #tpu.memory_space<vmem>>, vector<1x1x512x256xf32>
    %get3A_170 = vector.shape_cast %get3A_169 : vector<1x1x512x256xf32> to vector<512x256xf32>
    %dot_general3A_171 = arith.constant dense<0.000000e+00> : vector<112x256xf32>
    %dot_general3A_172 = tpu.matmul %reshape3A_164, %get3A_170, %dot_general3A_171 {dimension_numbers = #tpu.dot_dimension_numbers<[1], [0], [0], [1], [0, 0, 1, 1], [], []>, transpose_lhs_hint = false} : vector<112x512xf32>, vector<512x256xf32>, vector<112x256xf32> -> vector<112x256xf32>
    %add3A_173 = arith.addf %broadcast_in_dim3A_151, %dot_general3A_172 : vector<112x256xf32>
    %mul3A_174 = arith.constant 8 : i32
    %mul3A_175 = arith.muli %arg1, %mul3A_174 : i32
    %add3A_176 = arith.constant 2 : i32
    %add3A_177 = arith.addi %mul3A_175, %add3A_176 : i32
    %add3A_178 = arith.constant 0 : i32
    %add3A_179 = arith.addi %add3A_177, %add3A_178 : i32
    %get3A_180 = arith.constant 0 : index
    %get3A_181 = arith.index_cast %add3A_179 : i32 to index
    %get3A_182 = arith.constant 1 : index
    %get3A_183 = arith.constant 0 : index
    %get3A_184 = vector.load %arg2[%get3A_180, %get3A_181, %get3A_182, %get3A_183] : memref<1x57x57x512xf32, #tpu.memory_space<vmem>>, vector<1x2x56x512xf32>
    %get3A_185 = vector.shape_cast %get3A_184 : vector<1x2x56x512xf32> to vector<2x56x512xf32>
    %reshape3A_186 = vector.shape_cast %get3A_185 : vector<2x56x512xf32> to vector<112x512xf32>
    %get3A_187 = arith.constant 0 : index
    %get3A_188 = arith.constant 1 : index
    %get3A_189 = arith.constant 0 : index
    %get3A_190 = arith.constant 0 : index
    %get3A_191 = vector.load %arg3[%get3A_187, %get3A_188, %get3A_189, %get3A_190] : memref<2x2x512x256xf32, #tpu.memory_space<vmem>>, vector<1x1x512x256xf32>
    %get3A_192 = vector.shape_cast %get3A_191 : vector<1x1x512x256xf32> to vector<512x256xf32>
    %dot_general3A_193 = arith.constant dense<0.000000e+00> : vector<112x256xf32>
    %dot_general3A_194 = tpu.matmul %reshape3A_186, %get3A_192, %dot_general3A_193 {dimension_numbers = #tpu.dot_dimension_numbers<[1], [0], [0], [1], [0, 0, 1, 1], [], []>, transpose_lhs_hint = false} : vector<112x512xf32>, vector<512x256xf32>, vector<112x256xf32> -> vector<112x256xf32>
    %add3A_195 = arith.addf %add3A_173, %dot_general3A_194 : vector<112x256xf32>
    %mul3A_196 = arith.constant 8 : i32
    %mul3A_197 = arith.muli %arg1, %mul3A_196 : i32
    %add3A_198 = arith.constant 2 : i32
    %add3A_199 = arith.addi %mul3A_197, %add3A_198 : i32
    %add3A_200 = arith.constant 1 : i32
    %add3A_201 = arith.addi %add3A_199, %add3A_200 : i32
    %get3A_202 = arith.constant 0 : index
    %get3A_203 = arith.index_cast %add3A_201 : i32 to index
    %get3A_204 = arith.constant 0 : index
    %get3A_205 = arith.constant 0 : index
    %get3A_206 = vector.load %arg2[%get3A_202, %get3A_203, %get3A_204, %get3A_205] : memref<1x57x57x512xf32, #tpu.memory_space<vmem>>, vector<1x2x56x512xf32>
    %get3A_207 = vector.shape_cast %get3A_206 : vector<1x2x56x512xf32> to vector<2x56x512xf32>
    %reshape3A_208 = vector.shape_cast %get3A_207 : vector<2x56x512xf32> to vector<112x512xf32>
    %get3A_209 = arith.constant 1 : index
    %get3A_210 = arith.constant 0 : index
    %get3A_211 = arith.constant 0 : index
    %get3A_212 = arith.constant 0 : index
    %get3A_213 = vector.load %arg3[%get3A_209, %get3A_210, %get3A_211, %get3A_212] : memref<2x2x512x256xf32, #tpu.memory_space<vmem>>, vector<1x1x512x256xf32>
    %get3A_214 = vector.shape_cast %get3A_213 : vector<1x1x512x256xf32> to vector<512x256xf32>
    %dot_general3A_215 = arith.constant dense<0.000000e+00> : vector<112x256xf32>
    %dot_general3A_216 = tpu.matmul %reshape3A_208, %get3A_214, %dot_general3A_215 {dimension_numbers = #tpu.dot_dimension_numbers<[1], [0], [0], [1], [0, 0, 1, 1], [], []>, transpose_lhs_hint = false} : vector<112x512xf32>, vector<512x256xf32>, vector<112x256xf32> -> vector<112x256xf32>
    %add3A_217 = arith.addf %add3A_195, %dot_general3A_216 : vector<112x256xf32>
    %mul3A_218 = arith.constant 8 : i32
    %mul3A_219 = arith.muli %arg1, %mul3A_218 : i32
    %add3A_220 = arith.constant 2 : i32
    %add3A_221 = arith.addi %mul3A_219, %add3A_220 : i32
    %add3A_222 = arith.constant 1 : i32
    %add3A_223 = arith.addi %add3A_221, %add3A_222 : i32
    %get3A_224 = arith.constant 0 : index
    %get3A_225 = arith.index_cast %add3A_223 : i32 to index
    %get3A_226 = arith.constant 1 : index
    %get3A_227 = arith.constant 0 : index
    %get3A_228 = vector.load %arg2[%get3A_224, %get3A_225, %get3A_226, %get3A_227] : memref<1x57x57x512xf32, #tpu.memory_space<vmem>>, vector<1x2x56x512xf32>
    %get3A_229 = vector.shape_cast %get3A_228 : vector<1x2x56x512xf32> to vector<2x56x512xf32>
    %reshape3A_230 = vector.shape_cast %get3A_229 : vector<2x56x512xf32> to vector<112x512xf32>
    %get3A_231 = arith.constant 1 : index
    %get3A_232 = arith.constant 1 : index
    %get3A_233 = arith.constant 0 : index
    %get3A_234 = arith.constant 0 : index
    %get3A_235 = vector.load %arg3[%get3A_231, %get3A_232, %get3A_233, %get3A_234] : memref<2x2x512x256xf32, #tpu.memory_space<vmem>>, vector<1x1x512x256xf32>
    %get3A_236 = vector.shape_cast %get3A_235 : vector<1x1x512x256xf32> to vector<512x256xf32>
    %dot_general3A_237 = arith.constant dense<0.000000e+00> : vector<112x256xf32>
    %dot_general3A_238 = tpu.matmul %reshape3A_230, %get3A_236, %dot_general3A_237 {dimension_numbers = #tpu.dot_dimension_numbers<[1], [0], [0], [1], [0, 0, 1, 1], [], []>, transpose_lhs_hint = false} : vector<112x512xf32>, vector<512x256xf32>, vector<112x256xf32> -> vector<112x256xf32>
    %add3A_239 = arith.addf %add3A_217, %dot_general3A_238 : vector<112x256xf32>
    %add3A_240 = vector.broadcast %get3A_5 : vector<1x256xf32> to vector<112x256xf32>
    %add3A_241 = arith.addf %add3A_239, %add3A_240 : vector<112x256xf32>
    %swap3A_242 = arith.constant 112 : index
    %swap3A_243 = arith.constant 0 : index
    %swap3A_244 = vector.load %arg10[%swap3A_242, %swap3A_243] : memref<448x256xf32, #tpu.memory_space<vmem>>, vector<112x256xf32>
    tpu.vector_store %arg10[%swap3A_242, %swap3A_243], %add3A_241 {strides = array<i32>} : memref<448x256xf32, #tpu.memory_space<vmem>>, vector<112x256xf32>,
    %broadcast_in_dim3A_245 = arith.constant 0.000000e+00 : f32
    %broadcast_in_dim3A_246 = vector.broadcast %broadcast_in_dim3A_245 : f32 to vector<112x256xf32>
    %mul3A_247 = arith.constant 8 : i32
    %mul3A_248 = arith.muli %arg1, %mul3A_247 : i32
    %add3A_249 = arith.constant 4 : i32
    %add3A_250 = arith.addi %mul3A_248, %add3A_249 : i32
    %add3A_251 = arith.constant 0 : i32
    %add3A_252 = arith.addi %add3A_250, %add3A_251 : i32
    %get3A_253 = arith.constant 0 : index
    %get3A_254 = arith.index_cast %add3A_252 : i32 to index
    %get3A_255 = arith.constant 0 : index
    %get3A_256 = arith.constant 0 : index
    %get3A_257 = vector.load %arg2[%get3A_253, %get3A_254, %get3A_255, %get3A_256] : memref<1x57x57x512xf32, #tpu.memory_space<vmem>>, vector<1x2x56x512xf32>
    %get3A_258 = vector.shape_cast %get3A_257 : vector<1x2x56x512xf32> to vector<2x56x512xf32>
    %reshape3A_259 = vector.shape_cast %get3A_258 : vector<2x56x512xf32> to vector<112x512xf32>
    %get3A_260 = arith.constant 0 : index
    %get3A_261 = arith.constant 0 : index
    %get3A_262 = arith.constant 0 : index
    %get3A_263 = arith.constant 0 : index
    %get3A_264 = vector.load %arg3[%get3A_260, %get3A_261, %get3A_262, %get3A_263] : memref<2x2x512x256xf32, #tpu.memory_space<vmem>>, vector<1x1x512x256xf32>
    %get3A_265 = vector.shape_cast %get3A_264 : vector<1x1x512x256xf32> to vector<512x256xf32>
    %dot_general3A_266 = arith.constant dense<0.000000e+00> : vector<112x256xf32>
    %dot_general3A_267 = tpu.matmul %reshape3A_259, %get3A_265, %dot_general3A_266 {dimension_numbers = #tpu.dot_dimension_numbers<[1], [0], [0], [1], [0, 0, 1, 1], [], []>, transpose_lhs_hint = false} : vector<112x512xf32>, vector<512x256xf32>, vector<112x256xf32> -> vector<112x256xf32>
    %add3A_268 = arith.addf %broadcast_in_dim3A_246, %dot_general3A_267 : vector<112x256xf32>
    %mul3A_269 = arith.constant 8 : i32
    %mul3A_270 = arith.muli %arg1, %mul3A_269 : i32
    %add3A_271 = arith.constant 4 : i32
    %add3A_272 = arith.addi %mul3A_270, %add3A_271 : i32
    %add3A_273 = arith.constant 0 : i32
    %add3A_274 = arith.addi %add3A_272, %add3A_273 : i32
    %get3A_275 = arith.constant 0 : index
    %get3A_276 = arith.index_cast %add3A_274 : i32 to index
    %get3A_277 = arith.constant 1 : index
    %get3A_278 = arith.constant 0 : index
    %get3A_279 = vector.load %arg2[%get3A_275, %get3A_276, %get3A_277, %get3A_278] : memref<1x57x57x512xf32, #tpu.memory_space<vmem>>, vector<1x2x56x512xf32>
    %get3A_280 = vector.shape_cast %get3A_279 : vector<1x2x56x512xf32> to vector<2x56x512xf32>
    %reshape3A_281 = vector.shape_cast %get3A_280 : vector<2x56x512xf32> to vector<112x512xf32>
    %get3A_282 = arith.constant 0 : index
    %get3A_283 = arith.constant 1 : index
    %get3A_284 = arith.constant 0 : index
    %get3A_285 = arith.constant 0 : index
    %get3A_286 = vector.load %arg3[%get3A_282, %get3A_283, %get3A_284, %get3A_285] : memref<2x2x512x256xf32, #tpu.memory_space<vmem>>, vector<1x1x512x256xf32>
    %get3A_287 = vector.shape_cast %get3A_286 : vector<1x1x512x256xf32> to vector<512x256xf32>
    %dot_general3A_288 = arith.constant dense<0.000000e+00> : vector<112x256xf32>
    %dot_general3A_289 = tpu.matmul %reshape3A_281, %get3A_287, %dot_general3A_288 {dimension_numbers = #tpu.dot_dimension_numbers<[1], [0], [0], [1], [0, 0, 1, 1], [], []>, transpose_lhs_hint = false} : vector<112x512xf32>, vector<512x256xf32>, vector<112x256xf32> -> vector<112x256xf32>
    %add3A_290 = arith.addf %add3A_268, %dot_general3A_289 : vector<112x256xf32>
    %mul3A_291 = arith.constant 8 : i32
    %mul3A_292 = arith.muli %arg1, %mul3A_291 : i32
    %add3A_293 = arith.constant 4 : i32
    %add3A_294 = arith.addi %mul3A_292, %add3A_293 : i32
    %add3A_295 = arith.constant 1 : i32
    %add3A_296 = arith.addi %add3A_294, %add3A_295 : i32
    %get3A_297 = arith.constant 0 : index
    %get3A_298 = arith.index_cast %add3A_296 : i32 to index
    %get3A_299 = arith.constant 0 : index
    %get3A_300 = arith.constant 0 : index
    %get3A_301 = vector.load %arg2[%get3A_297, %get3A_298, %get3A_299, %get3A_300] : memref<1x57x57x512xf32, #tpu.memory_space<vmem>>, vector<1x2x56x512xf32>
    %get3A_302 = vector.shape_cast %get3A_301 : vector<1x2x56x512xf32> to vector<2x56x512xf32>
    %reshape3A_303 = vector.shape_cast %get3A_302 : vector<2x56x512xf32> to vector<112x512xf32>
    %get3A_304 = arith.constant 1 : index
    %get3A_305 = arith.constant 0 : index
    %get3A_306 = arith.constant 0 : index
    %get3A_307 = arith.constant 0 : index
    %get3A_308 = vector.load %arg3[%get3A_304, %get3A_305, %get3A_306, %get3A_307] : memref<2x2x512x256xf32, #tpu.memory_space<vmem>>, vector<1x1x512x256xf32>
    %get3A_309 = vector.shape_cast %get3A_308 : vector<1x1x512x256xf32> to vector<512x256xf32>
    %dot_general3A_310 = arith.constant dense<0.000000e+00> : vector<112x256xf32>
    %dot_general3A_311 = tpu.matmul %reshape3A_303, %get3A_309, %dot_general3A_310 {dimension_numbers = #tpu.dot_dimension_numbers<[1], [0], [0], [1], [0, 0, 1, 1], [], []>, transpose_lhs_hint = false} : vector<112x512xf32>, vector<512x256xf32>, vector<112x256xf32> -> vector<112x256xf32>
    %add3A_312 = arith.addf %add3A_290, %dot_general3A_311 : vector<112x256xf32>
    %mul3A_313 = arith.constant 8 : i32
    %mul3A_314 = arith.muli %arg1, %mul3A_313 : i32
    %add3A_315 = arith.constant 4 : i32
    %add3A_316 = arith.addi %mul3A_314, %add3A_315 : i32
    %add3A_317 = arith.constant 1 : i32
    %add3A_318 = arith.addi %add3A_316, %add3A_317 : i32
    %get3A_319 = arith.constant 0 : index
    %get3A_320 = arith.index_cast %add3A_318 : i32 to index
    %get3A_321 = arith.constant 1 : index
    %get3A_322 = arith.constant 0 : index
    %get3A_323 = vector.load %arg2[%get3A_319, %get3A_320, %get3A_321, %get3A_322] : memref<1x57x57x512xf32, #tpu.memory_space<vmem>>, vector<1x2x56x512xf32>
    %get3A_324 = vector.shape_cast %get3A_323 : vector<1x2x56x512xf32> to vector<2x56x512xf32>
    %reshape3A_325 = vector.shape_cast %get3A_324 : vector<2x56x512xf32> to vector<112x512xf32>
    %get3A_326 = arith.constant 1 : index
    %get3A_327 = arith.constant 1 : index
    %get3A_328 = arith.constant 0 : index
    %get3A_329 = arith.constant 0 : index
    %get3A_330 = vector.load %arg3[%get3A_326, %get3A_327, %get3A_328, %get3A_329] : memref<2x2x512x256xf32, #tpu.memory_space<vmem>>, vector<1x1x512x256xf32>
    %get3A_331 = vector.shape_cast %get3A_330 : vector<1x1x512x256xf32> to vector<512x256xf32>
    %dot_general3A_332 = arith.constant dense<0.000000e+00> : vector<112x256xf32>
    %dot_general3A_333 = tpu.matmul %reshape3A_325, %get3A_331, %dot_general3A_332 {dimension_numbers = #tpu.dot_dimension_numbers<[1], [0], [0], [1], [0, 0, 1, 1], [], []>, transpose_lhs_hint = false} : vector<112x512xf32>, vector<512x256xf32>, vector<112x256xf32> -> vector<112x256xf32>
    %add3A_334 = arith.addf %add3A_312, %dot_general3A_333 : vector<112x256xf32>
    %add3A_335 = vector.broadcast %get3A_5 : vector<1x256xf32> to vector<112x256xf32>
    %add3A_336 = arith.addf %add3A_334, %add3A_335 : vector<112x256xf32>
    %swap3A_337 = arith.constant 224 : index
    %swap3A_338 = arith.constant 0 : index
    %swap3A_339 = vector.load %arg10[%swap3A_337, %swap3A_338] : memref<448x256xf32, #tpu.memory_space<vmem>>, vector<112x256xf32>
    tpu.vector_store %arg10[%swap3A_337, %swap3A_338], %add3A_336 {strides = array<i32>} : memref<448x256xf32, #tpu.memory_space<vmem>>, vector<112x256xf32>,
    %broadcast_in_dim3A_340 = arith.constant 0.000000e+00 : f32
    %broadcast_in_dim3A_341 = vector.broadcast %broadcast_in_dim3A_340 : f32 to vector<112x256xf32>
    %mul3A_342 = arith.constant 8 : i32
    %mul3A_343 = arith.muli %arg1, %mul3A_342 : i32
    %add3A_344 = arith.constant 6 : i32
    %add3A_345 = arith.addi %mul3A_343, %add3A_344 : i32
    %add3A_346 = arith.constant 0 : i32
    %add3A_347 = arith.addi %add3A_345, %add3A_346 : i32
    %get3A_348 = arith.constant 0 : index
    %get3A_349 = arith.index_cast %add3A_347 : i32 to index
    %get3A_350 = arith.constant 0 : index
    %get3A_351 = arith.constant 0 : index
    %get3A_352 = vector.load %arg2[%get3A_348, %get3A_349, %get3A_350, %get3A_351] : memref<1x57x57x512xf32, #tpu.memory_space<vmem>>, vector<1x2x56x512xf32>
    %get3A_353 = vector.shape_cast %get3A_352 : vector<1x2x56x512xf32> to vector<2x56x512xf32>
    %reshape3A_354 = vector.shape_cast %get3A_353 : vector<2x56x512xf32> to vector<112x512xf32>
    %get3A_355 = arith.constant 0 : index
    %get3A_356 = arith.constant 0 : index
    %get3A_357 = arith.constant 0 : index
    %get3A_358 = arith.constant 0 : index
    %get3A_359 = vector.load %arg3[%get3A_355, %get3A_356, %get3A_357, %get3A_358] : memref<2x2x512x256xf32, #tpu.memory_space<vmem>>, vector<1x1x512x256xf32>
    %get3A_360 = vector.shape_cast %get3A_359 : vector<1x1x512x256xf32> to vector<512x256xf32>
    %dot_general3A_361 = arith.constant dense<0.000000e+00> : vector<112x256xf32>
    %dot_general3A_362 = tpu.matmul %reshape3A_354, %get3A_360, %dot_general3A_361 {dimension_numbers = #tpu.dot_dimension_numbers<[1], [0], [0], [1], [0, 0, 1, 1], [], []>, transpose_lhs_hint = false} : vector<112x512xf32>, vector<512x256xf32>, vector<112x256xf32> -> vector<112x256xf32>
    %add3A_363 = arith.addf %broadcast_in_dim3A_341, %dot_general3A_362 : vector<112x256xf32>
    %mul3A_364 = arith.constant 8 : i32
    %mul3A_365 = arith.muli %arg1, %mul3A_364 : i32
    %add3A_366 = arith.constant 6 : i32
    %add3A_367 = arith.addi %mul3A_365, %add3A_366 : i32
    %add3A_368 = arith.constant 0 : i32
    %add3A_369 = arith.addi %add3A_367, %add3A_368 : i32
    %get3A_370 = arith.constant 0 : index
    %get3A_371 = arith.index_cast %add3A_369 : i32 to index
    %get3A_372 = arith.constant 1 : index
    %get3A_373 = arith.constant 0 : index
    %get3A_374 = vector.load %arg2[%get3A_370, %get3A_371, %get3A_372, %get3A_373] : memref<1x57x57x512xf32, #tpu.memory_space<vmem>>, vector<1x2x56x512xf32>
    %get3A_375 = vector.shape_cast %get3A_374 : vector<1x2x56x512xf32> to vector<2x56x512xf32>
    %reshape3A_376 = vector.shape_cast %get3A_375 : vector<2x56x512xf32> to vector<112x512xf32>
    %get3A_377 = arith.constant 0 : index
    %get3A_378 = arith.constant 1 : index
    %get3A_379 = arith.constant 0 : index
    %get3A_380 = arith.constant 0 : index
    %get3A_381 = vector.load %arg3[%get3A_377, %get3A_378, %get3A_379, %get3A_380] : memref<2x2x512x256xf32, #tpu.memory_space<vmem>>, vector<1x1x512x256xf32>
    %get3A_382 = vector.shape_cast %get3A_381 : vector<1x1x512x256xf32> to vector<512x256xf32>
    %dot_general3A_383 = arith.constant dense<0.000000e+00> : vector<112x256xf32>
    %dot_general3A_384 = tpu.matmul %reshape3A_376, %get3A_382, %dot_general3A_383 {dimension_numbers = #tpu.dot_dimension_numbers<[1], [0], [0], [1], [0, 0, 1, 1], [], []>, transpose_lhs_hint = false} : vector<112x512xf32>, vector<512x256xf32>, vector<112x256xf32> -> vector<112x256xf32>
    %add3A_385 = arith.addf %add3A_363, %dot_general3A_384 : vector<112x256xf32>
    %mul3A_386 = arith.constant 8 : i32
    %mul3A_387 = arith.muli %arg1, %mul3A_386 : i32
    %add3A_388 = arith.constant 6 : i32
    %add3A_389 = arith.addi %mul3A_387, %add3A_388 : i32
    %add3A_390 = arith.constant 1 : i32
    %add3A_391 = arith.addi %add3A_389, %add3A_390 : i32
    %get3A_392 = arith.constant 0 : index
    %get3A_393 = arith.index_cast %add3A_391 : i32 to index
    %get3A_394 = arith.constant 0 : index
    %get3A_395 = arith.constant 0 : index
    %get3A_396 = vector.load %arg2[%get3A_392, %get3A_393, %get3A_394, %get3A_395] : memref<1x57x57x512xf32, #tpu.memory_space<vmem>>, vector<1x2x56x512xf32>
    %get3A_397 = vector.shape_cast %get3A_396 : vector<1x2x56x512xf32> to vector<2x56x512xf32>
    %reshape3A_398 = vector.shape_cast %get3A_397 : vector<2x56x512xf32> to vector<112x512xf32>
    %get3A_399 = arith.constant 1 : index
    %get3A_400 = arith.constant 0 : index
    %get3A_401 = arith.constant 0 : index
    %get3A_402 = arith.constant 0 : index
    %get3A_403 = vector.load %arg3[%get3A_399, %get3A_400, %get3A_401, %get3A_402] : memref<2x2x512x256xf32, #tpu.memory_space<vmem>>, vector<1x1x512x256xf32>
    %get3A_404 = vector.shape_cast %get3A_403 : vector<1x1x512x256xf32> to vector<512x256xf32>
    %dot_general3A_405 = arith.constant dense<0.000000e+00> : vector<112x256xf32>
    %dot_general3A_406 = tpu.matmul %reshape3A_398, %get3A_404, %dot_general3A_405 {dimension_numbers = #tpu.dot_dimension_numbers<[1], [0], [0], [1], [0, 0, 1, 1], [], []>, transpose_lhs_hint = false} : vector<112x512xf32>, vector<512x256xf32>, vector<112x256xf32> -> vector<112x256xf32>
    %add3A_407 = arith.addf %add3A_385, %dot_general3A_406 : vector<112x256xf32>
    %mul3A_408 = arith.constant 8 : i32
    %mul3A_409 = arith.muli %arg1, %mul3A_408 : i32
    %add3A_410 = arith.constant 6 : i32
    %add3A_411 = arith.addi %mul3A_409, %add3A_410 : i32
    %add3A_412 = arith.constant 1 : i32
    %add3A_413 = arith.addi %add3A_411, %add3A_412 : i32
    %get3A_414 = arith.constant 0 : index
    %get3A_415 = arith.index_cast %add3A_413 : i32 to index
    %get3A_416 = arith.constant 1 : index
    %get3A_417 = arith.constant 0 : index
    %get3A_418 = vector.load %arg2[%get3A_414, %get3A_415, %get3A_416, %get3A_417] : memref<1x57x57x512xf32, #tpu.memory_space<vmem>>, vector<1x2x56x512xf32>
    %get3A_419 = vector.shape_cast %get3A_418 : vector<1x2x56x512xf32> to vector<2x56x512xf32>
    %reshape3A_420 = vector.shape_cast %get3A_419 : vector<2x56x512xf32> to vector<112x512xf32>
    %get3A_421 = arith.constant 1 : index
    %get3A_422 = arith.constant 1 : index
    %get3A_423 = arith.constant 0 : index
    %get3A_424 = arith.constant 0 : index
    %get3A_425 = vector.load %arg3[%get3A_421, %get3A_422, %get3A_423, %get3A_424] : memref<2x2x512x256xf32, #tpu.memory_space<vmem>>, vector<1x1x512x256xf32>
    %get3A_426 = vector.shape_cast %get3A_425 : vector<1x1x512x256xf32> to vector<512x256xf32>
    %dot_general3A_427 = arith.constant dense<0.000000e+00> : vector<112x256xf32>
    %dot_general3A_428 = tpu.matmul %reshape3A_420, %get3A_426, %dot_general3A_427 {dimension_numbers = #tpu.dot_dimension_numbers<[1], [0], [0], [1], [0, 0, 1, 1], [], []>, transpose_lhs_hint = false} : vector<112x512xf32>, vector<512x256xf32>, vector<112x256xf32> -> vector<112x256xf32>
    %add3A_429 = arith.addf %add3A_407, %dot_general3A_428 : vector<112x256xf32>
    %add3A_430 = vector.broadcast %get3A_5 : vector<1x256xf32> to vector<112x256xf32>
    %add3A_431 = arith.addf %add3A_429, %add3A_430 : vector<112x256xf32>
    %swap3A_432 = arith.constant 336 : index
    %swap3A_433 = arith.constant 0 : index
    %swap3A_434 = vector.load %arg10[%swap3A_432, %swap3A_433] : memref<448x256xf32, #tpu.memory_space<vmem>>, vector<112x256xf32>
    tpu.vector_store %arg10[%swap3A_432, %swap3A_433], %add3A_431 {strides = array<i32>} : memref<448x256xf32, #tpu.memory_space<vmem>>, vector<112x256xf32>,
    %get3A_435 = arith.constant 0 : index
    %get3A_436 = arith.constant 0 : index
    %get3A_437 = vector.load %arg5[%get3A_435, %get3A_436] : memref<128x1024xf32, #tpu.memory_space<vmem>>, vector<128x256xf32>
    %get3A_438 = arith.constant 0 : index
    %get3A_439 = arith.constant 0 : index
    %get3A_440 = vector.load %arg10[%get3A_438, %get3A_439] : memref<448x256xf32, #tpu.memory_space<vmem>>, vector<112x128xf32>
    %mul3A_441 = arith.mulf %get3A_440, %get3A_440 : vector<112x128xf32>
    %reduce_sum3A_442 = arith.constant dense<0.000000e+00> : vector<112xf32>
    %reduce_sum3A_443 = vector.multi_reduction <add>, %mul3A_441, %reduce_sum3A_442 [1] : vector<112x128xf32> to vector<112xf32>
    %broadcast_in_dim3A_444 = vector.shape_cast %reduce_sum3A_443 : vector<112xf32> to vector<112x1xf32>
    %dot_general3A_445 = arith.constant dense<0.000000e+00> : vector<112x256xf32>
    %dot_general3A_446 = tpu.matmul %get3A_440, %get3A_437, %dot_general3A_445 {dimension_numbers = #tpu.dot_dimension_numbers<[1], [0], [0], [1], [0, 0, 1, 1], [], []>, transpose_lhs_hint = false} : vector<112x128xf32>, vector<128x256xf32>, vector<112x256xf32> -> vector<112x256xf32>
    %mul3A_447 = arith.constant 2.000000e+00 : f32
    %mul3A_448 = vector.broadcast %mul3A_447 : f32 to vector<112x256xf32>
    %mul3A_449 = arith.mulf %mul3A_448, %dot_general3A_446 : vector<112x256xf32>
    %sub3A = vector.broadcast %broadcast_in_dim3A_444 : vector<112x1xf32> to vector<112x256xf32>
    %sub3A_450 = arith.subf %sub3A, %mul3A_449 : vector<112x256xf32>
    %add3A_451 = vector.broadcast %broadcast_in_dim3A : vector<1x256xf32> to vector<112x256xf32>
    %add3A_452 = arith.addf %sub3A_450, %add3A_451 : vector<112x256xf32>
    %reduce_min3A = arith.constant dense<0x7F800000> : vector<112xf32>
    %reduce_min3A_453 = vector.multi_reduction <minimumf>, %add3A_452, %reduce_min3A [1] : vector<112x256xf32> to vector<112xf32>
    %broadcast_in_dim3A_454 = vector.shape_cast %reduce_min3A_453 : vector<112xf32> to vector<112x1xf32>
    %iota3A = tpu.iota {dimensions = array<i32: 1>} : vector<112x256xi32>
    %add3A_455 = arith.constant 0 : i32
    %add3A_456 = vector.broadcast %add3A_455 : i32 to vector<112x256xi32>
    %add3A_457 = arith.addi %iota3A, %add3A_456 : vector<112x256xi32>
    %eq3A_458 = vector.broadcast %broadcast_in_dim3A_454 : vector<112x1xf32> to vector<112x256xf32>
    %eq3A_459 = arith.cmpf oeq, %add3A_452, %eq3A_458 : vector<112x256xf32>
    %jit3A = arith.constant 1073741824 : i32
    %broadcast_in_dim3A_460 = vector.broadcast %jit3A : i32 to vector<112x256xi32>
    %select_n3A = arith.select %eq3A_459, %add3A_457, %broadcast_in_dim3A_460 : vector<112x256xi1>, vector<112x256xi32>
    %reduce_min3A_461 = arith.constant dense<2147483647> : vector<112xi32>
    %reduce_min3A_462 = vector.multi_reduction <minsi>, %select_n3A, %reduce_min3A_461 [1] : vector<112x256xi32> to vector<112xi32>
    %broadcast_in_dim3A_463 = vector.shape_cast %reduce_min3A_462 : vector<112xi32> to vector<112x1xi32>
    %get3A_464 = arith.constant 112 : index
    %get3A_465 = arith.constant 0 : index
    %get3A_466 = vector.load %arg10[%get3A_464, %get3A_465] : memref<448x256xf32, #tpu.memory_space<vmem>>, vector<112x128xf32>
    %mul3A_467 = arith.mulf %get3A_466, %get3A_466 : vector<112x128xf32>
    %reduce_sum3A_468 = arith.constant dense<0.000000e+00> : vector<112xf32>
    %reduce_sum3A_469 = vector.multi_reduction <add>, %mul3A_467, %reduce_sum3A_468 [1] : vector<112x128xf32> to vector<112xf32>
    %broadcast_in_dim3A_470 = vector.shape_cast %reduce_sum3A_469 : vector<112xf32> to vector<112x1xf32>
    %dot_general3A_471 = arith.constant dense<0.000000e+00> : vector<112x256xf32>
    %dot_general3A_472 = tpu.matmul %get3A_466, %get3A_437, %dot_general3A_471 {dimension_numbers = #tpu.dot_dimension_numbers<[1], [0], [0], [1], [0, 0, 1, 1], [], []>, transpose_lhs_hint = false} : vector<112x128xf32>, vector<128x256xf32>, vector<112x256xf32> -> vector<112x256xf32>
    %mul3A_473 = arith.constant 2.000000e+00 : f32
    %mul3A_474 = vector.broadcast %mul3A_473 : f32 to vector<112x256xf32>
    %mul3A_475 = arith.mulf %mul3A_474, %dot_general3A_472 : vector<112x256xf32>
    %sub3A_476 = vector.broadcast %broadcast_in_dim3A_470 : vector<112x1xf32> to vector<112x256xf32>
    %sub3A_477 = arith.subf %sub3A_476, %mul3A_475 : vector<112x256xf32>
    %add3A_478 = vector.broadcast %broadcast_in_dim3A : vector<1x256xf32> to vector<112x256xf32>
    %add3A_479 = arith.addf %sub3A_477, %add3A_478 : vector<112x256xf32>
    %reduce_min3A_480 = arith.constant dense<0x7F800000> : vector<112xf32>
    %reduce_min3A_481 = vector.multi_reduction <minimumf>, %add3A_479, %reduce_min3A_480 [1] : vector<112x256xf32> to vector<112xf32>
    %broadcast_in_dim3A_482 = vector.shape_cast %reduce_min3A_481 : vector<112xf32> to vector<112x1xf32>
    %iota3A_483 = tpu.iota {dimensions = array<i32: 1>} : vector<112x256xi32>
    %add3A_484 = arith.constant 0 : i32
    %add3A_485 = vector.broadcast %add3A_484 : i32 to vector<112x256xi32>
    %add3A_486 = arith.addi %iota3A_483, %add3A_485 : vector<112x256xi32>
    %eq3A_487 = vector.broadcast %broadcast_in_dim3A_482 : vector<112x1xf32> to vector<112x256xf32>
    %eq3A_488 = arith.cmpf oeq, %add3A_479, %eq3A_487 : vector<112x256xf32>
    %jit3A_489 = arith.constant 1073741824 : i32
    %broadcast_in_dim3A_490 = vector.broadcast %jit3A_489 : i32 to vector<112x256xi32>
    %select_n3A_491 = arith.select %eq3A_488, %add3A_486, %broadcast_in_dim3A_490 : vector<112x256xi1>, vector<112x256xi32>
    %reduce_min3A_492 = arith.constant dense<2147483647> : vector<112xi32>
    %reduce_min3A_493 = vector.multi_reduction <minsi>, %select_n3A_491, %reduce_min3A_492 [1] : vector<112x256xi32> to vector<112xi32>
    %broadcast_in_dim3A_494 = vector.shape_cast %reduce_min3A_493 : vector<112xi32> to vector<112x1xi32>
    %get3A_495 = arith.constant 224 : index
    %get3A_496 = arith.constant 0 : index
    %get3A_497 = vector.load %arg10[%get3A_495, %get3A_496] : memref<448x256xf32, #tpu.memory_space<vmem>>, vector<112x128xf32>
    %mul3A_498 = arith.mulf %get3A_497, %get3A_497 : vector<112x128xf32>
    %reduce_sum3A_499 = arith.constant dense<0.000000e+00> : vector<112xf32>
    %reduce_sum3A_500 = vector.multi_reduction <add>, %mul3A_498, %reduce_sum3A_499 [1] : vector<112x128xf32> to vector<112xf32>
    %broadcast_in_dim3A_501 = vector.shape_cast %reduce_sum3A_500 : vector<112xf32> to vector<112x1xf32>
    %dot_general3A_502 = arith.constant dense<0.000000e+00> : vector<112x256xf32>
    %dot_general3A_503 = tpu.matmul %get3A_497, %get3A_437, %dot_general3A_502 {dimension_numbers = #tpu.dot_dimension_numbers<[1], [0], [0], [1], [0, 0, 1, 1], [], []>, transpose_lhs_hint = false} : vector<112x128xf32>, vector<128x256xf32>, vector<112x256xf32> -> vector<112x256xf32>
    %mul3A_504 = arith.constant 2.000000e+00 : f32
    %mul3A_505 = vector.broadcast %mul3A_504 : f32 to vector<112x256xf32>
    %mul3A_506 = arith.mulf %mul3A_505, %dot_general3A_503 : vector<112x256xf32>
    %sub3A_507 = vector.broadcast %broadcast_in_dim3A_501 : vector<112x1xf32> to vector<112x256xf32>
    %sub3A_508 = arith.subf %sub3A_507, %mul3A_506 : vector<112x256xf32>
    %add3A_509 = vector.broadcast %broadcast_in_dim3A : vector<1x256xf32> to vector<112x256xf32>
    %add3A_510 = arith.addf %sub3A_508, %add3A_509 : vector<112x256xf32>
    %reduce_min3A_511 = arith.constant dense<0x7F800000> : vector<112xf32>
    %reduce_min3A_512 = vector.multi_reduction <minimumf>, %add3A_510, %reduce_min3A_511 [1] : vector<112x256xf32> to vector<112xf32>
    %broadcast_in_dim3A_513 = vector.shape_cast %reduce_min3A_512 : vector<112xf32> to vector<112x1xf32>
    %iota3A_514 = tpu.iota {dimensions = array<i32: 1>} : vector<112x256xi32>
    %add3A_515 = arith.constant 0 : i32
    %add3A_516 = vector.broadcast %add3A_515 : i32 to vector<112x256xi32>
    %add3A_517 = arith.addi %iota3A_514, %add3A_516 : vector<112x256xi32>
    %eq3A_518 = vector.broadcast %broadcast_in_dim3A_513 : vector<112x1xf32> to vector<112x256xf32>
    %eq3A_519 = arith.cmpf oeq, %add3A_510, %eq3A_518 : vector<112x256xf32>
    %jit3A_520 = arith.constant 1073741824 : i32
    %broadcast_in_dim3A_521 = vector.broadcast %jit3A_520 : i32 to vector<112x256xi32>
    %select_n3A_522 = arith.select %eq3A_519, %add3A_517, %broadcast_in_dim3A_521 : vector<112x256xi1>, vector<112x256xi32>
    %reduce_min3A_523 = arith.constant dense<2147483647> : vector<112xi32>
    %reduce_min3A_524 = vector.multi_reduction <minsi>, %select_n3A_522, %reduce_min3A_523 [1] : vector<112x256xi32> to vector<112xi32>
    %broadcast_in_dim3A_525 = vector.shape_cast %reduce_min3A_524 : vector<112xi32> to vector<112x1xi32>
    %get3A_526 = arith.constant 336 : index
    %get3A_527 = arith.constant 0 : index
    %get3A_528 = vector.load %arg10[%get3A_526, %get3A_527] : memref<448x256xf32, #tpu.memory_space<vmem>>, vector<112x128xf32>
    %mul3A_529 = arith.mulf %get3A_528, %get3A_528 : vector<112x128xf32>
    %reduce_sum3A_530 = arith.constant dense<0.000000e+00> : vector<112xf32>
    %reduce_sum3A_531 = vector.multi_reduction <add>, %mul3A_529, %reduce_sum3A_530 [1] : vector<112x128xf32> to vector<112xf32>
    %broadcast_in_dim3A_532 = vector.shape_cast %reduce_sum3A_531 : vector<112xf32> to vector<112x1xf32>
    %dot_general3A_533 = arith.constant dense<0.000000e+00> : vector<112x256xf32>
    %dot_general3A_534 = tpu.matmul %get3A_528, %get3A_437, %dot_general3A_533 {dimension_numbers = #tpu.dot_dimension_numbers<[1], [0], [0], [1], [0, 0, 1, 1], [], []>, transpose_lhs_hint = false} : vector<112x128xf32>, vector<128x256xf32>, vector<112x256xf32> -> vector<112x256xf32>
    %mul3A_535 = arith.constant 2.000000e+00 : f32
    %mul3A_536 = vector.broadcast %mul3A_535 : f32 to vector<112x256xf32>
    %mul3A_537 = arith.mulf %mul3A_536, %dot_general3A_534 : vector<112x256xf32>
    %sub3A_538 = vector.broadcast %broadcast_in_dim3A_532 : vector<112x1xf32> to vector<112x256xf32>
    %sub3A_539 = arith.subf %sub3A_538, %mul3A_537 : vector<112x256xf32>
    %add3A_540 = vector.broadcast %broadcast_in_dim3A : vector<1x256xf32> to vector<112x256xf32>
    %add3A_541 = arith.addf %sub3A_539, %add3A_540 : vector<112x256xf32>
    %reduce_min3A_542 = arith.constant dense<0x7F800000> : vector<112xf32>
    %reduce_min3A_543 = vector.multi_reduction <minimumf>, %add3A_541, %reduce_min3A_542 [1] : vector<112x256xf32> to vector<112xf32>
    %broadcast_in_dim3A_544 = vector.shape_cast %reduce_min3A_543 : vector<112xf32> to vector<112x1xf32>
    %iota3A_545 = tpu.iota {dimensions = array<i32: 1>} : vector<112x256xi32>
    %add3A_546 = arith.constant 0 : i32
    %add3A_547 = vector.broadcast %add3A_546 : i32 to vector<112x256xi32>
    %add3A_548 = arith.addi %iota3A_545, %add3A_547 : vector<112x256xi32>
    %eq3A_549 = vector.broadcast %broadcast_in_dim3A_544 : vector<112x1xf32> to vector<112x256xf32>
    %eq3A_550 = arith.cmpf oeq, %add3A_541, %eq3A_549 : vector<112x256xf32>
    %jit3A_551 = arith.constant 1073741824 : i32
    %broadcast_in_dim3A_552 = vector.broadcast %jit3A_551 : i32 to vector<112x256xi32>
    %select_n3A_553 = arith.select %eq3A_550, %add3A_548, %broadcast_in_dim3A_552 : vector<112x256xi1>, vector<112x256xi32>
    %reduce_min3A_554 = arith.constant dense<2147483647> : vector<112xi32>
    %reduce_min3A_555 = vector.multi_reduction <minsi>, %select_n3A_553, %reduce_min3A_554 [1] : vector<112x256xi32> to vector<112xi32>
    %broadcast_in_dim3A_556 = vector.shape_cast %reduce_min3A_555 : vector<112xi32> to vector<112x1xi32>
    %get3A_557 = arith.constant 0 : index
    %get3A_558 = arith.constant 256 : index
    %get3A_559 = vector.load %arg5[%get3A_557, %get3A_558] : memref<128x1024xf32, #tpu.memory_space<vmem>>, vector<128x256xf32>
    %get3A_560 = arith.constant 0 : index
    %get3A_561 = arith.constant 0 : index
    %get3A_562 = vector.load %arg10[%get3A_560, %get3A_561] : memref<448x256xf32, #tpu.memory_space<vmem>>, vector<112x128xf32>
    %mul3A_563 = arith.mulf %get3A_562, %get3A_562 : vector<112x128xf32>
    %reduce_sum3A_564 = arith.constant dense<0.000000e+00> : vector<112xf32>
    %reduce_sum3A_565 = vector.multi_reduction <add>, %mul3A_563, %reduce_sum3A_564 [1] : vector<112x128xf32> to vector<112xf32>
    %broadcast_in_dim3A_566 = vector.shape_cast %reduce_sum3A_565 : vector<112xf32> to vector<112x1xf32>
    %dot_general3A_567 = arith.constant dense<0.000000e+00> : vector<112x256xf32>
    %dot_general3A_568 = tpu.matmul %get3A_562, %get3A_559, %dot_general3A_567 {dimension_numbers = #tpu.dot_dimension_numbers<[1], [0], [0], [1], [0, 0, 1, 1], [], []>, transpose_lhs_hint = false} : vector<112x128xf32>, vector<128x256xf32>, vector<112x256xf32> -> vector<112x256xf32>
    %mul3A_569 = arith.constant 2.000000e+00 : f32
    %mul3A_570 = vector.broadcast %mul3A_569 : f32 to vector<112x256xf32>
    %mul3A_571 = arith.mulf %mul3A_570, %dot_general3A_568 : vector<112x256xf32>
    %sub3A_572 = vector.broadcast %broadcast_in_dim3A_566 : vector<112x1xf32> to vector<112x256xf32>
    %sub3A_573 = arith.subf %sub3A_572, %mul3A_571 : vector<112x256xf32>
    %add3A_574 = vector.broadcast %broadcast_in_dim3A_16 : vector<1x256xf32> to vector<112x256xf32>
    %add3A_575 = arith.addf %sub3A_573, %add3A_574 : vector<112x256xf32>
    %reduce_min3A_576 = arith.constant dense<0x7F800000> : vector<112xf32>
    %reduce_min3A_577 = vector.multi_reduction <minimumf>, %add3A_575, %reduce_min3A_576 [1] : vector<112x256xf32> to vector<112xf32>
    %broadcast_in_dim3A_578 = vector.shape_cast %reduce_min3A_577 : vector<112xf32> to vector<112x1xf32>
    %iota3A_579 = tpu.iota {dimensions = array<i32: 1>} : vector<112x256xi32>
    %add3A_580 = arith.constant 256 : i32
    %add3A_581 = vector.broadcast %add3A_580 : i32 to vector<112x256xi32>
    %add3A_582 = arith.addi %iota3A_579, %add3A_581 : vector<112x256xi32>
    %eq3A_583 = vector.broadcast %broadcast_in_dim3A_578 : vector<112x1xf32> to vector<112x256xf32>
    %eq3A_584 = arith.cmpf oeq, %add3A_575, %eq3A_583 : vector<112x256xf32>
    %jit3A_585 = arith.constant 1073741824 : i32
    %broadcast_in_dim3A_586 = vector.broadcast %jit3A_585 : i32 to vector<112x256xi32>
    %select_n3A_587 = arith.select %eq3A_584, %add3A_582, %broadcast_in_dim3A_586 : vector<112x256xi1>, vector<112x256xi32>
    %reduce_min3A_588 = arith.constant dense<2147483647> : vector<112xi32>
    %reduce_min3A_589 = vector.multi_reduction <minsi>, %select_n3A_587, %reduce_min3A_588 [1] : vector<112x256xi32> to vector<112xi32>
    %broadcast_in_dim3A_590 = vector.shape_cast %reduce_min3A_589 : vector<112xi32> to vector<112x1xi32>
    %lt3A = arith.cmpf olt, %broadcast_in_dim3A_578, %broadcast_in_dim3A_454 : vector<112x1xf32>
    %select_n3A_591 = arith.select %lt3A, %broadcast_in_dim3A_590, %broadcast_in_dim3A_463 : vector<112x1xi1>, vector<112x1xi32>
    %select_n3A_592 = arith.select %lt3A, %broadcast_in_dim3A_578, %broadcast_in_dim3A_454 : vector<112x1xi1>, vector<112x1xf32>
    %get3A_593 = arith.constant 112 : index
    %get3A_594 = arith.constant 0 : index
    %get3A_595 = vector.load %arg10[%get3A_593, %get3A_594] : memref<448x256xf32, #tpu.memory_space<vmem>>, vector<112x128xf32>
    %mul3A_596 = arith.mulf %get3A_595, %get3A_595 : vector<112x128xf32>
    %reduce_sum3A_597 = arith.constant dense<0.000000e+00> : vector<112xf32>
    %reduce_sum3A_598 = vector.multi_reduction <add>, %mul3A_596, %reduce_sum3A_597 [1] : vector<112x128xf32> to vector<112xf32>
    %broadcast_in_dim3A_599 = vector.shape_cast %reduce_sum3A_598 : vector<112xf32> to vector<112x1xf32>
    %dot_general3A_600 = arith.constant dense<0.000000e+00> : vector<112x256xf32>
    %dot_general3A_601 = tpu.matmul %get3A_595, %get3A_559, %dot_general3A_600 {dimension_numbers = #tpu.dot_dimension_numbers<[1], [0], [0], [1], [0, 0, 1, 1], [], []>, transpose_lhs_hint = false} : vector<112x128xf32>, vector<128x256xf32>, vector<112x256xf32> -> vector<112x256xf32>
    %mul3A_602 = arith.constant 2.000000e+00 : f32
    %mul3A_603 = vector.broadcast %mul3A_602 : f32 to vector<112x256xf32>
    %mul3A_604 = arith.mulf %mul3A_603, %dot_general3A_601 : vector<112x256xf32>
    %sub3A_605 = vector.broadcast %broadcast_in_dim3A_599 : vector<112x1xf32> to vector<112x256xf32>
    %sub3A_606 = arith.subf %sub3A_605, %mul3A_604 : vector<112x256xf32>
    %add3A_607 = vector.broadcast %broadcast_in_dim3A_16 : vector<1x256xf32> to vector<112x256xf32>
    %add3A_608 = arith.addf %sub3A_606, %add3A_607 : vector<112x256xf32>
    %reduce_min3A_609 = arith.constant dense<0x7F800000> : vector<112xf32>
    %reduce_min3A_610 = vector.multi_reduction <minimumf>, %add3A_608, %reduce_min3A_609 [1] : vector<112x256xf32> to vector<112xf32>
    %broadcast_in_dim3A_611 = vector.shape_cast %reduce_min3A_610 : vector<112xf32> to vector<112x1xf32>
    %iota3A_612 = tpu.iota {dimensions = array<i32: 1>} : vector<112x256xi32>
    %add3A_613 = arith.constant 256 : i32
    %add3A_614 = vector.broadcast %add3A_613 : i32 to vector<112x256xi32>
    %add3A_615 = arith.addi %iota3A_612, %add3A_614 : vector<112x256xi32>
    %eq3A_616 = vector.broadcast %broadcast_in_dim3A_611 : vector<112x1xf32> to vector<112x256xf32>
    %eq3A_617 = arith.cmpf oeq, %add3A_608, %eq3A_616 : vector<112x256xf32>
    %jit3A_618 = arith.constant 1073741824 : i32
    %broadcast_in_dim3A_619 = vector.broadcast %jit3A_618 : i32 to vector<112x256xi32>
    %select_n3A_620 = arith.select %eq3A_617, %add3A_615, %broadcast_in_dim3A_619 : vector<112x256xi1>, vector<112x256xi32>
    %reduce_min3A_621 = arith.constant dense<2147483647> : vector<112xi32>
    %reduce_min3A_622 = vector.multi_reduction <minsi>, %select_n3A_620, %reduce_min3A_621 [1] : vector<112x256xi32> to vector<112xi32>
    %broadcast_in_dim3A_623 = vector.shape_cast %reduce_min3A_622 : vector<112xi32> to vector<112x1xi32>
    %lt3A_624 = arith.cmpf olt, %broadcast_in_dim3A_611, %broadcast_in_dim3A_482 : vector<112x1xf32>
    %select_n3A_625 = arith.select %lt3A_624, %broadcast_in_dim3A_623, %broadcast_in_dim3A_494 : vector<112x1xi1>, vector<112x1xi32>
    %select_n3A_626 = arith.select %lt3A_624, %broadcast_in_dim3A_611, %broadcast_in_dim3A_482 : vector<112x1xi1>, vector<112x1xf32>
    %get3A_627 = arith.constant 224 : index
    %get3A_628 = arith.constant 0 : index
    %get3A_629 = vector.load %arg10[%get3A_627, %get3A_628] : memref<448x256xf32, #tpu.memory_space<vmem>>, vector<112x128xf32>
    %mul3A_630 = arith.mulf %get3A_629, %get3A_629 : vector<112x128xf32>
    %reduce_sum3A_631 = arith.constant dense<0.000000e+00> : vector<112xf32>
    %reduce_sum3A_632 = vector.multi_reduction <add>, %mul3A_630, %reduce_sum3A_631 [1] : vector<112x128xf32> to vector<112xf32>
    %broadcast_in_dim3A_633 = vector.shape_cast %reduce_sum3A_632 : vector<112xf32> to vector<112x1xf32>
    %dot_general3A_634 = arith.constant dense<0.000000e+00> : vector<112x256xf32>
    %dot_general3A_635 = tpu.matmul %get3A_629, %get3A_559, %dot_general3A_634 {dimension_numbers = #tpu.dot_dimension_numbers<[1], [0], [0], [1], [0, 0, 1, 1], [], []>, transpose_lhs_hint = false} : vector<112x128xf32>, vector<128x256xf32>, vector<112x256xf32> -> vector<112x256xf32>
    %mul3A_636 = arith.constant 2.000000e+00 : f32
    %mul3A_637 = vector.broadcast %mul3A_636 : f32 to vector<112x256xf32>
    %mul3A_638 = arith.mulf %mul3A_637, %dot_general3A_635 : vector<112x256xf32>
    %sub3A_639 = vector.broadcast %broadcast_in_dim3A_633 : vector<112x1xf32> to vector<112x256xf32>
    %sub3A_640 = arith.subf %sub3A_639, %mul3A_638 : vector<112x256xf32>
    %add3A_641 = vector.broadcast %broadcast_in_dim3A_16 : vector<1x256xf32> to vector<112x256xf32>
    %add3A_642 = arith.addf %sub3A_640, %add3A_641 : vector<112x256xf32>
    %reduce_min3A_643 = arith.constant dense<0x7F800000> : vector<112xf32>
    %reduce_min3A_644 = vector.multi_reduction <minimumf>, %add3A_642, %reduce_min3A_643 [1] : vector<112x256xf32> to vector<112xf32>
    %broadcast_in_dim3A_645 = vector.shape_cast %reduce_min3A_644 : vector<112xf32> to vector<112x1xf32>
    %iota3A_646 = tpu.iota {dimensions = array<i32: 1>} : vector<112x256xi32>
    %add3A_647 = arith.constant 256 : i32
    %add3A_648 = vector.broadcast %add3A_647 : i32 to vector<112x256xi32>
    %add3A_649 = arith.addi %iota3A_646, %add3A_648 : vector<112x256xi32>
    %eq3A_650 = vector.broadcast %broadcast_in_dim3A_645 : vector<112x1xf32> to vector<112x256xf32>
    %eq3A_651 = arith.cmpf oeq, %add3A_642, %eq3A_650 : vector<112x256xf32>
    %jit3A_652 = arith.constant 1073741824 : i32
    %broadcast_in_dim3A_653 = vector.broadcast %jit3A_652 : i32 to vector<112x256xi32>
    %select_n3A_654 = arith.select %eq3A_651, %add3A_649, %broadcast_in_dim3A_653 : vector<112x256xi1>, vector<112x256xi32>
    %reduce_min3A_655 = arith.constant dense<2147483647> : vector<112xi32>
    %reduce_min3A_656 = vector.multi_reduction <minsi>, %select_n3A_654, %reduce_min3A_655 [1] : vector<112x256xi32> to vector<112xi32>
    %broadcast_in_dim3A_657 = vector.shape_cast %reduce_min3A_656 : vector<112xi32> to vector<112x1xi32>
    %lt3A_658 = arith.cmpf olt, %broadcast_in_dim3A_645, %broadcast_in_dim3A_513 : vector<112x1xf32>
    %select_n3A_659 = arith.select %lt3A_658, %broadcast_in_dim3A_657, %broadcast_in_dim3A_525 : vector<112x1xi1>, vector<112x1xi32>
    %select_n3A_660 = arith.select %lt3A_658, %broadcast_in_dim3A_645, %broadcast_in_dim3A_513 : vector<112x1xi1>, vector<112x1xf32>
    %get3A_661 = arith.constant 336 : index
    %get3A_662 = arith.constant 0 : index
    %get3A_663 = vector.load %arg10[%get3A_661, %get3A_662] : memref<448x256xf32, #tpu.memory_space<vmem>>, vector<112x128xf32>
    %mul3A_664 = arith.mulf %get3A_663, %get3A_663 : vector<112x128xf32>
    %reduce_sum3A_665 = arith.constant dense<0.000000e+00> : vector<112xf32>
    %reduce_sum3A_666 = vector.multi_reduction <add>, %mul3A_664, %reduce_sum3A_665 [1] : vector<112x128xf32> to vector<112xf32>
    %broadcast_in_dim3A_667 = vector.shape_cast %reduce_sum3A_666 : vector<112xf32> to vector<112x1xf32>
    %dot_general3A_668 = arith.constant dense<0.000000e+00> : vector<112x256xf32>
    %dot_general3A_669 = tpu.matmul %get3A_663, %get3A_559, %dot_general3A_668 {dimension_numbers = #tpu.dot_dimension_numbers<[1], [0], [0], [1], [0, 0, 1, 1], [], []>, transpose_lhs_hint = false} : vector<112x128xf32>, vector<128x256xf32>, vector<112x256xf32> -> vector<112x256xf32>
    %mul3A_670 = arith.constant 2.000000e+00 : f32
    %mul3A_671 = vector.broadcast %mul3A_670 : f32 to vector<112x256xf32>
    %mul3A_672 = arith.mulf %mul3A_671, %dot_general3A_669 : vector<112x256xf32>
    %sub3A_673 = vector.broadcast %broadcast_in_dim3A_667 : vector<112x1xf32> to vector<112x256xf32>
    %sub3A_674 = arith.subf %sub3A_673, %mul3A_672 : vector<112x256xf32>
    %add3A_675 = vector.broadcast %broadcast_in_dim3A_16 : vector<1x256xf32> to vector<112x256xf32>
    %add3A_676 = arith.addf %sub3A_674, %add3A_675 : vector<112x256xf32>
    %reduce_min3A_677 = arith.constant dense<0x7F800000> : vector<112xf32>
    %reduce_min3A_678 = vector.multi_reduction <minimumf>, %add3A_676, %reduce_min3A_677 [1] : vector<112x256xf32> to vector<112xf32>
    %broadcast_in_dim3A_679 = vector.shape_cast %reduce_min3A_678 : vector<112xf32> to vector<112x1xf32>
    %iota3A_680 = tpu.iota {dimensions = array<i32: 1>} : vector<112x256xi32>
    %add3A_681 = arith.constant 256 : i32
    %add3A_682 = vector.broadcast %add3A_681 : i32 to vector<112x256xi32>
    %add3A_683 = arith.addi %iota3A_680, %add3A_682 : vector<112x256xi32>
    %eq3A_684 = vector.broadcast %broadcast_in_dim3A_679 : vector<112x1xf32> to vector<112x256xf32>
    %eq3A_685 = arith.cmpf oeq, %add3A_676, %eq3A_684 : vector<112x256xf32>
    %jit3A_686 = arith.constant 1073741824 : i32
    %broadcast_in_dim3A_687 = vector.broadcast %jit3A_686 : i32 to vector<112x256xi32>
    %select_n3A_688 = arith.select %eq3A_685, %add3A_683, %broadcast_in_dim3A_687 : vector<112x256xi1>, vector<112x256xi32>
    %reduce_min3A_689 = arith.constant dense<2147483647> : vector<112xi32>
    %reduce_min3A_690 = vector.multi_reduction <minsi>, %select_n3A_688, %reduce_min3A_689 [1] : vector<112x256xi32> to vector<112xi32>
    %broadcast_in_dim3A_691 = vector.shape_cast %reduce_min3A_690 : vector<112xi32> to vector<112x1xi32>
    %lt3A_692 = arith.cmpf olt, %broadcast_in_dim3A_679, %broadcast_in_dim3A_544 : vector<112x1xf32>
    %select_n3A_693 = arith.select %lt3A_692, %broadcast_in_dim3A_691, %broadcast_in_dim3A_556 : vector<112x1xi1>, vector<112x1xi32>
    %select_n3A_694 = arith.select %lt3A_692, %broadcast_in_dim3A_679, %broadcast_in_dim3A_544 : vector<112x1xi1>, vector<112x1xf32>
    %get3A_695 = arith.constant 0 : index
    %get3A_696 = arith.constant 512 : index
    %get3A_697 = vector.load %arg5[%get3A_695, %get3A_696] : memref<128x1024xf32, #tpu.memory_space<vmem>>, vector<128x256xf32>
    %get3A_698 = arith.constant 0 : index
    %get3A_699 = arith.constant 0 : index
    %get3A_700 = vector.load %arg10[%get3A_698, %get3A_699] : memref<448x256xf32, #tpu.memory_space<vmem>>, vector<112x128xf32>
    %mul3A_701 = arith.mulf %get3A_700, %get3A_700 : vector<112x128xf32>
    %reduce_sum3A_702 = arith.constant dense<0.000000e+00> : vector<112xf32>
    %reduce_sum3A_703 = vector.multi_reduction <add>, %mul3A_701, %reduce_sum3A_702 [1] : vector<112x128xf32> to vector<112xf32>
    %broadcast_in_dim3A_704 = vector.shape_cast %reduce_sum3A_703 : vector<112xf32> to vector<112x1xf32>
    %dot_general3A_705 = arith.constant dense<0.000000e+00> : vector<112x256xf32>
    %dot_general3A_706 = tpu.matmul %get3A_700, %get3A_697, %dot_general3A_705 {dimension_numbers = #tpu.dot_dimension_numbers<[1], [0], [0], [1], [0, 0, 1, 1], [], []>, transpose_lhs_hint = false} : vector<112x128xf32>, vector<128x256xf32>, vector<112x256xf32> -> vector<112x256xf32>
    %mul3A_707 = arith.constant 2.000000e+00 : f32
    %mul3A_708 = vector.broadcast %mul3A_707 : f32 to vector<112x256xf32>
    %mul3A_709 = arith.mulf %mul3A_708, %dot_general3A_706 : vector<112x256xf32>
    %sub3A_710 = vector.broadcast %broadcast_in_dim3A_704 : vector<112x1xf32> to vector<112x256xf32>
    %sub3A_711 = arith.subf %sub3A_710, %mul3A_709 : vector<112x256xf32>
    %add3A_712 = vector.broadcast %broadcast_in_dim3A_23 : vector<1x256xf32> to vector<112x256xf32>
    %add3A_713 = arith.addf %sub3A_711, %add3A_712 : vector<112x256xf32>
    %reduce_min3A_714 = arith.constant dense<0x7F800000> : vector<112xf32>
    %reduce_min3A_715 = vector.multi_reduction <minimumf>, %add3A_713, %reduce_min3A_714 [1] : vector<112x256xf32> to vector<112xf32>
    %broadcast_in_dim3A_716 = vector.shape_cast %reduce_min3A_715 : vector<112xf32> to vector<112x1xf32>
    %iota3A_717 = tpu.iota {dimensions = array<i32: 1>} : vector<112x256xi32>
    %add3A_718 = arith.constant 512 : i32
    %add3A_719 = vector.broadcast %add3A_718 : i32 to vector<112x256xi32>
    %add3A_720 = arith.addi %iota3A_717, %add3A_719 : vector<112x256xi32>
    %eq3A_721 = vector.broadcast %broadcast_in_dim3A_716 : vector<112x1xf32> to vector<112x256xf32>
    %eq3A_722 = arith.cmpf oeq, %add3A_713, %eq3A_721 : vector<112x256xf32>
    %jit3A_723 = arith.constant 1073741824 : i32
    %broadcast_in_dim3A_724 = vector.broadcast %jit3A_723 : i32 to vector<112x256xi32>
    %select_n3A_725 = arith.select %eq3A_722, %add3A_720, %broadcast_in_dim3A_724 : vector<112x256xi1>, vector<112x256xi32>
    %reduce_min3A_726 = arith.constant dense<2147483647> : vector<112xi32>
    %reduce_min3A_727 = vector.multi_reduction <minsi>, %select_n3A_725, %reduce_min3A_726 [1] : vector<112x256xi32> to vector<112xi32>
    %broadcast_in_dim3A_728 = vector.shape_cast %reduce_min3A_727 : vector<112xi32> to vector<112x1xi32>
    %lt3A_729 = arith.cmpf olt, %broadcast_in_dim3A_716, %select_n3A_592 : vector<112x1xf32>
    %select_n3A_730 = arith.select %lt3A_729, %broadcast_in_dim3A_728, %select_n3A_591 : vector<112x1xi1>, vector<112x1xi32>
    %select_n3A_731 = arith.select %lt3A_729, %broadcast_in_dim3A_716, %select_n3A_592 : vector<112x1xi1>, vector<112x1xf32>
    %get3A_732 = arith.constant 112 : index
    %get3A_733 = arith.constant 0 : index
    %get3A_734 = vector.load %arg10[%get3A_732, %get3A_733] : memref<448x256xf32, #tpu.memory_space<vmem>>, vector<112x128xf32>
    %mul3A_735 = arith.mulf %get3A_734, %get3A_734 : vector<112x128xf32>
    %reduce_sum3A_736 = arith.constant dense<0.000000e+00> : vector<112xf32>
    %reduce_sum3A_737 = vector.multi_reduction <add>, %mul3A_735, %reduce_sum3A_736 [1] : vector<112x128xf32> to vector<112xf32>
    %broadcast_in_dim3A_738 = vector.shape_cast %reduce_sum3A_737 : vector<112xf32> to vector<112x1xf32>
    %dot_general3A_739 = arith.constant dense<0.000000e+00> : vector<112x256xf32>
    %dot_general3A_740 = tpu.matmul %get3A_734, %get3A_697, %dot_general3A_739 {dimension_numbers = #tpu.dot_dimension_numbers<[1], [0], [0], [1], [0, 0, 1, 1], [], []>, transpose_lhs_hint = false} : vector<112x128xf32>, vector<128x256xf32>, vector<112x256xf32> -> vector<112x256xf32>
    %mul3A_741 = arith.constant 2.000000e+00 : f32
    %mul3A_742 = vector.broadcast %mul3A_741 : f32 to vector<112x256xf32>
    %mul3A_743 = arith.mulf %mul3A_742, %dot_general3A_740 : vector<112x256xf32>
    %sub3A_744 = vector.broadcast %broadcast_in_dim3A_738 : vector<112x1xf32> to vector<112x256xf32>
    %sub3A_745 = arith.subf %sub3A_744, %mul3A_743 : vector<112x256xf32>
    %add3A_746 = vector.broadcast %broadcast_in_dim3A_23 : vector<1x256xf32> to vector<112x256xf32>
    %add3A_747 = arith.addf %sub3A_745, %add3A_746 : vector<112x256xf32>
    %reduce_min3A_748 = arith.constant dense<0x7F800000> : vector<112xf32>
    %reduce_min3A_749 = vector.multi_reduction <minimumf>, %add3A_747, %reduce_min3A_748 [1] : vector<112x256xf32> to vector<112xf32>
    %broadcast_in_dim3A_750 = vector.shape_cast %reduce_min3A_749 : vector<112xf32> to vector<112x1xf32>
    %iota3A_751 = tpu.iota {dimensions = array<i32: 1>} : vector<112x256xi32>
    %add3A_752 = arith.constant 512 : i32
    %add3A_753 = vector.broadcast %add3A_752 : i32 to vector<112x256xi32>
    %add3A_754 = arith.addi %iota3A_751, %add3A_753 : vector<112x256xi32>
    %eq3A_755 = vector.broadcast %broadcast_in_dim3A_750 : vector<112x1xf32> to vector<112x256xf32>
    %eq3A_756 = arith.cmpf oeq, %add3A_747, %eq3A_755 : vector<112x256xf32>
    %jit3A_757 = arith.constant 1073741824 : i32
    %broadcast_in_dim3A_758 = vector.broadcast %jit3A_757 : i32 to vector<112x256xi32>
    %select_n3A_759 = arith.select %eq3A_756, %add3A_754, %broadcast_in_dim3A_758 : vector<112x256xi1>, vector<112x256xi32>
    %reduce_min3A_760 = arith.constant dense<2147483647> : vector<112xi32>
    %reduce_min3A_761 = vector.multi_reduction <minsi>, %select_n3A_759, %reduce_min3A_760 [1] : vector<112x256xi32> to vector<112xi32>
    %broadcast_in_dim3A_762 = vector.shape_cast %reduce_min3A_761 : vector<112xi32> to vector<112x1xi32>
    %lt3A_763 = arith.cmpf olt, %broadcast_in_dim3A_750, %select_n3A_626 : vector<112x1xf32>
    %select_n3A_764 = arith.select %lt3A_763, %broadcast_in_dim3A_762, %select_n3A_625 : vector<112x1xi1>, vector<112x1xi32>
    %select_n3A_765 = arith.select %lt3A_763, %broadcast_in_dim3A_750, %select_n3A_626 : vector<112x1xi1>, vector<112x1xf32>
    %get3A_766 = arith.constant 224 : index
    %get3A_767 = arith.constant 0 : index
    %get3A_768 = vector.load %arg10[%get3A_766, %get3A_767] : memref<448x256xf32, #tpu.memory_space<vmem>>, vector<112x128xf32>
    %mul3A_769 = arith.mulf %get3A_768, %get3A_768 : vector<112x128xf32>
    %reduce_sum3A_770 = arith.constant dense<0.000000e+00> : vector<112xf32>
    %reduce_sum3A_771 = vector.multi_reduction <add>, %mul3A_769, %reduce_sum3A_770 [1] : vector<112x128xf32> to vector<112xf32>
    %broadcast_in_dim3A_772 = vector.shape_cast %reduce_sum3A_771 : vector<112xf32> to vector<112x1xf32>
    %dot_general3A_773 = arith.constant dense<0.000000e+00> : vector<112x256xf32>
    %dot_general3A_774 = tpu.matmul %get3A_768, %get3A_697, %dot_general3A_773 {dimension_numbers = #tpu.dot_dimension_numbers<[1], [0], [0], [1], [0, 0, 1, 1], [], []>, transpose_lhs_hint = false} : vector<112x128xf32>, vector<128x256xf32>, vector<112x256xf32> -> vector<112x256xf32>
    %mul3A_775 = arith.constant 2.000000e+00 : f32
    %mul3A_776 = vector.broadcast %mul3A_775 : f32 to vector<112x256xf32>
    %mul3A_777 = arith.mulf %mul3A_776, %dot_general3A_774 : vector<112x256xf32>
    %sub3A_778 = vector.broadcast %broadcast_in_dim3A_772 : vector<112x1xf32> to vector<112x256xf32>
    %sub3A_779 = arith.subf %sub3A_778, %mul3A_777 : vector<112x256xf32>
    %add3A_780 = vector.broadcast %broadcast_in_dim3A_23 : vector<1x256xf32> to vector<112x256xf32>
    %add3A_781 = arith.addf %sub3A_779, %add3A_780 : vector<112x256xf32>
    %reduce_min3A_782 = arith.constant dense<0x7F800000> : vector<112xf32>
    %reduce_min3A_783 = vector.multi_reduction <minimumf>, %add3A_781, %reduce_min3A_782 [1] : vector<112x256xf32> to vector<112xf32>
    %broadcast_in_dim3A_784 = vector.shape_cast %reduce_min3A_783 : vector<112xf32> to vector<112x1xf32>
    %iota3A_785 = tpu.iota {dimensions = array<i32: 1>} : vector<112x256xi32>
    %add3A_786 = arith.constant 512 : i32
    %add3A_787 = vector.broadcast %add3A_786 : i32 to vector<112x256xi32>
    %add3A_788 = arith.addi %iota3A_785, %add3A_787 : vector<112x256xi32>
    %eq3A_789 = vector.broadcast %broadcast_in_dim3A_784 : vector<112x1xf32> to vector<112x256xf32>
    %eq3A_790 = arith.cmpf oeq, %add3A_781, %eq3A_789 : vector<112x256xf32>
    %jit3A_791 = arith.constant 1073741824 : i32
    %broadcast_in_dim3A_792 = vector.broadcast %jit3A_791 : i32 to vector<112x256xi32>
    %select_n3A_793 = arith.select %eq3A_790, %add3A_788, %broadcast_in_dim3A_792 : vector<112x256xi1>, vector<112x256xi32>
    %reduce_min3A_794 = arith.constant dense<2147483647> : vector<112xi32>
    %reduce_min3A_795 = vector.multi_reduction <minsi>, %select_n3A_793, %reduce_min3A_794 [1] : vector<112x256xi32> to vector<112xi32>
    %broadcast_in_dim3A_796 = vector.shape_cast %reduce_min3A_795 : vector<112xi32> to vector<112x1xi32>
    %lt3A_797 = arith.cmpf olt, %broadcast_in_dim3A_784, %select_n3A_660 : vector<112x1xf32>
    %select_n3A_798 = arith.select %lt3A_797, %broadcast_in_dim3A_796, %select_n3A_659 : vector<112x1xi1>, vector<112x1xi32>
    %select_n3A_799 = arith.select %lt3A_797, %broadcast_in_dim3A_784, %select_n3A_660 : vector<112x1xi1>, vector<112x1xf32>
    %get3A_800 = arith.constant 336 : index
    %get3A_801 = arith.constant 0 : index
    %get3A_802 = vector.load %arg10[%get3A_800, %get3A_801] : memref<448x256xf32, #tpu.memory_space<vmem>>, vector<112x128xf32>
    %mul3A_803 = arith.mulf %get3A_802, %get3A_802 : vector<112x128xf32>
    %reduce_sum3A_804 = arith.constant dense<0.000000e+00> : vector<112xf32>
    %reduce_sum3A_805 = vector.multi_reduction <add>, %mul3A_803, %reduce_sum3A_804 [1] : vector<112x128xf32> to vector<112xf32>
    %broadcast_in_dim3A_806 = vector.shape_cast %reduce_sum3A_805 : vector<112xf32> to vector<112x1xf32>
    %dot_general3A_807 = arith.constant dense<0.000000e+00> : vector<112x256xf32>
    %dot_general3A_808 = tpu.matmul %get3A_802, %get3A_697, %dot_general3A_807 {dimension_numbers = #tpu.dot_dimension_numbers<[1], [0], [0], [1], [0, 0, 1, 1], [], []>, transpose_lhs_hint = false} : vector<112x128xf32>, vector<128x256xf32>, vector<112x256xf32> -> vector<112x256xf32>
    %mul3A_809 = arith.constant 2.000000e+00 : f32
    %mul3A_810 = vector.broadcast %mul3A_809 : f32 to vector<112x256xf32>
    %mul3A_811 = arith.mulf %mul3A_810, %dot_general3A_808 : vector<112x256xf32>
    %sub3A_812 = vector.broadcast %broadcast_in_dim3A_806 : vector<112x1xf32> to vector<112x256xf32>
    %sub3A_813 = arith.subf %sub3A_812, %mul3A_811 : vector<112x256xf32>
    %add3A_814 = vector.broadcast %broadcast_in_dim3A_23 : vector<1x256xf32> to vector<112x256xf32>
    %add3A_815 = arith.addf %sub3A_813, %add3A_814 : vector<112x256xf32>
    %reduce_min3A_816 = arith.constant dense<0x7F800000> : vector<112xf32>
    %reduce_min3A_817 = vector.multi_reduction <minimumf>, %add3A_815, %reduce_min3A_816 [1] : vector<112x256xf32> to vector<112xf32>
    %broadcast_in_dim3A_818 = vector.shape_cast %reduce_min3A_817 : vector<112xf32> to vector<112x1xf32>
    %iota3A_819 = tpu.iota {dimensions = array<i32: 1>} : vector<112x256xi32>
    %add3A_820 = arith.constant 512 : i32
    %add3A_821 = vector.broadcast %add3A_820 : i32 to vector<112x256xi32>
    %add3A_822 = arith.addi %iota3A_819, %add3A_821 : vector<112x256xi32>
    %eq3A_823 = vector.broadcast %broadcast_in_dim3A_818 : vector<112x1xf32> to vector<112x256xf32>
    %eq3A_824 = arith.cmpf oeq, %add3A_815, %eq3A_823 : vector<112x256xf32>
    %jit3A_825 = arith.constant 1073741824 : i32
    %broadcast_in_dim3A_826 = vector.broadcast %jit3A_825 : i32 to vector<112x256xi32>
    %select_n3A_827 = arith.select %eq3A_824, %add3A_822, %broadcast_in_dim3A_826 : vector<112x256xi1>, vector<112x256xi32>
    %reduce_min3A_828 = arith.constant dense<2147483647> : vector<112xi32>
    %reduce_min3A_829 = vector.multi_reduction <minsi>, %select_n3A_827, %reduce_min3A_828 [1] : vector<112x256xi32> to vector<112xi32>
    %broadcast_in_dim3A_830 = vector.shape_cast %reduce_min3A_829 : vector<112xi32> to vector<112x1xi32>
    %lt3A_831 = arith.cmpf olt, %broadcast_in_dim3A_818, %select_n3A_694 : vector<112x1xf32>
    %select_n3A_832 = arith.select %lt3A_831, %broadcast_in_dim3A_830, %select_n3A_693 : vector<112x1xi1>, vector<112x1xi32>
    %select_n3A_833 = arith.select %lt3A_831, %broadcast_in_dim3A_818, %select_n3A_694 : vector<112x1xi1>, vector<112x1xf32>
    %get3A_834 = arith.constant 0 : index
    %get3A_835 = arith.constant 768 : index
    %get3A_836 = vector.load %arg5[%get3A_834, %get3A_835] : memref<128x1024xf32, #tpu.memory_space<vmem>>, vector<128x256xf32>
    %get3A_837 = arith.constant 0 : index
    %get3A_838 = arith.constant 0 : index
    %get3A_839 = vector.load %arg10[%get3A_837, %get3A_838] : memref<448x256xf32, #tpu.memory_space<vmem>>, vector<112x128xf32>
    %mul3A_840 = arith.mulf %get3A_839, %get3A_839 : vector<112x128xf32>
    %reduce_sum3A_841 = arith.constant dense<0.000000e+00> : vector<112xf32>
    %reduce_sum3A_842 = vector.multi_reduction <add>, %mul3A_840, %reduce_sum3A_841 [1] : vector<112x128xf32> to vector<112xf32>
    %broadcast_in_dim3A_843 = vector.shape_cast %reduce_sum3A_842 : vector<112xf32> to vector<112x1xf32>
    %dot_general3A_844 = arith.constant dense<0.000000e+00> : vector<112x256xf32>
    %dot_general3A_845 = tpu.matmul %get3A_839, %get3A_836, %dot_general3A_844 {dimension_numbers = #tpu.dot_dimension_numbers<[1], [0], [0], [1], [0, 0, 1, 1], [], []>, transpose_lhs_hint = false} : vector<112x128xf32>, vector<128x256xf32>, vector<112x256xf32> -> vector<112x256xf32>
    %mul3A_846 = arith.constant 2.000000e+00 : f32
    %mul3A_847 = vector.broadcast %mul3A_846 : f32 to vector<112x256xf32>
    %mul3A_848 = arith.mulf %mul3A_847, %dot_general3A_845 : vector<112x256xf32>
    %sub3A_849 = vector.broadcast %broadcast_in_dim3A_843 : vector<112x1xf32> to vector<112x256xf32>
    %sub3A_850 = arith.subf %sub3A_849, %mul3A_848 : vector<112x256xf32>
    %add3A_851 = vector.broadcast %broadcast_in_dim3A_30 : vector<1x256xf32> to vector<112x256xf32>
    %add3A_852 = arith.addf %sub3A_850, %add3A_851 : vector<112x256xf32>
    %reduce_min3A_853 = arith.constant dense<0x7F800000> : vector<112xf32>
    %reduce_min3A_854 = vector.multi_reduction <minimumf>, %add3A_852, %reduce_min3A_853 [1] : vector<112x256xf32> to vector<112xf32>
    %broadcast_in_dim3A_855 = vector.shape_cast %reduce_min3A_854 : vector<112xf32> to vector<112x1xf32>
    %iota3A_856 = tpu.iota {dimensions = array<i32: 1>} : vector<112x256xi32>
    %add3A_857 = arith.constant 768 : i32
    %add3A_858 = vector.broadcast %add3A_857 : i32 to vector<112x256xi32>
    %add3A_859 = arith.addi %iota3A_856, %add3A_858 : vector<112x256xi32>
    %eq3A_860 = vector.broadcast %broadcast_in_dim3A_855 : vector<112x1xf32> to vector<112x256xf32>
    %eq3A_861 = arith.cmpf oeq, %add3A_852, %eq3A_860 : vector<112x256xf32>
    %jit3A_862 = arith.constant 1073741824 : i32
    %broadcast_in_dim3A_863 = vector.broadcast %jit3A_862 : i32 to vector<112x256xi32>
    %select_n3A_864 = arith.select %eq3A_861, %add3A_859, %broadcast_in_dim3A_863 : vector<112x256xi1>, vector<112x256xi32>
    %reduce_min3A_865 = arith.constant dense<2147483647> : vector<112xi32>
    %reduce_min3A_866 = vector.multi_reduction <minsi>, %select_n3A_864, %reduce_min3A_865 [1] : vector<112x256xi32> to vector<112xi32>
    %broadcast_in_dim3A_867 = vector.shape_cast %reduce_min3A_866 : vector<112xi32> to vector<112x1xi32>
    %lt3A_868 = arith.cmpf olt, %broadcast_in_dim3A_855, %select_n3A_731 : vector<112x1xf32>
    %select_n3A_869 = arith.select %lt3A_868, %broadcast_in_dim3A_867, %select_n3A_730 : vector<112x1xi1>, vector<112x1xi32>
    %select_n3A_870 = arith.select %lt3A_868, %broadcast_in_dim3A_855, %select_n3A_731 : vector<112x1xi1>, vector<112x1xf32>
    %get3A_871 = arith.constant 112 : index
    %get3A_872 = arith.constant 0 : index
    %get3A_873 = vector.load %arg10[%get3A_871, %get3A_872] : memref<448x256xf32, #tpu.memory_space<vmem>>, vector<112x128xf32>
    %mul3A_874 = arith.mulf %get3A_873, %get3A_873 : vector<112x128xf32>
    %reduce_sum3A_875 = arith.constant dense<0.000000e+00> : vector<112xf32>
    %reduce_sum3A_876 = vector.multi_reduction <add>, %mul3A_874, %reduce_sum3A_875 [1] : vector<112x128xf32> to vector<112xf32>
    %broadcast_in_dim3A_877 = vector.shape_cast %reduce_sum3A_876 : vector<112xf32> to vector<112x1xf32>
    %dot_general3A_878 = arith.constant dense<0.000000e+00> : vector<112x256xf32>
    %dot_general3A_879 = tpu.matmul %get3A_873, %get3A_836, %dot_general3A_878 {dimension_numbers = #tpu.dot_dimension_numbers<[1], [0], [0], [1], [0, 0, 1, 1], [], []>, transpose_lhs_hint = false} : vector<112x128xf32>, vector<128x256xf32>, vector<112x256xf32> -> vector<112x256xf32>
    %mul3A_880 = arith.constant 2.000000e+00 : f32
    %mul3A_881 = vector.broadcast %mul3A_880 : f32 to vector<112x256xf32>
    %mul3A_882 = arith.mulf %mul3A_881, %dot_general3A_879 : vector<112x256xf32>
    %sub3A_883 = vector.broadcast %broadcast_in_dim3A_877 : vector<112x1xf32> to vector<112x256xf32>
    %sub3A_884 = arith.subf %sub3A_883, %mul3A_882 : vector<112x256xf32>
    %add3A_885 = vector.broadcast %broadcast_in_dim3A_30 : vector<1x256xf32> to vector<112x256xf32>
    %add3A_886 = arith.addf %sub3A_884, %add3A_885 : vector<112x256xf32>
    %reduce_min3A_887 = arith.constant dense<0x7F800000> : vector<112xf32>
    %reduce_min3A_888 = vector.multi_reduction <minimumf>, %add3A_886, %reduce_min3A_887 [1] : vector<112x256xf32> to vector<112xf32>
    %broadcast_in_dim3A_889 = vector.shape_cast %reduce_min3A_888 : vector<112xf32> to vector<112x1xf32>
    %iota3A_890 = tpu.iota {dimensions = array<i32: 1>} : vector<112x256xi32>
    %add3A_891 = arith.constant 768 : i32
    %add3A_892 = vector.broadcast %add3A_891 : i32 to vector<112x256xi32>
    %add3A_893 = arith.addi %iota3A_890, %add3A_892 : vector<112x256xi32>
    %eq3A_894 = vector.broadcast %broadcast_in_dim3A_889 : vector<112x1xf32> to vector<112x256xf32>
    %eq3A_895 = arith.cmpf oeq, %add3A_886, %eq3A_894 : vector<112x256xf32>
    %jit3A_896 = arith.constant 1073741824 : i32
    %broadcast_in_dim3A_897 = vector.broadcast %jit3A_896 : i32 to vector<112x256xi32>
    %select_n3A_898 = arith.select %eq3A_895, %add3A_893, %broadcast_in_dim3A_897 : vector<112x256xi1>, vector<112x256xi32>
    %reduce_min3A_899 = arith.constant dense<2147483647> : vector<112xi32>
    %reduce_min3A_900 = vector.multi_reduction <minsi>, %select_n3A_898, %reduce_min3A_899 [1] : vector<112x256xi32> to vector<112xi32>
    %broadcast_in_dim3A_901 = vector.shape_cast %reduce_min3A_900 : vector<112xi32> to vector<112x1xi32>
    %lt3A_902 = arith.cmpf olt, %broadcast_in_dim3A_889, %select_n3A_765 : vector<112x1xf32>
    %select_n3A_903 = arith.select %lt3A_902, %broadcast_in_dim3A_901, %select_n3A_764 : vector<112x1xi1>, vector<112x1xi32>
    %select_n3A_904 = arith.select %lt3A_902, %broadcast_in_dim3A_889, %select_n3A_765 : vector<112x1xi1>, vector<112x1xf32>
    %get3A_905 = arith.constant 224 : index
    %get3A_906 = arith.constant 0 : index
    %get3A_907 = vector.load %arg10[%get3A_905, %get3A_906] : memref<448x256xf32, #tpu.memory_space<vmem>>, vector<112x128xf32>
    %mul3A_908 = arith.mulf %get3A_907, %get3A_907 : vector<112x128xf32>
    %reduce_sum3A_909 = arith.constant dense<0.000000e+00> : vector<112xf32>
    %reduce_sum3A_910 = vector.multi_reduction <add>, %mul3A_908, %reduce_sum3A_909 [1] : vector<112x128xf32> to vector<112xf32>
    %broadcast_in_dim3A_911 = vector.shape_cast %reduce_sum3A_910 : vector<112xf32> to vector<112x1xf32>
    %dot_general3A_912 = arith.constant dense<0.000000e+00> : vector<112x256xf32>
    %dot_general3A_913 = tpu.matmul %get3A_907, %get3A_836, %dot_general3A_912 {dimension_numbers = #tpu.dot_dimension_numbers<[1], [0], [0], [1], [0, 0, 1, 1], [], []>, transpose_lhs_hint = false} : vector<112x128xf32>, vector<128x256xf32>, vector<112x256xf32> -> vector<112x256xf32>
    %mul3A_914 = arith.constant 2.000000e+00 : f32
    %mul3A_915 = vector.broadcast %mul3A_914 : f32 to vector<112x256xf32>
    %mul3A_916 = arith.mulf %mul3A_915, %dot_general3A_913 : vector<112x256xf32>
    %sub3A_917 = vector.broadcast %broadcast_in_dim3A_911 : vector<112x1xf32> to vector<112x256xf32>
    %sub3A_918 = arith.subf %sub3A_917, %mul3A_916 : vector<112x256xf32>
    %add3A_919 = vector.broadcast %broadcast_in_dim3A_30 : vector<1x256xf32> to vector<112x256xf32>
    %add3A_920 = arith.addf %sub3A_918, %add3A_919 : vector<112x256xf32>
    %reduce_min3A_921 = arith.constant dense<0x7F800000> : vector<112xf32>
    %reduce_min3A_922 = vector.multi_reduction <minimumf>, %add3A_920, %reduce_min3A_921 [1] : vector<112x256xf32> to vector<112xf32>
    %broadcast_in_dim3A_923 = vector.shape_cast %reduce_min3A_922 : vector<112xf32> to vector<112x1xf32>
    %iota3A_924 = tpu.iota {dimensions = array<i32: 1>} : vector<112x256xi32>
    %add3A_925 = arith.constant 768 : i32
    %add3A_926 = vector.broadcast %add3A_925 : i32 to vector<112x256xi32>
    %add3A_927 = arith.addi %iota3A_924, %add3A_926 : vector<112x256xi32>
    %eq3A_928 = vector.broadcast %broadcast_in_dim3A_923 : vector<112x1xf32> to vector<112x256xf32>
    %eq3A_929 = arith.cmpf oeq, %add3A_920, %eq3A_928 : vector<112x256xf32>
    %jit3A_930 = arith.constant 1073741824 : i32
    %broadcast_in_dim3A_931 = vector.broadcast %jit3A_930 : i32 to vector<112x256xi32>
    %select_n3A_932 = arith.select %eq3A_929, %add3A_927, %broadcast_in_dim3A_931 : vector<112x256xi1>, vector<112x256xi32>
    %reduce_min3A_933 = arith.constant dense<2147483647> : vector<112xi32>
    %reduce_min3A_934 = vector.multi_reduction <minsi>, %select_n3A_932, %reduce_min3A_933 [1] : vector<112x256xi32> to vector<112xi32>
    %broadcast_in_dim3A_935 = vector.shape_cast %reduce_min3A_934 : vector<112xi32> to vector<112x1xi32>
    %lt3A_936 = arith.cmpf olt, %broadcast_in_dim3A_923, %select_n3A_799 : vector<112x1xf32>
    %select_n3A_937 = arith.select %lt3A_936, %broadcast_in_dim3A_935, %select_n3A_798 : vector<112x1xi1>, vector<112x1xi32>
    %select_n3A_938 = arith.select %lt3A_936, %broadcast_in_dim3A_923, %select_n3A_799 : vector<112x1xi1>, vector<112x1xf32>
    %get3A_939 = arith.constant 336 : index
    %get3A_940 = arith.constant 0 : index
    %get3A_941 = vector.load %arg10[%get3A_939, %get3A_940] : memref<448x256xf32, #tpu.memory_space<vmem>>, vector<112x128xf32>
    %mul3A_942 = arith.mulf %get3A_941, %get3A_941 : vector<112x128xf32>
    %reduce_sum3A_943 = arith.constant dense<0.000000e+00> : vector<112xf32>
    %reduce_sum3A_944 = vector.multi_reduction <add>, %mul3A_942, %reduce_sum3A_943 [1] : vector<112x128xf32> to vector<112xf32>
    %broadcast_in_dim3A_945 = vector.shape_cast %reduce_sum3A_944 : vector<112xf32> to vector<112x1xf32>
    %dot_general3A_946 = arith.constant dense<0.000000e+00> : vector<112x256xf32>
    %dot_general3A_947 = tpu.matmul %get3A_941, %get3A_836, %dot_general3A_946 {dimension_numbers = #tpu.dot_dimension_numbers<[1], [0], [0], [1], [0, 0, 1, 1], [], []>, transpose_lhs_hint = false} : vector<112x128xf32>, vector<128x256xf32>, vector<112x256xf32> -> vector<112x256xf32>
    %mul3A_948 = arith.constant 2.000000e+00 : f32
    %mul3A_949 = vector.broadcast %mul3A_948 : f32 to vector<112x256xf32>
    %mul3A_950 = arith.mulf %mul3A_949, %dot_general3A_947 : vector<112x256xf32>
    %sub3A_951 = vector.broadcast %broadcast_in_dim3A_945 : vector<112x1xf32> to vector<112x256xf32>
    %sub3A_952 = arith.subf %sub3A_951, %mul3A_950 : vector<112x256xf32>
    %add3A_953 = vector.broadcast %broadcast_in_dim3A_30 : vector<1x256xf32> to vector<112x256xf32>
    %add3A_954 = arith.addf %sub3A_952, %add3A_953 : vector<112x256xf32>
    %reduce_min3A_955 = arith.constant dense<0x7F800000> : vector<112xf32>
    %reduce_min3A_956 = vector.multi_reduction <minimumf>, %add3A_954, %reduce_min3A_955 [1] : vector<112x256xf32> to vector<112xf32>
    %broadcast_in_dim3A_957 = vector.shape_cast %reduce_min3A_956 : vector<112xf32> to vector<112x1xf32>
    %iota3A_958 = tpu.iota {dimensions = array<i32: 1>} : vector<112x256xi32>
    %add3A_959 = arith.constant 768 : i32
    %add3A_960 = vector.broadcast %add3A_959 : i32 to vector<112x256xi32>
    %add3A_961 = arith.addi %iota3A_958, %add3A_960 : vector<112x256xi32>
    %eq3A_962 = vector.broadcast %broadcast_in_dim3A_957 : vector<112x1xf32> to vector<112x256xf32>
    %eq3A_963 = arith.cmpf oeq, %add3A_954, %eq3A_962 : vector<112x256xf32>
    %jit3A_964 = arith.constant 1073741824 : i32
    %broadcast_in_dim3A_965 = vector.broadcast %jit3A_964 : i32 to vector<112x256xi32>
    %select_n3A_966 = arith.select %eq3A_963, %add3A_961, %broadcast_in_dim3A_965 : vector<112x256xi1>, vector<112x256xi32>
    %reduce_min3A_967 = arith.constant dense<2147483647> : vector<112xi32>
    %reduce_min3A_968 = vector.multi_reduction <minsi>, %select_n3A_966, %reduce_min3A_967 [1] : vector<112x256xi32> to vector<112xi32>
    %broadcast_in_dim3A_969 = vector.shape_cast %reduce_min3A_968 : vector<112xi32> to vector<112x1xi32>
    %lt3A_970 = arith.cmpf olt, %broadcast_in_dim3A_957, %select_n3A_833 : vector<112x1xf32>
    %select_n3A_971 = arith.select %lt3A_970, %broadcast_in_dim3A_969, %select_n3A_832 : vector<112x1xi1>, vector<112x1xi32>
    %select_n3A_972 = arith.select %lt3A_970, %broadcast_in_dim3A_957, %select_n3A_833 : vector<112x1xi1>, vector<112x1xf32>
    %swap3A_973 = arith.constant 0 : index
    %swap3A_974 = arith.constant 0 : index
    %swap3A_975 = arith.constant 0 : index
    %swap3A_976 = vector.load %arg7[%swap3A_973, %swap3A_974, %swap3A_975] : memref<1x448x1xi32, #tpu.memory_space<vmem>>, vector<1x112x1xi32>
    %swap3A_977 = vector.shape_cast %swap3A_976 : vector<1x112x1xi32> to vector<112x1xi32>
    %swap3A_978 = vector.shape_cast %select_n3A_869 : vector<112x1xi32> to vector<1x112x1xi32>
    tpu.vector_store %arg7[%swap3A_973, %swap3A_974, %swap3A_975], %swap3A_978 {strides = array<i32>} : memref<1x448x1xi32, #tpu.memory_space<vmem>>, vector<1x112x1xi32>,
    %reduce_sum3A_979 = vector.shape_cast %select_n3A_870 : vector<112x1xf32> to vector<1x112x1xf32>
    %reduce_sum3A_980 = arith.constant dense<0.000000e+00> : vector<1xf32>
    %reduce_sum3A_981 = vector.multi_reduction <add>, %reduce_sum3A_979, %reduce_sum3A_980 [1, 2] : vector<1x112x1xf32> to vector<1xf32>
    %reduce_sum3A_982 = vector.shape_cast %reduce_sum3A_981 : vector<1xf32> to vector<1x1x1xf32>
    %reduce_sum3A_983 = vector.extract %reduce_sum3A_982[0, 0, 0] : f32 from vector<1x1x1xf32>
    %add3A_984 = arith.constant 0.000000e+00 : f32
    %add3A_985 = arith.addf %add3A_984, %reduce_sum3A_983 : f32
    %swap3A_986 = arith.constant 0 : index
    %swap3A_987 = arith.constant 112 : index
    %swap3A_988 = arith.constant 0 : index
    %swap3A_989 = vector.load %arg7[%swap3A_986, %swap3A_987, %swap3A_988] : memref<1x448x1xi32, #tpu.memory_space<vmem>>, vector<1x112x1xi32>
    %swap3A_990 = vector.shape_cast %swap3A_989 : vector<1x112x1xi32> to vector<112x1xi32>
    %swap3A_991 = vector.shape_cast %select_n3A_903 : vector<112x1xi32> to vector<1x112x1xi32>
    tpu.vector_store %arg7[%swap3A_986, %swap3A_987, %swap3A_988], %swap3A_991 {strides = array<i32>} : memref<1x448x1xi32, #tpu.memory_space<vmem>>, vector<1x112x1xi32>,
    %reduce_sum3A_992 = vector.shape_cast %select_n3A_904 : vector<112x1xf32> to vector<1x112x1xf32>
    %reduce_sum3A_993 = arith.constant dense<0.000000e+00> : vector<1xf32>
    %reduce_sum3A_994 = vector.multi_reduction <add>, %reduce_sum3A_992, %reduce_sum3A_993 [1, 2] : vector<1x112x1xf32> to vector<1xf32>
    %reduce_sum3A_995 = vector.shape_cast %reduce_sum3A_994 : vector<1xf32> to vector<1x1x1xf32>
    %reduce_sum3A_996 = vector.extract %reduce_sum3A_995[0, 0, 0] : f32 from vector<1x1x1xf32>
    %add3A_997 = arith.addf %add3A_985, %reduce_sum3A_996 : f32
    %swap3A_998 = arith.constant 0 : index
    %swap3A_999 = arith.constant 224 : index
    %swap3A_1000 = arith.constant 0 : index
    %swap3A_1001 = vector.load %arg7[%swap3A_998, %swap3A_999, %swap3A_1000] : memref<1x448x1xi32, #tpu.memory_space<vmem>>, vector<1x112x1xi32>
    %swap3A_1002 = vector.shape_cast %swap3A_1001 : vector<1x112x1xi32> to vector<112x1xi32>
    %swap3A_1003 = vector.shape_cast %select_n3A_937 : vector<112x1xi32> to vector<1x112x1xi32>
    tpu.vector_store %arg7[%swap3A_998, %swap3A_999, %swap3A_1000], %swap3A_1003 {strides = array<i32>} : memref<1x448x1xi32, #tpu.memory_space<vmem>>, vector<1x112x1xi32>,
    %reduce_sum3A_1004 = vector.shape_cast %select_n3A_938 : vector<112x1xf32> to vector<1x112x1xf32>
    %reduce_sum3A_1005 = arith.constant dense<0.000000e+00> : vector<1xf32>
    %reduce_sum3A_1006 = vector.multi_reduction <add>, %reduce_sum3A_1004, %reduce_sum3A_1005 [1, 2] : vector<1x112x1xf32> to vector<1xf32>
    %reduce_sum3A_1007 = vector.shape_cast %reduce_sum3A_1006 : vector<1xf32> to vector<1x1x1xf32>
    %reduce_sum3A_1008 = vector.extract %reduce_sum3A_1007[0, 0, 0] : f32 from vector<1x1x1xf32>
    %add3A_1009 = arith.addf %add3A_997, %reduce_sum3A_1008 : f32
    %swap3A_1010 = arith.constant 0 : index
    %swap3A_1011 = arith.constant 336 : index
    %swap3A_1012 = arith.constant 0 : index
    %swap3A_1013 = vector.load %arg7[%swap3A_1010, %swap3A_1011, %swap3A_1012] : memref<1x448x1xi32, #tpu.memory_space<vmem>>, vector<1x112x1xi32>
    %swap3A_1014 = vector.shape_cast %swap3A_1013 : vector<1x112x1xi32> to vector<112x1xi32>
    %swap3A_1015 = vector.shape_cast %select_n3A_971 : vector<112x1xi32> to vector<1x112x1xi32>
    tpu.vector_store %arg7[%swap3A_1010, %swap3A_1011, %swap3A_1012], %swap3A_1015 {strides = array<i32>} : memref<1x448x1xi32, #tpu.memory_space<vmem>>, vector<1x112x1xi32>,
    %reduce_sum3A_1016 = vector.shape_cast %select_n3A_972 : vector<112x1xf32> to vector<1x112x1xf32>
    %reduce_sum3A_1017 = arith.constant dense<0.000000e+00> : vector<1xf32>
    %reduce_sum3A_1018 = vector.multi_reduction <add>, %reduce_sum3A_1016, %reduce_sum3A_1017 [1, 2] : vector<1x112x1xf32> to vector<1xf32>
    %reduce_sum3A_1019 = vector.shape_cast %reduce_sum3A_1018 : vector<1xf32> to vector<1x1x1xf32>
    %reduce_sum3A_1020 = vector.extract %reduce_sum3A_1019[0, 0, 0] : f32 from vector<1x1x1xf32>
    %add3A_1021 = arith.addf %add3A_1009, %reduce_sum3A_1020 : f32
    %get3A_1022 = arith.constant 0 : index
    %get3A_1023 = arith.constant 0 : index
    %get3A_1024 = vector.load %arg6[%get3A_1022, %get3A_1023] : memref<128x1024xf32, #tpu.memory_space<vmem>>, vector<128x256xf32>
    %get3A_1025 = arith.constant 0 : index
    %get3A_1026 = arith.constant 128 : index
    %get3A_1027 = vector.load %arg10[%get3A_1025, %get3A_1026] : memref<448x256xf32, #tpu.memory_space<vmem>>, vector<112x128xf32>
    %mul3A_1028 = arith.mulf %get3A_1027, %get3A_1027 : vector<112x128xf32>
    %reduce_sum3A_1029 = arith.constant dense<0.000000e+00> : vector<112xf32>
    %reduce_sum3A_1030 = vector.multi_reduction <add>, %mul3A_1028, %reduce_sum3A_1029 [1] : vector<112x128xf32> to vector<112xf32>
    %broadcast_in_dim3A_1031 = vector.shape_cast %reduce_sum3A_1030 : vector<112xf32> to vector<112x1xf32>
    %dot_general3A_1032 = arith.constant dense<0.000000e+00> : vector<112x256xf32>
    %dot_general3A_1033 = tpu.matmul %get3A_1027, %get3A_1024, %dot_general3A_1032 {dimension_numbers = #tpu.dot_dimension_numbers<[1], [0], [0], [1], [0, 0, 1, 1], [], []>, transpose_lhs_hint = false} : vector<112x128xf32>, vector<128x256xf32>, vector<112x256xf32> -> vector<112x256xf32>
    %mul3A_1034 = arith.constant 2.000000e+00 : f32
    %mul3A_1035 = vector.broadcast %mul3A_1034 : f32 to vector<112x256xf32>
    %mul3A_1036 = arith.mulf %mul3A_1035, %dot_general3A_1033 : vector<112x256xf32>
    %sub3A_1037 = vector.broadcast %broadcast_in_dim3A_1031 : vector<112x1xf32> to vector<112x256xf32>
    %sub3A_1038 = arith.subf %sub3A_1037, %mul3A_1036 : vector<112x256xf32>
    %add3A_1039 = vector.broadcast %broadcast_in_dim3A_37 : vector<1x256xf32> to vector<112x256xf32>
    %add3A_1040 = arith.addf %sub3A_1038, %add3A_1039 : vector<112x256xf32>
    %reduce_min3A_1041 = arith.constant dense<0x7F800000> : vector<112xf32>
    %reduce_min3A_1042 = vector.multi_reduction <minimumf>, %add3A_1040, %reduce_min3A_1041 [1] : vector<112x256xf32> to vector<112xf32>
    %broadcast_in_dim3A_1043 = vector.shape_cast %reduce_min3A_1042 : vector<112xf32> to vector<112x1xf32>
    %iota3A_1044 = tpu.iota {dimensions = array<i32: 1>} : vector<112x256xi32>
    %add3A_1045 = arith.constant 0 : i32
    %add3A_1046 = vector.broadcast %add3A_1045 : i32 to vector<112x256xi32>
    %add3A_1047 = arith.addi %iota3A_1044, %add3A_1046 : vector<112x256xi32>
    %eq3A_1048 = vector.broadcast %broadcast_in_dim3A_1043 : vector<112x1xf32> to vector<112x256xf32>
    %eq3A_1049 = arith.cmpf oeq, %add3A_1040, %eq3A_1048 : vector<112x256xf32>
    %jit3A_1050 = arith.constant 1073741824 : i32
    %broadcast_in_dim3A_1051 = vector.broadcast %jit3A_1050 : i32 to vector<112x256xi32>
    %select_n3A_1052 = arith.select %eq3A_1049, %add3A_1047, %broadcast_in_dim3A_1051 : vector<112x256xi1>, vector<112x256xi32>
    %reduce_min3A_1053 = arith.constant dense<2147483647> : vector<112xi32>
    %reduce_min3A_1054 = vector.multi_reduction <minsi>, %select_n3A_1052, %reduce_min3A_1053 [1] : vector<112x256xi32> to vector<112xi32>
    %broadcast_in_dim3A_1055 = vector.shape_cast %reduce_min3A_1054 : vector<112xi32> to vector<112x1xi32>
    %get3A_1056 = arith.constant 112 : index
    %get3A_1057 = arith.constant 128 : index
    %get3A_1058 = vector.load %arg10[%get3A_1056, %get3A_1057] : memref<448x256xf32, #tpu.memory_space<vmem>>, vector<112x128xf32>
    %mul3A_1059 = arith.mulf %get3A_1058, %get3A_1058 : vector<112x128xf32>
    %reduce_sum3A_1060 = arith.constant dense<0.000000e+00> : vector<112xf32>
    %reduce_sum3A_1061 = vector.multi_reduction <add>, %mul3A_1059, %reduce_sum3A_1060 [1] : vector<112x128xf32> to vector<112xf32>
    %broadcast_in_dim3A_1062 = vector.shape_cast %reduce_sum3A_1061 : vector<112xf32> to vector<112x1xf32>
    %dot_general3A_1063 = arith.constant dense<0.000000e+00> : vector<112x256xf32>
    %dot_general3A_1064 = tpu.matmul %get3A_1058, %get3A_1024, %dot_general3A_1063 {dimension_numbers = #tpu.dot_dimension_numbers<[1], [0], [0], [1], [0, 0, 1, 1], [], []>, transpose_lhs_hint = false} : vector<112x128xf32>, vector<128x256xf32>, vector<112x256xf32> -> vector<112x256xf32>
    %mul3A_1065 = arith.constant 2.000000e+00 : f32
    %mul3A_1066 = vector.broadcast %mul3A_1065 : f32 to vector<112x256xf32>
    %mul3A_1067 = arith.mulf %mul3A_1066, %dot_general3A_1064 : vector<112x256xf32>
    %sub3A_1068 = vector.broadcast %broadcast_in_dim3A_1062 : vector<112x1xf32> to vector<112x256xf32>
    %sub3A_1069 = arith.subf %sub3A_1068, %mul3A_1067 : vector<112x256xf32>
    %add3A_1070 = vector.broadcast %broadcast_in_dim3A_37 : vector<1x256xf32> to vector<112x256xf32>
    %add3A_1071 = arith.addf %sub3A_1069, %add3A_1070 : vector<112x256xf32>
    %reduce_min3A_1072 = arith.constant dense<0x7F800000> : vector<112xf32>
    %reduce_min3A_1073 = vector.multi_reduction <minimumf>, %add3A_1071, %reduce_min3A_1072 [1] : vector<112x256xf32> to vector<112xf32>
    %broadcast_in_dim3A_1074 = vector.shape_cast %reduce_min3A_1073 : vector<112xf32> to vector<112x1xf32>
    %iota3A_1075 = tpu.iota {dimensions = array<i32: 1>} : vector<112x256xi32>
    %add3A_1076 = arith.constant 0 : i32
    %add3A_1077 = vector.broadcast %add3A_1076 : i32 to vector<112x256xi32>
    %add3A_1078 = arith.addi %iota3A_1075, %add3A_1077 : vector<112x256xi32>
    %eq3A_1079 = vector.broadcast %broadcast_in_dim3A_1074 : vector<112x1xf32> to vector<112x256xf32>
    %eq3A_1080 = arith.cmpf oeq, %add3A_1071, %eq3A_1079 : vector<112x256xf32>
    %jit3A_1081 = arith.constant 1073741824 : i32
    %broadcast_in_dim3A_1082 = vector.broadcast %jit3A_1081 : i32 to vector<112x256xi32>
    %select_n3A_1083 = arith.select %eq3A_1080, %add3A_1078, %broadcast_in_dim3A_1082 : vector<112x256xi1>, vector<112x256xi32>
    %reduce_min3A_1084 = arith.constant dense<2147483647> : vector<112xi32>
    %reduce_min3A_1085 = vector.multi_reduction <minsi>, %select_n3A_1083, %reduce_min3A_1084 [1] : vector<112x256xi32> to vector<112xi32>
    %broadcast_in_dim3A_1086 = vector.shape_cast %reduce_min3A_1085 : vector<112xi32> to vector<112x1xi32>
    %get3A_1087 = arith.constant 224 : index
    %get3A_1088 = arith.constant 128 : index
    %get3A_1089 = vector.load %arg10[%get3A_1087, %get3A_1088] : memref<448x256xf32, #tpu.memory_space<vmem>>, vector<112x128xf32>
    %mul3A_1090 = arith.mulf %get3A_1089, %get3A_1089 : vector<112x128xf32>
    %reduce_sum3A_1091 = arith.constant dense<0.000000e+00> : vector<112xf32>
    %reduce_sum3A_1092 = vector.multi_reduction <add>, %mul3A_1090, %reduce_sum3A_1091 [1] : vector<112x128xf32> to vector<112xf32>
    %broadcast_in_dim3A_1093 = vector.shape_cast %reduce_sum3A_1092 : vector<112xf32> to vector<112x1xf32>
    %dot_general3A_1094 = arith.constant dense<0.000000e+00> : vector<112x256xf32>
    %dot_general3A_1095 = tpu.matmul %get3A_1089, %get3A_1024, %dot_general3A_1094 {dimension_numbers = #tpu.dot_dimension_numbers<[1], [0], [0], [1], [0, 0, 1, 1], [], []>, transpose_lhs_hint = false} : vector<112x128xf32>, vector<128x256xf32>, vector<112x256xf32> -> vector<112x256xf32>
    %mul3A_1096 = arith.constant 2.000000e+00 : f32
    %mul3A_1097 = vector.broadcast %mul3A_1096 : f32 to vector<112x256xf32>
    %mul3A_1098 = arith.mulf %mul3A_1097, %dot_general3A_1095 : vector<112x256xf32>
    %sub3A_1099 = vector.broadcast %broadcast_in_dim3A_1093 : vector<112x1xf32> to vector<112x256xf32>
    %sub3A_1100 = arith.subf %sub3A_1099, %mul3A_1098 : vector<112x256xf32>
    %add3A_1101 = vector.broadcast %broadcast_in_dim3A_37 : vector<1x256xf32> to vector<112x256xf32>
    %add3A_1102 = arith.addf %sub3A_1100, %add3A_1101 : vector<112x256xf32>
    %reduce_min3A_1103 = arith.constant dense<0x7F800000> : vector<112xf32>
    %reduce_min3A_1104 = vector.multi_reduction <minimumf>, %add3A_1102, %reduce_min3A_1103 [1] : vector<112x256xf32> to vector<112xf32>
    %broadcast_in_dim3A_1105 = vector.shape_cast %reduce_min3A_1104 : vector<112xf32> to vector<112x1xf32>
    %iota3A_1106 = tpu.iota {dimensions = array<i32: 1>} : vector<112x256xi32>
    %add3A_1107 = arith.constant 0 : i32
    %add3A_1108 = vector.broadcast %add3A_1107 : i32 to vector<112x256xi32>
    %add3A_1109 = arith.addi %iota3A_1106, %add3A_1108 : vector<112x256xi32>
    %eq3A_1110 = vector.broadcast %broadcast_in_dim3A_1105 : vector<112x1xf32> to vector<112x256xf32>
    %eq3A_1111 = arith.cmpf oeq, %add3A_1102, %eq3A_1110 : vector<112x256xf32>
    %jit3A_1112 = arith.constant 1073741824 : i32
    %broadcast_in_dim3A_1113 = vector.broadcast %jit3A_1112 : i32 to vector<112x256xi32>
    %select_n3A_1114 = arith.select %eq3A_1111, %add3A_1109, %broadcast_in_dim3A_1113 : vector<112x256xi1>, vector<112x256xi32>
    %reduce_min3A_1115 = arith.constant dense<2147483647> : vector<112xi32>
    %reduce_min3A_1116 = vector.multi_reduction <minsi>, %select_n3A_1114, %reduce_min3A_1115 [1] : vector<112x256xi32> to vector<112xi32>
    %broadcast_in_dim3A_1117 = vector.shape_cast %reduce_min3A_1116 : vector<112xi32> to vector<112x1xi32>
    %get3A_1118 = arith.constant 336 : index
    %get3A_1119 = arith.constant 128 : index
    %get3A_1120 = vector.load %arg10[%get3A_1118, %get3A_1119] : memref<448x256xf32, #tpu.memory_space<vmem>>, vector<112x128xf32>
    %mul3A_1121 = arith.mulf %get3A_1120, %get3A_1120 : vector<112x128xf32>
    %reduce_sum3A_1122 = arith.constant dense<0.000000e+00> : vector<112xf32>
    %reduce_sum3A_1123 = vector.multi_reduction <add>, %mul3A_1121, %reduce_sum3A_1122 [1] : vector<112x128xf32> to vector<112xf32>
    %broadcast_in_dim3A_1124 = vector.shape_cast %reduce_sum3A_1123 : vector<112xf32> to vector<112x1xf32>
    %dot_general3A_1125 = arith.constant dense<0.000000e+00> : vector<112x256xf32>
    %dot_general3A_1126 = tpu.matmul %get3A_1120, %get3A_1024, %dot_general3A_1125 {dimension_numbers = #tpu.dot_dimension_numbers<[1], [0], [0], [1], [0, 0, 1, 1], [], []>, transpose_lhs_hint = false} : vector<112x128xf32>, vector<128x256xf32>, vector<112x256xf32> -> vector<112x256xf32>
    %mul3A_1127 = arith.constant 2.000000e+00 : f32
    %mul3A_1128 = vector.broadcast %mul3A_1127 : f32 to vector<112x256xf32>
    %mul3A_1129 = arith.mulf %mul3A_1128, %dot_general3A_1126 : vector<112x256xf32>
    %sub3A_1130 = vector.broadcast %broadcast_in_dim3A_1124 : vector<112x1xf32> to vector<112x256xf32>
    %sub3A_1131 = arith.subf %sub3A_1130, %mul3A_1129 : vector<112x256xf32>
    %add3A_1132 = vector.broadcast %broadcast_in_dim3A_37 : vector<1x256xf32> to vector<112x256xf32>
    %add3A_1133 = arith.addf %sub3A_1131, %add3A_1132 : vector<112x256xf32>
    %reduce_min3A_1134 = arith.constant dense<0x7F800000> : vector<112xf32>
    %reduce_min3A_1135 = vector.multi_reduction <minimumf>, %add3A_1133, %reduce_min3A_1134 [1] : vector<112x256xf32> to vector<112xf32>
    %broadcast_in_dim3A_1136 = vector.shape_cast %reduce_min3A_1135 : vector<112xf32> to vector<112x1xf32>
    %iota3A_1137 = tpu.iota {dimensions = array<i32: 1>} : vector<112x256xi32>
    %add3A_1138 = arith.constant 0 : i32
    %add3A_1139 = vector.broadcast %add3A_1138 : i32 to vector<112x256xi32>
    %add3A_1140 = arith.addi %iota3A_1137, %add3A_1139 : vector<112x256xi32>
    %eq3A_1141 = vector.broadcast %broadcast_in_dim3A_1136 : vector<112x1xf32> to vector<112x256xf32>
    %eq3A_1142 = arith.cmpf oeq, %add3A_1133, %eq3A_1141 : vector<112x256xf32>
    %jit3A_1143 = arith.constant 1073741824 : i32
    %broadcast_in_dim3A_1144 = vector.broadcast %jit3A_1143 : i32 to vector<112x256xi32>
    %select_n3A_1145 = arith.select %eq3A_1142, %add3A_1140, %broadcast_in_dim3A_1144 : vector<112x256xi1>, vector<112x256xi32>
    %reduce_min3A_1146 = arith.constant dense<2147483647> : vector<112xi32>
    %reduce_min3A_1147 = vector.multi_reduction <minsi>, %select_n3A_1145, %reduce_min3A_1146 [1] : vector<112x256xi32> to vector<112xi32>
    %broadcast_in_dim3A_1148 = vector.shape_cast %reduce_min3A_1147 : vector<112xi32> to vector<112x1xi32>
    %get3A_1149 = arith.constant 0 : index
    %get3A_1150 = arith.constant 256 : index
    %get3A_1151 = vector.load %arg6[%get3A_1149, %get3A_1150] : memref<128x1024xf32, #tpu.memory_space<vmem>>, vector<128x256xf32>
    %get3A_1152 = arith.constant 0 : index
    %get3A_1153 = arith.constant 128 : index
    %get3A_1154 = vector.load %arg10[%get3A_1152, %get3A_1153] : memref<448x256xf32, #tpu.memory_space<vmem>>, vector<112x128xf32>
    %mul3A_1155 = arith.mulf %get3A_1154, %get3A_1154 : vector<112x128xf32>
    %reduce_sum3A_1156 = arith.constant dense<0.000000e+00> : vector<112xf32>
    %reduce_sum3A_1157 = vector.multi_reduction <add>, %mul3A_1155, %reduce_sum3A_1156 [1] : vector<112x128xf32> to vector<112xf32>
    %broadcast_in_dim3A_1158 = vector.shape_cast %reduce_sum3A_1157 : vector<112xf32> to vector<112x1xf32>
    %dot_general3A_1159 = arith.constant dense<0.000000e+00> : vector<112x256xf32>
    %dot_general3A_1160 = tpu.matmul %get3A_1154, %get3A_1151, %dot_general3A_1159 {dimension_numbers = #tpu.dot_dimension_numbers<[1], [0], [0], [1], [0, 0, 1, 1], [], []>, transpose_lhs_hint = false} : vector<112x128xf32>, vector<128x256xf32>, vector<112x256xf32> -> vector<112x256xf32>
    %mul3A_1161 = arith.constant 2.000000e+00 : f32
    %mul3A_1162 = vector.broadcast %mul3A_1161 : f32 to vector<112x256xf32>
    %mul3A_1163 = arith.mulf %mul3A_1162, %dot_general3A_1160 : vector<112x256xf32>
    %sub3A_1164 = vector.broadcast %broadcast_in_dim3A_1158 : vector<112x1xf32> to vector<112x256xf32>
    %sub3A_1165 = arith.subf %sub3A_1164, %mul3A_1163 : vector<112x256xf32>
    %add3A_1166 = vector.broadcast %broadcast_in_dim3A_44 : vector<1x256xf32> to vector<112x256xf32>
    %add3A_1167 = arith.addf %sub3A_1165, %add3A_1166 : vector<112x256xf32>
    %reduce_min3A_1168 = arith.constant dense<0x7F800000> : vector<112xf32>
    %reduce_min3A_1169 = vector.multi_reduction <minimumf>, %add3A_1167, %reduce_min3A_1168 [1] : vector<112x256xf32> to vector<112xf32>
    %broadcast_in_dim3A_1170 = vector.shape_cast %reduce_min3A_1169 : vector<112xf32> to vector<112x1xf32>
    %iota3A_1171 = tpu.iota {dimensions = array<i32: 1>} : vector<112x256xi32>
    %add3A_1172 = arith.constant 256 : i32
    %add3A_1173 = vector.broadcast %add3A_1172 : i32 to vector<112x256xi32>
    %add3A_1174 = arith.addi %iota3A_1171, %add3A_1173 : vector<112x256xi32>
    %eq3A_1175 = vector.broadcast %broadcast_in_dim3A_1170 : vector<112x1xf32> to vector<112x256xf32>
    %eq3A_1176 = arith.cmpf oeq, %add3A_1167, %eq3A_1175 : vector<112x256xf32>
    %jit3A_1177 = arith.constant 1073741824 : i32
    %broadcast_in_dim3A_1178 = vector.broadcast %jit3A_1177 : i32 to vector<112x256xi32>
    %select_n3A_1179 = arith.select %eq3A_1176, %add3A_1174, %broadcast_in_dim3A_1178 : vector<112x256xi1>, vector<112x256xi32>
    %reduce_min3A_1180 = arith.constant dense<2147483647> : vector<112xi32>
    %reduce_min3A_1181 = vector.multi_reduction <minsi>, %select_n3A_1179, %reduce_min3A_1180 [1] : vector<112x256xi32> to vector<112xi32>
    %broadcast_in_dim3A_1182 = vector.shape_cast %reduce_min3A_1181 : vector<112xi32> to vector<112x1xi32>
    %lt3A_1183 = arith.cmpf olt, %broadcast_in_dim3A_1170, %broadcast_in_dim3A_1043 : vector<112x1xf32>
    %select_n3A_1184 = arith.select %lt3A_1183, %broadcast_in_dim3A_1182, %broadcast_in_dim3A_1055 : vector<112x1xi1>, vector<112x1xi32>
    %select_n3A_1185 = arith.select %lt3A_1183, %broadcast_in_dim3A_1170, %broadcast_in_dim3A_1043 : vector<112x1xi1>, vector<112x1xf32>
    %get3A_1186 = arith.constant 112 : index
    %get3A_1187 = arith.constant 128 : index
    %get3A_1188 = vector.load %arg10[%get3A_1186, %get3A_1187] : memref<448x256xf32, #tpu.memory_space<vmem>>, vector<112x128xf32>
    %mul3A_1189 = arith.mulf %get3A_1188, %get3A_1188 : vector<112x128xf32>
    %reduce_sum3A_1190 = arith.constant dense<0.000000e+00> : vector<112xf32>
    %reduce_sum3A_1191 = vector.multi_reduction <add>, %mul3A_1189, %reduce_sum3A_1190 [1] : vector<112x128xf32> to vector<112xf32>
    %broadcast_in_dim3A_1192 = vector.shape_cast %reduce_sum3A_1191 : vector<112xf32> to vector<112x1xf32>
    %dot_general3A_1193 = arith.constant dense<0.000000e+00> : vector<112x256xf32>
    %dot_general3A_1194 = tpu.matmul %get3A_1188, %get3A_1151, %dot_general3A_1193 {dimension_numbers = #tpu.dot_dimension_numbers<[1], [0], [0], [1], [0, 0, 1, 1], [], []>, transpose_lhs_hint = false} : vector<112x128xf32>, vector<128x256xf32>, vector<112x256xf32> -> vector<112x256xf32>
    %mul3A_1195 = arith.constant 2.000000e+00 : f32
    %mul3A_1196 = vector.broadcast %mul3A_1195 : f32 to vector<112x256xf32>
    %mul3A_1197 = arith.mulf %mul3A_1196, %dot_general3A_1194 : vector<112x256xf32>
    %sub3A_1198 = vector.broadcast %broadcast_in_dim3A_1192 : vector<112x1xf32> to vector<112x256xf32>
    %sub3A_1199 = arith.subf %sub3A_1198, %mul3A_1197 : vector<112x256xf32>
    %add3A_1200 = vector.broadcast %broadcast_in_dim3A_44 : vector<1x256xf32> to vector<112x256xf32>
    %add3A_1201 = arith.addf %sub3A_1199, %add3A_1200 : vector<112x256xf32>
    %reduce_min3A_1202 = arith.constant dense<0x7F800000> : vector<112xf32>
    %reduce_min3A_1203 = vector.multi_reduction <minimumf>, %add3A_1201, %reduce_min3A_1202 [1] : vector<112x256xf32> to vector<112xf32>
    %broadcast_in_dim3A_1204 = vector.shape_cast %reduce_min3A_1203 : vector<112xf32> to vector<112x1xf32>
    %iota3A_1205 = tpu.iota {dimensions = array<i32: 1>} : vector<112x256xi32>
    %add3A_1206 = arith.constant 256 : i32
    %add3A_1207 = vector.broadcast %add3A_1206 : i32 to vector<112x256xi32>
    %add3A_1208 = arith.addi %iota3A_1205, %add3A_1207 : vector<112x256xi32>
    %eq3A_1209 = vector.broadcast %broadcast_in_dim3A_1204 : vector<112x1xf32> to vector<112x256xf32>
    %eq3A_1210 = arith.cmpf oeq, %add3A_1201, %eq3A_1209 : vector<112x256xf32>
    %jit3A_1211 = arith.constant 1073741824 : i32
    %broadcast_in_dim3A_1212 = vector.broadcast %jit3A_1211 : i32 to vector<112x256xi32>
    %select_n3A_1213 = arith.select %eq3A_1210, %add3A_1208, %broadcast_in_dim3A_1212 : vector<112x256xi1>, vector<112x256xi32>
    %reduce_min3A_1214 = arith.constant dense<2147483647> : vector<112xi32>
    %reduce_min3A_1215 = vector.multi_reduction <minsi>, %select_n3A_1213, %reduce_min3A_1214 [1] : vector<112x256xi32> to vector<112xi32>
    %broadcast_in_dim3A_1216 = vector.shape_cast %reduce_min3A_1215 : vector<112xi32> to vector<112x1xi32>
    %lt3A_1217 = arith.cmpf olt, %broadcast_in_dim3A_1204, %broadcast_in_dim3A_1074 : vector<112x1xf32>
    %select_n3A_1218 = arith.select %lt3A_1217, %broadcast_in_dim3A_1216, %broadcast_in_dim3A_1086 : vector<112x1xi1>, vector<112x1xi32>
    %select_n3A_1219 = arith.select %lt3A_1217, %broadcast_in_dim3A_1204, %broadcast_in_dim3A_1074 : vector<112x1xi1>, vector<112x1xf32>
    %get3A_1220 = arith.constant 224 : index
    %get3A_1221 = arith.constant 128 : index
    %get3A_1222 = vector.load %arg10[%get3A_1220, %get3A_1221] : memref<448x256xf32, #tpu.memory_space<vmem>>, vector<112x128xf32>
    %mul3A_1223 = arith.mulf %get3A_1222, %get3A_1222 : vector<112x128xf32>
    %reduce_sum3A_1224 = arith.constant dense<0.000000e+00> : vector<112xf32>
    %reduce_sum3A_1225 = vector.multi_reduction <add>, %mul3A_1223, %reduce_sum3A_1224 [1] : vector<112x128xf32> to vector<112xf32>
    %broadcast_in_dim3A_1226 = vector.shape_cast %reduce_sum3A_1225 : vector<112xf32> to vector<112x1xf32>
    %dot_general3A_1227 = arith.constant dense<0.000000e+00> : vector<112x256xf32>
    %dot_general3A_1228 = tpu.matmul %get3A_1222, %get3A_1151, %dot_general3A_1227 {dimension_numbers = #tpu.dot_dimension_numbers<[1], [0], [0], [1], [0, 0, 1, 1], [], []>, transpose_lhs_hint = false} : vector<112x128xf32>, vector<128x256xf32>, vector<112x256xf32> -> vector<112x256xf32>
    %mul3A_1229 = arith.constant 2.000000e+00 : f32
    %mul3A_1230 = vector.broadcast %mul3A_1229 : f32 to vector<112x256xf32>
    %mul3A_1231 = arith.mulf %mul3A_1230, %dot_general3A_1228 : vector<112x256xf32>
    %sub3A_1232 = vector.broadcast %broadcast_in_dim3A_1226 : vector<112x1xf32> to vector<112x256xf32>
    %sub3A_1233 = arith.subf %sub3A_1232, %mul3A_1231 : vector<112x256xf32>
    %add3A_1234 = vector.broadcast %broadcast_in_dim3A_44 : vector<1x256xf32> to vector<112x256xf32>
    %add3A_1235 = arith.addf %sub3A_1233, %add3A_1234 : vector<112x256xf32>
    %reduce_min3A_1236 = arith.constant dense<0x7F800000> : vector<112xf32>
    %reduce_min3A_1237 = vector.multi_reduction <minimumf>, %add3A_1235, %reduce_min3A_1236 [1] : vector<112x256xf32> to vector<112xf32>
    %broadcast_in_dim3A_1238 = vector.shape_cast %reduce_min3A_1237 : vector<112xf32> to vector<112x1xf32>
    %iota3A_1239 = tpu.iota {dimensions = array<i32: 1>} : vector<112x256xi32>
    %add3A_1240 = arith.constant 256 : i32
    %add3A_1241 = vector.broadcast %add3A_1240 : i32 to vector<112x256xi32>
    %add3A_1242 = arith.addi %iota3A_1239, %add3A_1241 : vector<112x256xi32>
    %eq3A_1243 = vector.broadcast %broadcast_in_dim3A_1238 : vector<112x1xf32> to vector<112x256xf32>
    %eq3A_1244 = arith.cmpf oeq, %add3A_1235, %eq3A_1243 : vector<112x256xf32>
    %jit3A_1245 = arith.constant 1073741824 : i32
    %broadcast_in_dim3A_1246 = vector.broadcast %jit3A_1245 : i32 to vector<112x256xi32>
    %select_n3A_1247 = arith.select %eq3A_1244, %add3A_1242, %broadcast_in_dim3A_1246 : vector<112x256xi1>, vector<112x256xi32>
    %reduce_min3A_1248 = arith.constant dense<2147483647> : vector<112xi32>
    %reduce_min3A_1249 = vector.multi_reduction <minsi>, %select_n3A_1247, %reduce_min3A_1248 [1] : vector<112x256xi32> to vector<112xi32>
    %broadcast_in_dim3A_1250 = vector.shape_cast %reduce_min3A_1249 : vector<112xi32> to vector<112x1xi32>
    %lt3A_1251 = arith.cmpf olt, %broadcast_in_dim3A_1238, %broadcast_in_dim3A_1105 : vector<112x1xf32>
    %select_n3A_1252 = arith.select %lt3A_1251, %broadcast_in_dim3A_1250, %broadcast_in_dim3A_1117 : vector<112x1xi1>, vector<112x1xi32>
    %select_n3A_1253 = arith.select %lt3A_1251, %broadcast_in_dim3A_1238, %broadcast_in_dim3A_1105 : vector<112x1xi1>, vector<112x1xf32>
    %get3A_1254 = arith.constant 336 : index
    %get3A_1255 = arith.constant 128 : index
    %get3A_1256 = vector.load %arg10[%get3A_1254, %get3A_1255] : memref<448x256xf32, #tpu.memory_space<vmem>>, vector<112x128xf32>
    %mul3A_1257 = arith.mulf %get3A_1256, %get3A_1256 : vector<112x128xf32>
    %reduce_sum3A_1258 = arith.constant dense<0.000000e+00> : vector<112xf32>
    %reduce_sum3A_1259 = vector.multi_reduction <add>, %mul3A_1257, %reduce_sum3A_1258 [1] : vector<112x128xf32> to vector<112xf32>
    %broadcast_in_dim3A_1260 = vector.shape_cast %reduce_sum3A_1259 : vector<112xf32> to vector<112x1xf32>
    %dot_general3A_1261 = arith.constant dense<0.000000e+00> : vector<112x256xf32>
    %dot_general3A_1262 = tpu.matmul %get3A_1256, %get3A_1151, %dot_general3A_1261 {dimension_numbers = #tpu.dot_dimension_numbers<[1], [0], [0], [1], [0, 0, 1, 1], [], []>, transpose_lhs_hint = false} : vector<112x128xf32>, vector<128x256xf32>, vector<112x256xf32> -> vector<112x256xf32>
    %mul3A_1263 = arith.constant 2.000000e+00 : f32
    %mul3A_1264 = vector.broadcast %mul3A_1263 : f32 to vector<112x256xf32>
    %mul3A_1265 = arith.mulf %mul3A_1264, %dot_general3A_1262 : vector<112x256xf32>
    %sub3A_1266 = vector.broadcast %broadcast_in_dim3A_1260 : vector<112x1xf32> to vector<112x256xf32>
    %sub3A_1267 = arith.subf %sub3A_1266, %mul3A_1265 : vector<112x256xf32>
    %add3A_1268 = vector.broadcast %broadcast_in_dim3A_44 : vector<1x256xf32> to vector<112x256xf32>
    %add3A_1269 = arith.addf %sub3A_1267, %add3A_1268 : vector<112x256xf32>
    %reduce_min3A_1270 = arith.constant dense<0x7F800000> : vector<112xf32>
    %reduce_min3A_1271 = vector.multi_reduction <minimumf>, %add3A_1269, %reduce_min3A_1270 [1] : vector<112x256xf32> to vector<112xf32>
    %broadcast_in_dim3A_1272 = vector.shape_cast %reduce_min3A_1271 : vector<112xf32> to vector<112x1xf32>
    %iota3A_1273 = tpu.iota {dimensions = array<i32: 1>} : vector<112x256xi32>
    %add3A_1274 = arith.constant 256 : i32
    %add3A_1275 = vector.broadcast %add3A_1274 : i32 to vector<112x256xi32>
    %add3A_1276 = arith.addi %iota3A_1273, %add3A_1275 : vector<112x256xi32>
    %eq3A_1277 = vector.broadcast %broadcast_in_dim3A_1272 : vector<112x1xf32> to vector<112x256xf32>
    %eq3A_1278 = arith.cmpf oeq, %add3A_1269, %eq3A_1277 : vector<112x256xf32>
    %jit3A_1279 = arith.constant 1073741824 : i32
    %broadcast_in_dim3A_1280 = vector.broadcast %jit3A_1279 : i32 to vector<112x256xi32>
    %select_n3A_1281 = arith.select %eq3A_1278, %add3A_1276, %broadcast_in_dim3A_1280 : vector<112x256xi1>, vector<112x256xi32>
    %reduce_min3A_1282 = arith.constant dense<2147483647> : vector<112xi32>
    %reduce_min3A_1283 = vector.multi_reduction <minsi>, %select_n3A_1281, %reduce_min3A_1282 [1] : vector<112x256xi32> to vector<112xi32>
    %broadcast_in_dim3A_1284 = vector.shape_cast %reduce_min3A_1283 : vector<112xi32> to vector<112x1xi32>
    %lt3A_1285 = arith.cmpf olt, %broadcast_in_dim3A_1272, %broadcast_in_dim3A_1136 : vector<112x1xf32>
    %select_n3A_1286 = arith.select %lt3A_1285, %broadcast_in_dim3A_1284, %broadcast_in_dim3A_1148 : vector<112x1xi1>, vector<112x1xi32>
    %select_n3A_1287 = arith.select %lt3A_1285, %broadcast_in_dim3A_1272, %broadcast_in_dim3A_1136 : vector<112x1xi1>, vector<112x1xf32>
    %get3A_1288 = arith.constant 0 : index
    %get3A_1289 = arith.constant 512 : index
    %get3A_1290 = vector.load %arg6[%get3A_1288, %get3A_1289] : memref<128x1024xf32, #tpu.memory_space<vmem>>, vector<128x256xf32>
    %get3A_1291 = arith.constant 0 : index
    %get3A_1292 = arith.constant 128 : index
    %get3A_1293 = vector.load %arg10[%get3A_1291, %get3A_1292] : memref<448x256xf32, #tpu.memory_space<vmem>>, vector<112x128xf32>
    %mul3A_1294 = arith.mulf %get3A_1293, %get3A_1293 : vector<112x128xf32>
    %reduce_sum3A_1295 = arith.constant dense<0.000000e+00> : vector<112xf32>
    %reduce_sum3A_1296 = vector.multi_reduction <add>, %mul3A_1294, %reduce_sum3A_1295 [1] : vector<112x128xf32> to vector<112xf32>
    %broadcast_in_dim3A_1297 = vector.shape_cast %reduce_sum3A_1296 : vector<112xf32> to vector<112x1xf32>
    %dot_general3A_1298 = arith.constant dense<0.000000e+00> : vector<112x256xf32>
    %dot_general3A_1299 = tpu.matmul %get3A_1293, %get3A_1290, %dot_general3A_1298 {dimension_numbers = #tpu.dot_dimension_numbers<[1], [0], [0], [1], [0, 0, 1, 1], [], []>, transpose_lhs_hint = false} : vector<112x128xf32>, vector<128x256xf32>, vector<112x256xf32> -> vector<112x256xf32>
    %mul3A_1300 = arith.constant 2.000000e+00 : f32
    %mul3A_1301 = vector.broadcast %mul3A_1300 : f32 to vector<112x256xf32>
    %mul3A_1302 = arith.mulf %mul3A_1301, %dot_general3A_1299 : vector<112x256xf32>
    %sub3A_1303 = vector.broadcast %broadcast_in_dim3A_1297 : vector<112x1xf32> to vector<112x256xf32>
    %sub3A_1304 = arith.subf %sub3A_1303, %mul3A_1302 : vector<112x256xf32>
    %add3A_1305 = vector.broadcast %broadcast_in_dim3A_51 : vector<1x256xf32> to vector<112x256xf32>
    %add3A_1306 = arith.addf %sub3A_1304, %add3A_1305 : vector<112x256xf32>
    %reduce_min3A_1307 = arith.constant dense<0x7F800000> : vector<112xf32>
    %reduce_min3A_1308 = vector.multi_reduction <minimumf>, %add3A_1306, %reduce_min3A_1307 [1] : vector<112x256xf32> to vector<112xf32>
    %broadcast_in_dim3A_1309 = vector.shape_cast %reduce_min3A_1308 : vector<112xf32> to vector<112x1xf32>
    %iota3A_1310 = tpu.iota {dimensions = array<i32: 1>} : vector<112x256xi32>
    %add3A_1311 = arith.constant 512 : i32
    %add3A_1312 = vector.broadcast %add3A_1311 : i32 to vector<112x256xi32>
    %add3A_1313 = arith.addi %iota3A_1310, %add3A_1312 : vector<112x256xi32>
    %eq3A_1314 = vector.broadcast %broadcast_in_dim3A_1309 : vector<112x1xf32> to vector<112x256xf32>
    %eq3A_1315 = arith.cmpf oeq, %add3A_1306, %eq3A_1314 : vector<112x256xf32>
    %jit3A_1316 = arith.constant 1073741824 : i32
    %broadcast_in_dim3A_1317 = vector.broadcast %jit3A_1316 : i32 to vector<112x256xi32>
    %select_n3A_1318 = arith.select %eq3A_1315, %add3A_1313, %broadcast_in_dim3A_1317 : vector<112x256xi1>, vector<112x256xi32>
    %reduce_min3A_1319 = arith.constant dense<2147483647> : vector<112xi32>
    %reduce_min3A_1320 = vector.multi_reduction <minsi>, %select_n3A_1318, %reduce_min3A_1319 [1] : vector<112x256xi32> to vector<112xi32>
    %broadcast_in_dim3A_1321 = vector.shape_cast %reduce_min3A_1320 : vector<112xi32> to vector<112x1xi32>
    %lt3A_1322 = arith.cmpf olt, %broadcast_in_dim3A_1309, %select_n3A_1185 : vector<112x1xf32>
    %select_n3A_1323 = arith.select %lt3A_1322, %broadcast_in_dim3A_1321, %select_n3A_1184 : vector<112x1xi1>, vector<112x1xi32>
    %select_n3A_1324 = arith.select %lt3A_1322, %broadcast_in_dim3A_1309, %select_n3A_1185 : vector<112x1xi1>, vector<112x1xf32>
    %get3A_1325 = arith.constant 112 : index
    %get3A_1326 = arith.constant 128 : index
    %get3A_1327 = vector.load %arg10[%get3A_1325, %get3A_1326] : memref<448x256xf32, #tpu.memory_space<vmem>>, vector<112x128xf32>
    %mul3A_1328 = arith.mulf %get3A_1327, %get3A_1327 : vector<112x128xf32>
    %reduce_sum3A_1329 = arith.constant dense<0.000000e+00> : vector<112xf32>
    %reduce_sum3A_1330 = vector.multi_reduction <add>, %mul3A_1328, %reduce_sum3A_1329 [1] : vector<112x128xf32> to vector<112xf32>
    %broadcast_in_dim3A_1331 = vector.shape_cast %reduce_sum3A_1330 : vector<112xf32> to vector<112x1xf32>
    %dot_general3A_1332 = arith.constant dense<0.000000e+00> : vector<112x256xf32>
    %dot_general3A_1333 = tpu.matmul %get3A_1327, %get3A_1290, %dot_general3A_1332 {dimension_numbers = #tpu.dot_dimension_numbers<[1], [0], [0], [1], [0, 0, 1, 1], [], []>, transpose_lhs_hint = false} : vector<112x128xf32>, vector<128x256xf32>, vector<112x256xf32> -> vector<112x256xf32>
    %mul3A_1334 = arith.constant 2.000000e+00 : f32
    %mul3A_1335 = vector.broadcast %mul3A_1334 : f32 to vector<112x256xf32>
    %mul3A_1336 = arith.mulf %mul3A_1335, %dot_general3A_1333 : vector<112x256xf32>
    %sub3A_1337 = vector.broadcast %broadcast_in_dim3A_1331 : vector<112x1xf32> to vector<112x256xf32>
    %sub3A_1338 = arith.subf %sub3A_1337, %mul3A_1336 : vector<112x256xf32>
    %add3A_1339 = vector.broadcast %broadcast_in_dim3A_51 : vector<1x256xf32> to vector<112x256xf32>
    %add3A_1340 = arith.addf %sub3A_1338, %add3A_1339 : vector<112x256xf32>
    %reduce_min3A_1341 = arith.constant dense<0x7F800000> : vector<112xf32>
    %reduce_min3A_1342 = vector.multi_reduction <minimumf>, %add3A_1340, %reduce_min3A_1341 [1] : vector<112x256xf32> to vector<112xf32>
    %broadcast_in_dim3A_1343 = vector.shape_cast %reduce_min3A_1342 : vector<112xf32> to vector<112x1xf32>
    %iota3A_1344 = tpu.iota {dimensions = array<i32: 1>} : vector<112x256xi32>
    %add3A_1345 = arith.constant 512 : i32
    %add3A_1346 = vector.broadcast %add3A_1345 : i32 to vector<112x256xi32>
    %add3A_1347 = arith.addi %iota3A_1344, %add3A_1346 : vector<112x256xi32>
    %eq3A_1348 = vector.broadcast %broadcast_in_dim3A_1343 : vector<112x1xf32> to vector<112x256xf32>
    %eq3A_1349 = arith.cmpf oeq, %add3A_1340, %eq3A_1348 : vector<112x256xf32>
    %jit3A_1350 = arith.constant 1073741824 : i32
    %broadcast_in_dim3A_1351 = vector.broadcast %jit3A_1350 : i32 to vector<112x256xi32>
    %select_n3A_1352 = arith.select %eq3A_1349, %add3A_1347, %broadcast_in_dim3A_1351 : vector<112x256xi1>, vector<112x256xi32>
    %reduce_min3A_1353 = arith.constant dense<2147483647> : vector<112xi32>
    %reduce_min3A_1354 = vector.multi_reduction <minsi>, %select_n3A_1352, %reduce_min3A_1353 [1] : vector<112x256xi32> to vector<112xi32>
    %broadcast_in_dim3A_1355 = vector.shape_cast %reduce_min3A_1354 : vector<112xi32> to vector<112x1xi32>
    %lt3A_1356 = arith.cmpf olt, %broadcast_in_dim3A_1343, %select_n3A_1219 : vector<112x1xf32>
    %select_n3A_1357 = arith.select %lt3A_1356, %broadcast_in_dim3A_1355, %select_n3A_1218 : vector<112x1xi1>, vector<112x1xi32>
    %select_n3A_1358 = arith.select %lt3A_1356, %broadcast_in_dim3A_1343, %select_n3A_1219 : vector<112x1xi1>, vector<112x1xf32>
    %get3A_1359 = arith.constant 224 : index
    %get3A_1360 = arith.constant 128 : index
    %get3A_1361 = vector.load %arg10[%get3A_1359, %get3A_1360] : memref<448x256xf32, #tpu.memory_space<vmem>>, vector<112x128xf32>
    %mul3A_1362 = arith.mulf %get3A_1361, %get3A_1361 : vector<112x128xf32>
    %reduce_sum3A_1363 = arith.constant dense<0.000000e+00> : vector<112xf32>
    %reduce_sum3A_1364 = vector.multi_reduction <add>, %mul3A_1362, %reduce_sum3A_1363 [1] : vector<112x128xf32> to vector<112xf32>
    %broadcast_in_dim3A_1365 = vector.shape_cast %reduce_sum3A_1364 : vector<112xf32> to vector<112x1xf32>
    %dot_general3A_1366 = arith.constant dense<0.000000e+00> : vector<112x256xf32>
    %dot_general3A_1367 = tpu.matmul %get3A_1361, %get3A_1290, %dot_general3A_1366 {dimension_numbers = #tpu.dot_dimension_numbers<[1], [0], [0], [1], [0, 0, 1, 1], [], []>, transpose_lhs_hint = false} : vector<112x128xf32>, vector<128x256xf32>, vector<112x256xf32> -> vector<112x256xf32>
    %mul3A_1368 = arith.constant 2.000000e+00 : f32
    %mul3A_1369 = vector.broadcast %mul3A_1368 : f32 to vector<112x256xf32>
    %mul3A_1370 = arith.mulf %mul3A_1369, %dot_general3A_1367 : vector<112x256xf32>
    %sub3A_1371 = vector.broadcast %broadcast_in_dim3A_1365 : vector<112x1xf32> to vector<112x256xf32>
    %sub3A_1372 = arith.subf %sub3A_1371, %mul3A_1370 : vector<112x256xf32>
    %add3A_1373 = vector.broadcast %broadcast_in_dim3A_51 : vector<1x256xf32> to vector<112x256xf32>
    %add3A_1374 = arith.addf %sub3A_1372, %add3A_1373 : vector<112x256xf32>
    %reduce_min3A_1375 = arith.constant dense<0x7F800000> : vector<112xf32>
    %reduce_min3A_1376 = vector.multi_reduction <minimumf>, %add3A_1374, %reduce_min3A_1375 [1] : vector<112x256xf32> to vector<112xf32>
    %broadcast_in_dim3A_1377 = vector.shape_cast %reduce_min3A_1376 : vector<112xf32> to vector<112x1xf32>
    %iota3A_1378 = tpu.iota {dimensions = array<i32: 1>} : vector<112x256xi32>
    %add3A_1379 = arith.constant 512 : i32
    %add3A_1380 = vector.broadcast %add3A_1379 : i32 to vector<112x256xi32>
    %add3A_1381 = arith.addi %iota3A_1378, %add3A_1380 : vector<112x256xi32>
    %eq3A_1382 = vector.broadcast %broadcast_in_dim3A_1377 : vector<112x1xf32> to vector<112x256xf32>
    %eq3A_1383 = arith.cmpf oeq, %add3A_1374, %eq3A_1382 : vector<112x256xf32>
    %jit3A_1384 = arith.constant 1073741824 : i32
    %broadcast_in_dim3A_1385 = vector.broadcast %jit3A_1384 : i32 to vector<112x256xi32>
    %select_n3A_1386 = arith.select %eq3A_1383, %add3A_1381, %broadcast_in_dim3A_1385 : vector<112x256xi1>, vector<112x256xi32>
    %reduce_min3A_1387 = arith.constant dense<2147483647> : vector<112xi32>
    %reduce_min3A_1388 = vector.multi_reduction <minsi>, %select_n3A_1386, %reduce_min3A_1387 [1] : vector<112x256xi32> to vector<112xi32>
    %broadcast_in_dim3A_1389 = vector.shape_cast %reduce_min3A_1388 : vector<112xi32> to vector<112x1xi32>
    %lt3A_1390 = arith.cmpf olt, %broadcast_in_dim3A_1377, %select_n3A_1253 : vector<112x1xf32>
    %select_n3A_1391 = arith.select %lt3A_1390, %broadcast_in_dim3A_1389, %select_n3A_1252 : vector<112x1xi1>, vector<112x1xi32>
    %select_n3A_1392 = arith.select %lt3A_1390, %broadcast_in_dim3A_1377, %select_n3A_1253 : vector<112x1xi1>, vector<112x1xf32>
    %get3A_1393 = arith.constant 336 : index
    %get3A_1394 = arith.constant 128 : index
    %get3A_1395 = vector.load %arg10[%get3A_1393, %get3A_1394] : memref<448x256xf32, #tpu.memory_space<vmem>>, vector<112x128xf32>
    %mul3A_1396 = arith.mulf %get3A_1395, %get3A_1395 : vector<112x128xf32>
    %reduce_sum3A_1397 = arith.constant dense<0.000000e+00> : vector<112xf32>
    %reduce_sum3A_1398 = vector.multi_reduction <add>, %mul3A_1396, %reduce_sum3A_1397 [1] : vector<112x128xf32> to vector<112xf32>
    %broadcast_in_dim3A_1399 = vector.shape_cast %reduce_sum3A_1398 : vector<112xf32> to vector<112x1xf32>
    %dot_general3A_1400 = arith.constant dense<0.000000e+00> : vector<112x256xf32>
    %dot_general3A_1401 = tpu.matmul %get3A_1395, %get3A_1290, %dot_general3A_1400 {dimension_numbers = #tpu.dot_dimension_numbers<[1], [0], [0], [1], [0, 0, 1, 1], [], []>, transpose_lhs_hint = false} : vector<112x128xf32>, vector<128x256xf32>, vector<112x256xf32> -> vector<112x256xf32>
    %mul3A_1402 = arith.constant 2.000000e+00 : f32
    %mul3A_1403 = vector.broadcast %mul3A_1402 : f32 to vector<112x256xf32>
    %mul3A_1404 = arith.mulf %mul3A_1403, %dot_general3A_1401 : vector<112x256xf32>
    %sub3A_1405 = vector.broadcast %broadcast_in_dim3A_1399 : vector<112x1xf32> to vector<112x256xf32>
    %sub3A_1406 = arith.subf %sub3A_1405, %mul3A_1404 : vector<112x256xf32>
    %add3A_1407 = vector.broadcast %broadcast_in_dim3A_51 : vector<1x256xf32> to vector<112x256xf32>
    %add3A_1408 = arith.addf %sub3A_1406, %add3A_1407 : vector<112x256xf32>
    %reduce_min3A_1409 = arith.constant dense<0x7F800000> : vector<112xf32>
    %reduce_min3A_1410 = vector.multi_reduction <minimumf>, %add3A_1408, %reduce_min3A_1409 [1] : vector<112x256xf32> to vector<112xf32>
    %broadcast_in_dim3A_1411 = vector.shape_cast %reduce_min3A_1410 : vector<112xf32> to vector<112x1xf32>
    %iota3A_1412 = tpu.iota {dimensions = array<i32: 1>} : vector<112x256xi32>
    %add3A_1413 = arith.constant 512 : i32
    %add3A_1414 = vector.broadcast %add3A_1413 : i32 to vector<112x256xi32>
    %add3A_1415 = arith.addi %iota3A_1412, %add3A_1414 : vector<112x256xi32>
    %eq3A_1416 = vector.broadcast %broadcast_in_dim3A_1411 : vector<112x1xf32> to vector<112x256xf32>
    %eq3A_1417 = arith.cmpf oeq, %add3A_1408, %eq3A_1416 : vector<112x256xf32>
    %jit3A_1418 = arith.constant 1073741824 : i32
    %broadcast_in_dim3A_1419 = vector.broadcast %jit3A_1418 : i32 to vector<112x256xi32>
    %select_n3A_1420 = arith.select %eq3A_1417, %add3A_1415, %broadcast_in_dim3A_1419 : vector<112x256xi1>, vector<112x256xi32>
    %reduce_min3A_1421 = arith.constant dense<2147483647> : vector<112xi32>
    %reduce_min3A_1422 = vector.multi_reduction <minsi>, %select_n3A_1420, %reduce_min3A_1421 [1] : vector<112x256xi32> to vector<112xi32>
    %broadcast_in_dim3A_1423 = vector.shape_cast %reduce_min3A_1422 : vector<112xi32> to vector<112x1xi32>
    %lt3A_1424 = arith.cmpf olt, %broadcast_in_dim3A_1411, %select_n3A_1287 : vector<112x1xf32>
    %select_n3A_1425 = arith.select %lt3A_1424, %broadcast_in_dim3A_1423, %select_n3A_1286 : vector<112x1xi1>, vector<112x1xi32>
    %select_n3A_1426 = arith.select %lt3A_1424, %broadcast_in_dim3A_1411, %select_n3A_1287 : vector<112x1xi1>, vector<112x1xf32>
    %get3A_1427 = arith.constant 0 : index
    %get3A_1428 = arith.constant 768 : index
    %get3A_1429 = vector.load %arg6[%get3A_1427, %get3A_1428] : memref<128x1024xf32, #tpu.memory_space<vmem>>, vector<128x256xf32>
    %get3A_1430 = arith.constant 0 : index
    %get3A_1431 = arith.constant 128 : index
    %get3A_1432 = vector.load %arg10[%get3A_1430, %get3A_1431] : memref<448x256xf32, #tpu.memory_space<vmem>>, vector<112x128xf32>
    %mul3A_1433 = arith.mulf %get3A_1432, %get3A_1432 : vector<112x128xf32>
    %reduce_sum3A_1434 = arith.constant dense<0.000000e+00> : vector<112xf32>
    %reduce_sum3A_1435 = vector.multi_reduction <add>, %mul3A_1433, %reduce_sum3A_1434 [1] : vector<112x128xf32> to vector<112xf32>
    %broadcast_in_dim3A_1436 = vector.shape_cast %reduce_sum3A_1435 : vector<112xf32> to vector<112x1xf32>
    %dot_general3A_1437 = arith.constant dense<0.000000e+00> : vector<112x256xf32>
    %dot_general3A_1438 = tpu.matmul %get3A_1432, %get3A_1429, %dot_general3A_1437 {dimension_numbers = #tpu.dot_dimension_numbers<[1], [0], [0], [1], [0, 0, 1, 1], [], []>, transpose_lhs_hint = false} : vector<112x128xf32>, vector<128x256xf32>, vector<112x256xf32> -> vector<112x256xf32>
    %mul3A_1439 = arith.constant 2.000000e+00 : f32
    %mul3A_1440 = vector.broadcast %mul3A_1439 : f32 to vector<112x256xf32>
    %mul3A_1441 = arith.mulf %mul3A_1440, %dot_general3A_1438 : vector<112x256xf32>
    %sub3A_1442 = vector.broadcast %broadcast_in_dim3A_1436 : vector<112x1xf32> to vector<112x256xf32>
    %sub3A_1443 = arith.subf %sub3A_1442, %mul3A_1441 : vector<112x256xf32>
    %add3A_1444 = vector.broadcast %broadcast_in_dim3A_58 : vector<1x256xf32> to vector<112x256xf32>
    %add3A_1445 = arith.addf %sub3A_1443, %add3A_1444 : vector<112x256xf32>
    %reduce_min3A_1446 = arith.constant dense<0x7F800000> : vector<112xf32>
    %reduce_min3A_1447 = vector.multi_reduction <minimumf>, %add3A_1445, %reduce_min3A_1446 [1] : vector<112x256xf32> to vector<112xf32>
    %broadcast_in_dim3A_1448 = vector.shape_cast %reduce_min3A_1447 : vector<112xf32> to vector<112x1xf32>
    %iota3A_1449 = tpu.iota {dimensions = array<i32: 1>} : vector<112x256xi32>
    %add3A_1450 = arith.constant 768 : i32
    %add3A_1451 = vector.broadcast %add3A_1450 : i32 to vector<112x256xi32>
    %add3A_1452 = arith.addi %iota3A_1449, %add3A_1451 : vector<112x256xi32>
    %eq3A_1453 = vector.broadcast %broadcast_in_dim3A_1448 : vector<112x1xf32> to vector<112x256xf32>
    %eq3A_1454 = arith.cmpf oeq, %add3A_1445, %eq3A_1453 : vector<112x256xf32>
    %jit3A_1455 = arith.constant 1073741824 : i32
    %broadcast_in_dim3A_1456 = vector.broadcast %jit3A_1455 : i32 to vector<112x256xi32>
    %select_n3A_1457 = arith.select %eq3A_1454, %add3A_1452, %broadcast_in_dim3A_1456 : vector<112x256xi1>, vector<112x256xi32>
    %reduce_min3A_1458 = arith.constant dense<2147483647> : vector<112xi32>
    %reduce_min3A_1459 = vector.multi_reduction <minsi>, %select_n3A_1457, %reduce_min3A_1458 [1] : vector<112x256xi32> to vector<112xi32>
    %broadcast_in_dim3A_1460 = vector.shape_cast %reduce_min3A_1459 : vector<112xi32> to vector<112x1xi32>
    %lt3A_1461 = arith.cmpf olt, %broadcast_in_dim3A_1448, %select_n3A_1324 : vector<112x1xf32>
    %select_n3A_1462 = arith.select %lt3A_1461, %broadcast_in_dim3A_1460, %select_n3A_1323 : vector<112x1xi1>, vector<112x1xi32>
    %select_n3A_1463 = arith.select %lt3A_1461, %broadcast_in_dim3A_1448, %select_n3A_1324 : vector<112x1xi1>, vector<112x1xf32>
    %get3A_1464 = arith.constant 112 : index
    %get3A_1465 = arith.constant 128 : index
    %get3A_1466 = vector.load %arg10[%get3A_1464, %get3A_1465] : memref<448x256xf32, #tpu.memory_space<vmem>>, vector<112x128xf32>
    %mul3A_1467 = arith.mulf %get3A_1466, %get3A_1466 : vector<112x128xf32>
    %reduce_sum3A_1468 = arith.constant dense<0.000000e+00> : vector<112xf32>
    %reduce_sum3A_1469 = vector.multi_reduction <add>, %mul3A_1467, %reduce_sum3A_1468 [1] : vector<112x128xf32> to vector<112xf32>
    %broadcast_in_dim3A_1470 = vector.shape_cast %reduce_sum3A_1469 : vector<112xf32> to vector<112x1xf32>
    %dot_general3A_1471 = arith.constant dense<0.000000e+00> : vector<112x256xf32>
    %dot_general3A_1472 = tpu.matmul %get3A_1466, %get3A_1429, %dot_general3A_1471 {dimension_numbers = #tpu.dot_dimension_numbers<[1], [0], [0], [1], [0, 0, 1, 1], [], []>, transpose_lhs_hint = false} : vector<112x128xf32>, vector<128x256xf32>, vector<112x256xf32> -> vector<112x256xf32>
    %mul3A_1473 = arith.constant 2.000000e+00 : f32
    %mul3A_1474 = vector.broadcast %mul3A_1473 : f32 to vector<112x256xf32>
    %mul3A_1475 = arith.mulf %mul3A_1474, %dot_general3A_1472 : vector<112x256xf32>
    %sub3A_1476 = vector.broadcast %broadcast_in_dim3A_1470 : vector<112x1xf32> to vector<112x256xf32>
    %sub3A_1477 = arith.subf %sub3A_1476, %mul3A_1475 : vector<112x256xf32>
    %add3A_1478 = vector.broadcast %broadcast_in_dim3A_58 : vector<1x256xf32> to vector<112x256xf32>
    %add3A_1479 = arith.addf %sub3A_1477, %add3A_1478 : vector<112x256xf32>
    %reduce_min3A_1480 = arith.constant dense<0x7F800000> : vector<112xf32>
    %reduce_min3A_1481 = vector.multi_reduction <minimumf>, %add3A_1479, %reduce_min3A_1480 [1] : vector<112x256xf32> to vector<112xf32>
    %broadcast_in_dim3A_1482 = vector.shape_cast %reduce_min3A_1481 : vector<112xf32> to vector<112x1xf32>
    %iota3A_1483 = tpu.iota {dimensions = array<i32: 1>} : vector<112x256xi32>
    %add3A_1484 = arith.constant 768 : i32
    %add3A_1485 = vector.broadcast %add3A_1484 : i32 to vector<112x256xi32>
    %add3A_1486 = arith.addi %iota3A_1483, %add3A_1485 : vector<112x256xi32>
    %eq3A_1487 = vector.broadcast %broadcast_in_dim3A_1482 : vector<112x1xf32> to vector<112x256xf32>
    %eq3A_1488 = arith.cmpf oeq, %add3A_1479, %eq3A_1487 : vector<112x256xf32>
    %jit3A_1489 = arith.constant 1073741824 : i32
    %broadcast_in_dim3A_1490 = vector.broadcast %jit3A_1489 : i32 to vector<112x256xi32>
    %select_n3A_1491 = arith.select %eq3A_1488, %add3A_1486, %broadcast_in_dim3A_1490 : vector<112x256xi1>, vector<112x256xi32>
    %reduce_min3A_1492 = arith.constant dense<2147483647> : vector<112xi32>
    %reduce_min3A_1493 = vector.multi_reduction <minsi>, %select_n3A_1491, %reduce_min3A_1492 [1] : vector<112x256xi32> to vector<112xi32>
    %broadcast_in_dim3A_1494 = vector.shape_cast %reduce_min3A_1493 : vector<112xi32> to vector<112x1xi32>
    %lt3A_1495 = arith.cmpf olt, %broadcast_in_dim3A_1482, %select_n3A_1358 : vector<112x1xf32>
    %select_n3A_1496 = arith.select %lt3A_1495, %broadcast_in_dim3A_1494, %select_n3A_1357 : vector<112x1xi1>, vector<112x1xi32>
    %select_n3A_1497 = arith.select %lt3A_1495, %broadcast_in_dim3A_1482, %select_n3A_1358 : vector<112x1xi1>, vector<112x1xf32>
    %get3A_1498 = arith.constant 224 : index
    %get3A_1499 = arith.constant 128 : index
    %get3A_1500 = vector.load %arg10[%get3A_1498, %get3A_1499] : memref<448x256xf32, #tpu.memory_space<vmem>>, vector<112x128xf32>
    %mul3A_1501 = arith.mulf %get3A_1500, %get3A_1500 : vector<112x128xf32>
    %reduce_sum3A_1502 = arith.constant dense<0.000000e+00> : vector<112xf32>
    %reduce_sum3A_1503 = vector.multi_reduction <add>, %mul3A_1501, %reduce_sum3A_1502 [1] : vector<112x128xf32> to vector<112xf32>
    %broadcast_in_dim3A_1504 = vector.shape_cast %reduce_sum3A_1503 : vector<112xf32> to vector<112x1xf32>
    %dot_general3A_1505 = arith.constant dense<0.000000e+00> : vector<112x256xf32>
    %dot_general3A_1506 = tpu.matmul %get3A_1500, %get3A_1429, %dot_general3A_1505 {dimension_numbers = #tpu.dot_dimension_numbers<[1], [0], [0], [1], [0, 0, 1, 1], [], []>, transpose_lhs_hint = false} : vector<112x128xf32>, vector<128x256xf32>, vector<112x256xf32> -> vector<112x256xf32>
    %mul3A_1507 = arith.constant 2.000000e+00 : f32
    %mul3A_1508 = vector.broadcast %mul3A_1507 : f32 to vector<112x256xf32>
    %mul3A_1509 = arith.mulf %mul3A_1508, %dot_general3A_1506 : vector<112x256xf32>
    %sub3A_1510 = vector.broadcast %broadcast_in_dim3A_1504 : vector<112x1xf32> to vector<112x256xf32>
    %sub3A_1511 = arith.subf %sub3A_1510, %mul3A_1509 : vector<112x256xf32>
    %add3A_1512 = vector.broadcast %broadcast_in_dim3A_58 : vector<1x256xf32> to vector<112x256xf32>
    %add3A_1513 = arith.addf %sub3A_1511, %add3A_1512 : vector<112x256xf32>
    %reduce_min3A_1514 = arith.constant dense<0x7F800000> : vector<112xf32>
    %reduce_min3A_1515 = vector.multi_reduction <minimumf>, %add3A_1513, %reduce_min3A_1514 [1] : vector<112x256xf32> to vector<112xf32>
    %broadcast_in_dim3A_1516 = vector.shape_cast %reduce_min3A_1515 : vector<112xf32> to vector<112x1xf32>
    %iota3A_1517 = tpu.iota {dimensions = array<i32: 1>} : vector<112x256xi32>
    %add3A_1518 = arith.constant 768 : i32
    %add3A_1519 = vector.broadcast %add3A_1518 : i32 to vector<112x256xi32>
    %add3A_1520 = arith.addi %iota3A_1517, %add3A_1519 : vector<112x256xi32>
    %eq3A_1521 = vector.broadcast %broadcast_in_dim3A_1516 : vector<112x1xf32> to vector<112x256xf32>
    %eq3A_1522 = arith.cmpf oeq, %add3A_1513, %eq3A_1521 : vector<112x256xf32>
    %jit3A_1523 = arith.constant 1073741824 : i32
    %broadcast_in_dim3A_1524 = vector.broadcast %jit3A_1523 : i32 to vector<112x256xi32>
    %select_n3A_1525 = arith.select %eq3A_1522, %add3A_1520, %broadcast_in_dim3A_1524 : vector<112x256xi1>, vector<112x256xi32>
    %reduce_min3A_1526 = arith.constant dense<2147483647> : vector<112xi32>
    %reduce_min3A_1527 = vector.multi_reduction <minsi>, %select_n3A_1525, %reduce_min3A_1526 [1] : vector<112x256xi32> to vector<112xi32>
    %broadcast_in_dim3A_1528 = vector.shape_cast %reduce_min3A_1527 : vector<112xi32> to vector<112x1xi32>
    %lt3A_1529 = arith.cmpf olt, %broadcast_in_dim3A_1516, %select_n3A_1392 : vector<112x1xf32>
    %select_n3A_1530 = arith.select %lt3A_1529, %broadcast_in_dim3A_1528, %select_n3A_1391 : vector<112x1xi1>, vector<112x1xi32>
    %select_n3A_1531 = arith.select %lt3A_1529, %broadcast_in_dim3A_1516, %select_n3A_1392 : vector<112x1xi1>, vector<112x1xf32>
    %get3A_1532 = arith.constant 336 : index
    %get3A_1533 = arith.constant 128 : index
    %get3A_1534 = vector.load %arg10[%get3A_1532, %get3A_1533] : memref<448x256xf32, #tpu.memory_space<vmem>>, vector<112x128xf32>
    %mul3A_1535 = arith.mulf %get3A_1534, %get3A_1534 : vector<112x128xf32>
    %reduce_sum3A_1536 = arith.constant dense<0.000000e+00> : vector<112xf32>
    %reduce_sum3A_1537 = vector.multi_reduction <add>, %mul3A_1535, %reduce_sum3A_1536 [1] : vector<112x128xf32> to vector<112xf32>
    %broadcast_in_dim3A_1538 = vector.shape_cast %reduce_sum3A_1537 : vector<112xf32> to vector<112x1xf32>
    %dot_general3A_1539 = arith.constant dense<0.000000e+00> : vector<112x256xf32>
    %dot_general3A_1540 = tpu.matmul %get3A_1534, %get3A_1429, %dot_general3A_1539 {dimension_numbers = #tpu.dot_dimension_numbers<[1], [0], [0], [1], [0, 0, 1, 1], [], []>, transpose_lhs_hint = false} : vector<112x128xf32>, vector<128x256xf32>, vector<112x256xf32> -> vector<112x256xf32>
    %mul3A_1541 = arith.constant 2.000000e+00 : f32
    %mul3A_1542 = vector.broadcast %mul3A_1541 : f32 to vector<112x256xf32>
    %mul3A_1543 = arith.mulf %mul3A_1542, %dot_general3A_1540 : vector<112x256xf32>
    %sub3A_1544 = vector.broadcast %broadcast_in_dim3A_1538 : vector<112x1xf32> to vector<112x256xf32>
    %sub3A_1545 = arith.subf %sub3A_1544, %mul3A_1543 : vector<112x256xf32>
    %add3A_1546 = vector.broadcast %broadcast_in_dim3A_58 : vector<1x256xf32> to vector<112x256xf32>
    %add3A_1547 = arith.addf %sub3A_1545, %add3A_1546 : vector<112x256xf32>
    %reduce_min3A_1548 = arith.constant dense<0x7F800000> : vector<112xf32>
    %reduce_min3A_1549 = vector.multi_reduction <minimumf>, %add3A_1547, %reduce_min3A_1548 [1] : vector<112x256xf32> to vector<112xf32>
    %broadcast_in_dim3A_1550 = vector.shape_cast %reduce_min3A_1549 : vector<112xf32> to vector<112x1xf32>
    %iota3A_1551 = tpu.iota {dimensions = array<i32: 1>} : vector<112x256xi32>
    %add3A_1552 = arith.constant 768 : i32
    %add3A_1553 = vector.broadcast %add3A_1552 : i32 to vector<112x256xi32>
    %add3A_1554 = arith.addi %iota3A_1551, %add3A_1553 : vector<112x256xi32>
    %eq3A_1555 = vector.broadcast %broadcast_in_dim3A_1550 : vector<112x1xf32> to vector<112x256xf32>
    %eq3A_1556 = arith.cmpf oeq, %add3A_1547, %eq3A_1555 : vector<112x256xf32>
    %jit3A_1557 = arith.constant 1073741824 : i32
    %broadcast_in_dim3A_1558 = vector.broadcast %jit3A_1557 : i32 to vector<112x256xi32>
    %select_n3A_1559 = arith.select %eq3A_1556, %add3A_1554, %broadcast_in_dim3A_1558 : vector<112x256xi1>, vector<112x256xi32>
    %reduce_min3A_1560 = arith.constant dense<2147483647> : vector<112xi32>
    %reduce_min3A_1561 = vector.multi_reduction <minsi>, %select_n3A_1559, %reduce_min3A_1560 [1] : vector<112x256xi32> to vector<112xi32>
    %broadcast_in_dim3A_1562 = vector.shape_cast %reduce_min3A_1561 : vector<112xi32> to vector<112x1xi32>
    %lt3A_1563 = arith.cmpf olt, %broadcast_in_dim3A_1550, %select_n3A_1426 : vector<112x1xf32>
    %select_n3A_1564 = arith.select %lt3A_1563, %broadcast_in_dim3A_1562, %select_n3A_1425 : vector<112x1xi1>, vector<112x1xi32>
    %select_n3A_1565 = arith.select %lt3A_1563, %broadcast_in_dim3A_1550, %select_n3A_1426 : vector<112x1xi1>, vector<112x1xf32>
    %swap3A_1566 = arith.constant 0 : index
    %swap3A_1567 = arith.constant 0 : index
    %swap3A_1568 = arith.constant 0 : index
    %swap3A_1569 = vector.load %arg8[%swap3A_1566, %swap3A_1567, %swap3A_1568] : memref<1x448x1xi32, #tpu.memory_space<vmem>>, vector<1x112x1xi32>
    %swap3A_1570 = vector.shape_cast %swap3A_1569 : vector<1x112x1xi32> to vector<112x1xi32>
    %swap3A_1571 = vector.shape_cast %select_n3A_1462 : vector<112x1xi32> to vector<1x112x1xi32>
    tpu.vector_store %arg8[%swap3A_1566, %swap3A_1567, %swap3A_1568], %swap3A_1571 {strides = array<i32>} : memref<1x448x1xi32, #tpu.memory_space<vmem>>, vector<1x112x1xi32>,
    %reduce_sum3A_1572 = vector.shape_cast %select_n3A_1463 : vector<112x1xf32> to vector<1x112x1xf32>
    %reduce_sum3A_1573 = arith.constant dense<0.000000e+00> : vector<1xf32>
    %reduce_sum3A_1574 = vector.multi_reduction <add>, %reduce_sum3A_1572, %reduce_sum3A_1573 [1, 2] : vector<1x112x1xf32> to vector<1xf32>
    %reduce_sum3A_1575 = vector.shape_cast %reduce_sum3A_1574 : vector<1xf32> to vector<1x1x1xf32>
    %reduce_sum3A_1576 = vector.extract %reduce_sum3A_1575[0, 0, 0] : f32 from vector<1x1x1xf32>
    %add3A_1577 = arith.constant 0.000000e+00 : f32
    %add3A_1578 = arith.addf %add3A_1577, %reduce_sum3A_1576 : f32
    %swap3A_1579 = arith.constant 0 : index
    %swap3A_1580 = arith.constant 112 : index
    %swap3A_1581 = arith.constant 0 : index
    %swap3A_1582 = vector.load %arg8[%swap3A_1579, %swap3A_1580, %swap3A_1581] : memref<1x448x1xi32, #tpu.memory_space<vmem>>, vector<1x112x1xi32>
    %swap3A_1583 = vector.shape_cast %swap3A_1582 : vector<1x112x1xi32> to vector<112x1xi32>
    %swap3A_1584 = vector.shape_cast %select_n3A_1496 : vector<112x1xi32> to vector<1x112x1xi32>
    tpu.vector_store %arg8[%swap3A_1579, %swap3A_1580, %swap3A_1581], %swap3A_1584 {strides = array<i32>} : memref<1x448x1xi32, #tpu.memory_space<vmem>>, vector<1x112x1xi32>,
    %reduce_sum3A_1585 = vector.shape_cast %select_n3A_1497 : vector<112x1xf32> to vector<1x112x1xf32>
    %reduce_sum3A_1586 = arith.constant dense<0.000000e+00> : vector<1xf32>
    %reduce_sum3A_1587 = vector.multi_reduction <add>, %reduce_sum3A_1585, %reduce_sum3A_1586 [1, 2] : vector<1x112x1xf32> to vector<1xf32>
    %reduce_sum3A_1588 = vector.shape_cast %reduce_sum3A_1587 : vector<1xf32> to vector<1x1x1xf32>
    %reduce_sum3A_1589 = vector.extract %reduce_sum3A_1588[0, 0, 0] : f32 from vector<1x1x1xf32>
    %add3A_1590 = arith.addf %add3A_1578, %reduce_sum3A_1589 : f32
    %swap3A_1591 = arith.constant 0 : index
    %swap3A_1592 = arith.constant 224 : index
    %swap3A_1593 = arith.constant 0 : index
    %swap3A_1594 = vector.load %arg8[%swap3A_1591, %swap3A_1592, %swap3A_1593] : memref<1x448x1xi32, #tpu.memory_space<vmem>>, vector<1x112x1xi32>
    %swap3A_1595 = vector.shape_cast %swap3A_1594 : vector<1x112x1xi32> to vector<112x1xi32>
    %swap3A_1596 = vector.shape_cast %select_n3A_1530 : vector<112x1xi32> to vector<1x112x1xi32>
    tpu.vector_store %arg8[%swap3A_1591, %swap3A_1592, %swap3A_1593], %swap3A_1596 {strides = array<i32>} : memref<1x448x1xi32, #tpu.memory_space<vmem>>, vector<1x112x1xi32>,
    %reduce_sum3A_1597 = vector.shape_cast %select_n3A_1531 : vector<112x1xf32> to vector<1x112x1xf32>
    %reduce_sum3A_1598 = arith.constant dense<0.000000e+00> : vector<1xf32>
    %reduce_sum3A_1599 = vector.multi_reduction <add>, %reduce_sum3A_1597, %reduce_sum3A_1598 [1, 2] : vector<1x112x1xf32> to vector<1xf32>
    %reduce_sum3A_1600 = vector.shape_cast %reduce_sum3A_1599 : vector<1xf32> to vector<1x1x1xf32>
    %reduce_sum3A_1601 = vector.extract %reduce_sum3A_1600[0, 0, 0] : f32 from vector<1x1x1xf32>
    %add3A_1602 = arith.addf %add3A_1590, %reduce_sum3A_1601 : f32
    %swap3A_1603 = arith.constant 0 : index
    %swap3A_1604 = arith.constant 336 : index
    %swap3A_1605 = arith.constant 0 : index
    %swap3A_1606 = vector.load %arg8[%swap3A_1603, %swap3A_1604, %swap3A_1605] : memref<1x448x1xi32, #tpu.memory_space<vmem>>, vector<1x112x1xi32>
    %swap3A_1607 = vector.shape_cast %swap3A_1606 : vector<1x112x1xi32> to vector<112x1xi32>
    %swap3A_1608 = vector.shape_cast %select_n3A_1564 : vector<112x1xi32> to vector<1x112x1xi32>
    tpu.vector_store %arg8[%swap3A_1603, %swap3A_1604, %swap3A_1605], %swap3A_1608 {strides = array<i32>} : memref<1x448x1xi32, #tpu.memory_space<vmem>>, vector<1x112x1xi32>,
    %reduce_sum3A_1609 = vector.shape_cast %select_n3A_1565 : vector<112x1xf32> to vector<1x112x1xf32>
    %reduce_sum3A_1610 = arith.constant dense<0.000000e+00> : vector<1xf32>
    %reduce_sum3A_1611 = vector.multi_reduction <add>, %reduce_sum3A_1609, %reduce_sum3A_1610 [1, 2] : vector<1x112x1xf32> to vector<1xf32>
    %reduce_sum3A_1612 = vector.shape_cast %reduce_sum3A_1611 : vector<1xf32> to vector<1x1x1xf32>
    %reduce_sum3A_1613 = vector.extract %reduce_sum3A_1612[0, 0, 0] : f32 from vector<1x1x1xf32>
    %add3A_1614 = arith.addf %add3A_1602, %reduce_sum3A_1613 : f32
    %iota3A_1615 = tpu.iota {dimensions = array<i32: 1>} : vector<1x2xi32>
    %get3A_1616 = arith.constant 0 : index
    %get3A_1617 = arith.constant 0 : index
    %get3A_1618 = vector.load %arg9[%get3A_1616, %get3A_1617] : memref<1x2xf32, #tpu.memory_space<vmem>>, vector<1x2xf32>
    %eq3A_1619 = arith.constant 0 : i32
    %eq3A_1620 = vector.broadcast %eq3A_1619 : i32 to vector<1x2xi32>
    %eq3A_1621 = arith.cmpi eq, %iota3A_1615, %eq3A_1620 : vector<1x2xi32>
    %broadcast_in_dim3A_1622 = vector.broadcast %add3A_1021 : f32 to vector<1x2xf32>
    %broadcast_in_dim3A_1623 = vector.broadcast %add3A_1614 : f32 to vector<1x2xf32>
    %select_n3A_1624 = arith.select %eq3A_1621, %broadcast_in_dim3A_1622, %broadcast_in_dim3A_1623 : vector<1x2xi1>, vector<1x2xf32>
    %add3A_1625 = arith.addf %get3A_1618, %select_n3A_1624 : vector<1x2xf32>
    %swap3A_1626 = arith.constant 0 : index
    %swap3A_1627 = arith.constant 0 : index
    %swap3A_1628 = vector.load %arg9[%swap3A_1626, %swap3A_1627] : memref<1x2xf32, #tpu.memory_space<vmem>>, vector<1x2xf32>
    tpu.vector_store %arg9[%swap3A_1626, %swap3A_1627], %add3A_1625 {strides = array<i32>} : memref<1x2xf32, #tpu.memory_space<vmem>>, vector<1x2xf32>,
    return
  }
  func.func @transform_0(%arg0: i32, %arg1: i32) -> (i32, i32, i32, i32) {
    %c0_i32 = arith.constant 0 : i32
    %c0_i32_0 = arith.constant 0 : i32
    %c0_i32_1 = arith.constant 0 : i32
    %c0_i32_2 = arith.constant 0 : i32
    return %arg0, %c0_i32, %c0_i32_0, %c0_i32_1 : i32, i32, i32, i32
  }
  func.func @transform_1(%arg0: i32, %arg1: i32) -> (i32, i32, i32, i32) {
    %c0_i32 = arith.constant 0 : i32
    %c0_i32_0 = arith.constant 0 : i32
    %c0_i32_1 = arith.constant 0 : i32
    %c0_i32_2 = arith.constant 0 : i32
    %c0_i32_3 = arith.constant 0 : i32
    return %c0_i32, %c0_i32_0, %c0_i32_1, %c0_i32_2 : i32, i32, i32, i32
  }
  func.func @transform_2(%arg0: i32, %arg1: i32) -> (i32, i32) {
    %c0_i32 = arith.constant 0 : i32
    %c0_i32_0 = arith.constant 0 : i32
    %c0_i32_1 = arith.constant 0 : i32
    return %c0_i32, %c0_i32_0 : i32, i32
  }
  func.func @transform_3(%arg0: i32, %arg1: i32) -> (i32, i32) {
    %c0_i32 = arith.constant 0 : i32
    %c0_i32_0 = arith.constant 0 : i32
    %c0_i32_1 = arith.constant 0 : i32
    return %c0_i32, %c0_i32_0 : i32, i32
  }
  func.func @transform_4(%arg0: i32, %arg1: i32) -> (i32, i32) {
    %c0_i32 = arith.constant 0 : i32
    %c0_i32_0 = arith.constant 0 : i32
    %c0_i32_1 = arith.constant 0 : i32
    return %c0_i32, %c0_i32_0 : i32, i32
  }
  func.func @transform_5(%arg0: i32, %arg1: i32) -> (i32, i32, i32) {
    %mul3A = arith.constant 7 : i32
    %mul3A_0 = arith.muli %arg0, %mul3A : i32
    %add3A = arith.addi %mul3A_0, %arg1 : i32
    %c0_i32 = arith.constant 0 : i32
    %c0_i32_1 = arith.constant 0 : i32
    %c0_i32_2 = arith.constant 0 : i32
    return %add3A, %c0_i32, %c0_i32_1 : i32, i32, i32
  }
  func.func @transform_6(%arg0: i32, %arg1: i32) -> (i32, i32, i32) {
    %mul3A = arith.constant 7 : i32
    %mul3A_0 = arith.muli %arg0, %mul3A : i32
    %add3A = arith.addi %mul3A_0, %arg1 : i32
    %c0_i32 = arith.constant 0 : i32
    %c0_i32_1 = arith.constant 0 : i32
    %c0_i32_2 = arith.constant 0 : i32
    return %add3A, %c0_i32, %c0_i32_1 : i32, i32, i32
  }
  func.func @transform_7(%arg0: i32, %arg1: i32) -> (i32, i32) {
    %c0_i32 = arith.constant 0 : i32
    %c0_i32_0 = arith.constant 0 : i32
    %c0_i32_1 = arith.constant 0 : i32
    return %c0_i32, %c0_i32_0 : i32, i32
  }
}

module attributes {stable_mosaic.version = 14 : i64} {
  func.func @_kd_body(%arg0: i32, %arg1: memref<512x1024xf32, #tpu.memory_space<vmem>>, %arg2: memref<512x1024xf32, #tpu.memory_space<vmem>>, %arg3: memref<1x2xf32, #tpu.memory_space<vmem>>, %arg4: memref<1x1xf32, #tpu.memory_space<vmem>>, %arg5: memref<1x2xf32, #tpu.memory_space<vmem>>) attributes {dimension_semantics = [#tpu.dimension_semantics<arbitrary>], iteration_bounds = array<i64: 1>, scalar_prefetch = 0 : i64, scratch_operands = 0 : i64, tpu.core_type = #tpu.core_type<tc>, window_params = [{pipeline_mode = #tpu.pipeline_mode<synchronous>, transform_indices = @transform_0, window_bounds = array<i64: 512, 1024>}, {pipeline_mode = #tpu.pipeline_mode<synchronous>, transform_indices = @transform_1, window_bounds = array<i64: 512, 1024>}, {pipeline_mode = #tpu.pipeline_mode<synchronous>, transform_indices = @transform_2, window_bounds = array<i64: 1, 2>}, {pipeline_mode = #tpu.pipeline_mode<synchronous>, transform_indices = @transform_3, window_bounds = array<i64: 1, 1>}, {pipeline_mode = #tpu.pipeline_mode<synchronous>, transform_indices = @transform_4, window_bounds = array<i64: 1, 2>}]} {
    %get3A = arith.constant 0 : index
    %get3A_0 = arith.constant 0 : index
    %get3A_1 = vector.load %arg1[%get3A, %get3A_0] : memref<512x1024xf32, #tpu.memory_space<vmem>>, vector<512x1024xf32>
    %reduce_sum3A = arith.constant dense<0.000000e+00> : vector<1024xf32>
    %reduce_sum3A_2 = vector.multi_reduction <add>, %get3A_1, %reduce_sum3A [0] : vector<512x1024xf32> to vector<1024xf32>
    %broadcast_in_dim3A = vector.shape_cast %reduce_sum3A_2 : vector<1024xf32> to vector<1x1024xf32>
    %mul3A = arith.constant 9.96492326E-6 : f32
    %mul3A_3 = vector.broadcast %mul3A : f32 to vector<1x1024xf32>
    %mul3A_4 = arith.mulf %broadcast_in_dim3A, %mul3A_3 : vector<1x1024xf32>
    %add3A = arith.constant 1.000000e-10 : f32
    %add3A_5 = vector.broadcast %add3A : f32 to vector<1x1024xf32>
    %add3A_6 = arith.addf %mul3A_4, %add3A_5 : vector<1x1024xf32>
    %log3A = math.log %add3A_6 : vector<1x1024xf32>
    %mul3A_7 = arith.mulf %mul3A_4, %log3A : vector<1x1024xf32>
    %reduce_sum3A_8 = arith.constant dense<0.000000e+00> : vector<1xf32>
    %reduce_sum3A_9 = vector.multi_reduction <add>, %mul3A_7, %reduce_sum3A_8 [1] : vector<1x1024xf32> to vector<1xf32>
    %broadcast_in_dim3A_10 = vector.shape_cast %reduce_sum3A_9 : vector<1xf32> to vector<1x1xf32>
    %neg3A = arith.constant 0.000000e+00 : f32
    %neg3A_11 = vector.broadcast %neg3A : f32 to vector<1x1xf32>
    %neg3A_12 = arith.subf %neg3A_11, %broadcast_in_dim3A_10 : vector<1x1xf32>
    %exp3A = math.exp %neg3A_12 : vector<1x1xf32>
    %get3A_13 = arith.constant 0 : index
    %get3A_14 = arith.constant 0 : index
    %get3A_15 = vector.load %arg2[%get3A_13, %get3A_14] : memref<512x1024xf32, #tpu.memory_space<vmem>>, vector<512x1024xf32>
    %reduce_sum3A_16 = arith.constant dense<0.000000e+00> : vector<1024xf32>
    %reduce_sum3A_17 = vector.multi_reduction <add>, %get3A_15, %reduce_sum3A_16 [0] : vector<512x1024xf32> to vector<1024xf32>
    %broadcast_in_dim3A_18 = vector.shape_cast %reduce_sum3A_17 : vector<1024xf32> to vector<1x1024xf32>
    %mul3A_19 = arith.constant 9.96492326E-6 : f32
    %mul3A_20 = vector.broadcast %mul3A_19 : f32 to vector<1x1024xf32>
    %mul3A_21 = arith.mulf %broadcast_in_dim3A_18, %mul3A_20 : vector<1x1024xf32>
    %add3A_22 = arith.constant 1.000000e-10 : f32
    %add3A_23 = vector.broadcast %add3A_22 : f32 to vector<1x1024xf32>
    %add3A_24 = arith.addf %mul3A_21, %add3A_23 : vector<1x1024xf32>
    %log3A_25 = math.log %add3A_24 : vector<1x1024xf32>
    %mul3A_26 = arith.mulf %mul3A_21, %log3A_25 : vector<1x1024xf32>
    %reduce_sum3A_27 = arith.constant dense<0.000000e+00> : vector<1xf32>
    %reduce_sum3A_28 = vector.multi_reduction <add>, %mul3A_26, %reduce_sum3A_27 [1] : vector<1x1024xf32> to vector<1xf32>
    %broadcast_in_dim3A_29 = vector.shape_cast %reduce_sum3A_28 : vector<1xf32> to vector<1x1xf32>
    %neg3A_30 = arith.constant 0.000000e+00 : f32
    %neg3A_31 = vector.broadcast %neg3A_30 : f32 to vector<1x1xf32>
    %neg3A_32 = arith.subf %neg3A_31, %broadcast_in_dim3A_29 : vector<1x1xf32>
    %exp3A_33 = math.exp %neg3A_32 : vector<1x1xf32>
    %concatenate3A = tpu.concatenate %exp3A, %exp3A_33 in 1 : vector<1x1xf32>, vector<1x1xf32> -> vector<1x2xf32>
    %swap3A = arith.constant 0 : index
    %swap3A_34 = arith.constant 0 : index
    %swap3A_35 = vector.load %arg5[%swap3A, %swap3A_34] : memref<1x2xf32, #tpu.memory_space<vmem>>, vector<1x2xf32>
    tpu.vector_store %arg5[%swap3A, %swap3A_34], %concatenate3A {strides = array<i32>} : memref<1x2xf32, #tpu.memory_space<vmem>>, vector<1x2xf32>,
    %get3A_36 = arith.constant 0 : index
    %get3A_37 = arith.constant 0 : index
    %get3A_38 = vector.load %arg3[%get3A_36, %get3A_37] : memref<1x2xf32, #tpu.memory_space<vmem>>, vector<1x2xf32>
    %slice3A = vector.extract_strided_slice %get3A_38 {offsets = [0, 0], sizes = [1, 1], strides = [1, 1]} : vector<1x2xf32> to vector<1x1xf32>
    %slice3A_39 = vector.extract_strided_slice %get3A_38 {offsets = [0, 1], sizes = [1, 1], strides = [1, 1]} : vector<1x2xf32> to vector<1x1xf32>
    %add3A_40 = arith.addf %slice3A, %slice3A_39 : vector<1x1xf32>
    %mul3A_41 = arith.constant 3.89254815E-8 : f32
    %mul3A_42 = vector.broadcast %mul3A_41 : f32 to vector<1x1xf32>
    %mul3A_43 = arith.mulf %add3A_40, %mul3A_42 : vector<1x1xf32>
    %swap3A_44 = arith.constant 0 : index
    %swap3A_45 = arith.constant 0 : index
    %swap3A_46 = vector.load %arg4[%swap3A_44, %swap3A_45] : memref<1x1xf32, #tpu.memory_space<vmem>>, vector<1x1xf32>
    tpu.vector_store %arg4[%swap3A_44, %swap3A_45], %mul3A_43 {strides = array<i32>} : memref<1x1xf32, #tpu.memory_space<vmem>>, vector<1x1xf32>,
    return
  }
  func.func @transform_0(%arg0: i32) -> (i32, i32) {
    %c0_i32 = arith.constant 0 : i32
    %c0_i32_0 = arith.constant 0 : i32
    %c0_i32_1 = arith.constant 0 : i32
    return %c0_i32, %c0_i32_0 : i32, i32
  }
  func.func @transform_1(%arg0: i32) -> (i32, i32) {
    %c0_i32 = arith.constant 0 : i32
    %c0_i32_0 = arith.constant 0 : i32
    %c0_i32_1 = arith.constant 0 : i32
    return %c0_i32, %c0_i32_0 : i32, i32
  }
  func.func @transform_2(%arg0: i32) -> (i32, i32) {
    %c0_i32 = arith.constant 0 : i32
    %c0_i32_0 = arith.constant 0 : i32
    %c0_i32_1 = arith.constant 0 : i32
    return %c0_i32, %c0_i32_0 : i32, i32
  }
  func.func @transform_3(%arg0: i32) -> (i32, i32) {
    %c0_i32 = arith.constant 0 : i32
    %c0_i32_0 = arith.constant 0 : i32
    %c0_i32_1 = arith.constant 0 : i32
    return %c0_i32, %c0_i32_0 : i32, i32
  }
  func.func @transform_4(%arg0: i32) -> (i32, i32) {
    %c0_i32 = arith.constant 0 : i32
    %c0_i32_0 = arith.constant 0 : i32
    %c0_i32_1 = arith.constant 0 : i32
    return %c0_i32, %c0_i32_0 : i32, i32
  }
}

</mosaic_0001>

<sc_bundles>
// kernel: kernel.6.cloned.1.call-start
scs
__scs_entry_jumppad:
0x0: {  	(pc) =	sbr.rel $0x88, $3  }
0x1: {  	(tag) =	ssettag $0x0;
	lr =	simm.s32 $0x1  }
0x2: {  	[smem:$0x3F9A] =	sst lr;
	_ =	strace $0xD0000000  }
0x3: {  	_ = 	snop  }
0x4: {  	_ = 	snop  }
0x5: {  	_ = 	snop  }
0x6: {  	_ = 	snop  }
0x7: {  	_ = 	snop  }
__scs_overlays_trampoline_lowered:
0x8: {  	[smem:$0x3FA9] =	sst s0  }
0x9: {  	[smem:$0x3FAA] =	sst s1  }
0xa: {  	[smem:$0x3FAB] =	sst s2  }
0xb: {  	[smem:$0x3FAC] =	sst s3  }
0xc: {  	[smem:$0x3FAD] =	sst s4  }
0xd: {  	[smem:$0x3FAE] =	sst s5  }
0xe: {  	[smem:$0x3FAF] =	sst s6  }
0xf: {  	[smem:$0x3FB0] =	sst s7  }
0x10: {  	[smem:$0x3FB1] =	sst s8  }
0x11: {  	[smem:$0x3FB2] =	sst s9;
	s0 =	simm.s32 @!p0 $0x0  }
0x12: {  	s1 =	sld [smem:$0x3F98];
	s0 =	simm.s32 @p0 $0x1  }
0x13: {  	[smem:$0x3FB3] =	sst s0;
	s0 =	simm.s32 @!p1 $0x0  }
0x14: {  	s2 =	sld [smem:$0x3F97];
	s0 =	simm.s32 @p1 $0x1  }
0x15: {  	[smem:$0x3FB4] =	sst s0;
	s0 =	simm.s32 @!p2 $0x0  }
0x16: {  	s3 =	sld [smem:$0x3FDB];
	s0 =	simm.s32 @p2 $0x1  }
0x17: {  	s4 =	simm.s32 $0x1BF5;
	[smem:$0x3FB6] =	sst s0  }
0x18: {  	s0 =	sld [smem:$0x3F99];
	_ =	swait.ge [sflag:s4], $0x0  }
0x19: {  	s7 =	sld [smem:$0x3F9A]  }
0x1a: {  	s8 =	sadd.s32 $0xFFFFE003, lr  }
0x1b: {  	s9 =	sadd.s32 $0xFFFFFEF7, lr;
	s5 =	simm.s32 $0xFFFFFFFF;
	p2 =	slt.u32 s8, $0xFFFFF086  }
0x1c: {  	p1 =	slt.u32 s9, $0xF7A;
	s5 =	simm.s32 @!p2 $0x0  }
0x1d: {  	s5 =	simm.s32 @p1 $0x1;
	p0 =	seq.s32 s7, s2  }
0x1e: {  	s7 =	smul.u32 @!p0 $0xF7A, s2;
	p2 =	seq.s32 @!p0 s5, $0x0  }
0x1f: {  	s9 =	smul.u32 $0xF7A, s1;
	s8 =	simm.s32 @!p0 $0x1BF5;
	p2 =	por !p2, p0  }
0x20: {  	[sflag:s8] =	ssyncset.s32 @!p0 $0xFFFFF086;
	s6 =	sadd.s32 @!p0 s3, s7;
	s7 =	simm.s32 @!p0 $0x108  }
0x21: {  	s3 =	sadd.s32 s3, s9;
	s6 =	sadd.s32 @!p0 $0x88, s6;
	s7 =	simm.s32 @p2 $0x1082  }
0x22: {  	[simem:s7], [sflag:s8] =	dma.local @!p0 [hbm:s6], $0xF7A  }
0x23: {  	s9 =	sor.u32 $0xD0000000, s2;
	s6 =	simm.s32 $0x108;
	_ =	swait.ge @!p0 [sflag:s8], $0x0  }
0x24: {  	s3 =	sadd.s32 $0x88, s3;
	s6 =	simm.s32 @!p1 $0x1082;
	[sflag:s4] =	ssyncset.s32 $0xFFFFF086  }
0x25: {  	[simem:s6], [sflag:s4] =	dma.local [hbm:s3], $0xF7A  }
0x26: {  	[smem:$0x3F9A] =	sst s1;
	(tag) =	ssettag s2;
	_ =	strace s9  }
0x27: {  	s1 =	sld [smem:$0x3FAA]  }
0x28: {  	s2 =	sld [smem:$0x3FAB]  }
0x29: {  	s4 =	sld [smem:$0x3FAD]  }
0x2a: {  	p0 =	seq.s32 s5, $0x0;
	s5 =	sld [smem:$0x3FAE]  }
0x2b: {  	s6 =	sld [smem:$0x3FAF]  }
0x2c: {  	s7 =	sld [smem:$0x3FB0]  }
0x2d: {  	s3 =	simm.s32 $0x108;
	s8 =	sld [smem:$0x3FB1]  }
0x2e: {  	s3 =	simm.s32 @!p0 $0x1082;
	s9 =	sld [smem:$0x3FB2]  }
0x2f: {  	lr =	sadd.s32 s0, s3;
	s0 =	sld [smem:$0x3FA9]  }
0x30: {  	s3 =	sld [smem:$0x3FAC]  }
0x31: {  	[smem:$0x3FB5] =	sst s10  }
0x32: {  	s10 =	sld [smem:$0x3FB3];
	_ =	sdelay $0x3  }
0x33: {  	p0 =	seq.s32 s10, $0x1;
	s10 =	sld [smem:$0x3FB5];
	_ =	sdelay $0x3  }
0x34: {  	[smem:$0x3FB5] =	sst s10  }
0x35: {  	s10 =	sld [smem:$0x3FB4];
	_ =	sdelay $0x3  }
0x36: {  	p1 =	seq.s32 s10, $0x1;
	s10 =	sld [smem:$0x3FB5];
	_ =	sdelay $0x3  }
0x37: {  	[smem:$0x3FB5] =	sst s10  }
0x38: {  	s10 =	sld [smem:$0x3FB6]  }
0x39: {  	_ = 	snop;
	(pc) =	sbr.ind lr, $3  }
0x3a: {  	_ = 	snop  }
0x3b: {  	_ = 	snop  }
0x3c: {  	p2 =	seq.s32 s10, $0x1;
	s10 =	sld [smem:$0x3FB5]  }
0x3d: {  	_ =	shalt  }
0x3e: {  	_ =	shalt  }
0x3f: {  	_ =	shalt  }
0x40: {  	_ =	shalt  }
0x41: {  	_ =	shalt  }
0x42: {  	_ =	shalt  }
0x43: {  	_ =	shalt  }
0x44: {  	_ =	shalt  }
0x45: {  	_ =	shalt  }
0x46: {  	_ =	shalt  }
0x47: {  	_ =	shalt  }
0x48: {  	_ =	shalt  }
0x49: {  	_ =	shalt  }
0x4a: {  	_ =	shalt  }
0x4b: {  	_ =	shalt  }
0x4c: {  	_ =	shalt  }
0x4d: {  	_ =	shalt  }
0x4e: {  	_ =	shalt  }
0x4f: {  	_ =	shalt  }
0x50: {  	_ =	shalt  }
0x51: {  	_ =	shalt  }
0x52: {  	_ =	shalt  }
0x53: {  	_ =	shalt  }
0x54: {  	_ =	shalt  }
0x55: {  	_ =	shalt  }
0x56: {  	_ =	shalt  }
0x57: {  	_ =	shalt  }
0x58: {  	_ =	shalt  }
0x59: {  	_ =	shalt  }
0x5a: {  	_ =	shalt  }
0x5b: {  	_ =	shalt  }
0x5c: {  	_ =	shalt  }
0x5d: {  	_ =	shalt  }
0x5e: {  	_ =	shalt  }
0x5f: {  	_ =	shalt  }
0x60: {  	_ =	shalt  }
0x61: {  	_ =	shalt  }
0x62: {  	_ =	shalt  }
0x63: {  	_ =	shalt  }
0x64: {  	_ =	shalt  }
0x65: {  	_ =	shalt  }
0x66: {  	_ =	shalt  }
0x67: {  	_ =	shalt  }
0x68: {  	_ =	shalt  }
0x69: {  	_ =	shalt  }
0x6a: {  	_ =	shalt  }
0x6b: {  	_ =	shalt  }
0x6c: {  	_ =	shalt  }
0x6d: {  	_ =	shalt  }
0x6e: {  	_ =	shalt  }
0x6f: {  	_ =	shalt  }
0x70: {  	_ =	shalt  }
0x71: {  	_ =	shalt  }
0x72: {  	_ =	shalt  }
0x73: {  	_ =	shalt  }
0x74: {  	_ =	shalt  }
0x75: {  	_ =	shalt  }
0x76: {  	_ =	shalt  }
0x77: {  	_ =	shalt  }
0x78: {  	_ =	shalt  }
0x79: {  	_ =	shalt  }
0x7a: {  	_ =	shalt  }
0x7b: {  	_ =	shalt  }
0x7c: {  	_ =	shalt  }
0x7d: {  	_ =	shalt  }
0x7e: {  	_ =	shalt  }
0x7f: {  	_ =	shalt  }
0x80: {  	_ =	shalt  }
0x81: {  	_ =	shalt  }
0x82: {  	_ =	shalt  }
0x83: {  	_ =	shalt  }
0x84: {  	_ =	shalt  }
0x85: {  	_ =	shalt  }
0x86: {  	_ =	shalt  }
0x87: {  	_ =	shalt  }
.Lfunc_end0:
.L_simem_size_0:
called_computation.3_lowered:
.L_overlay_start_0:
0x88: {  	s2 =	sld [smem:$0x3FD9]  }
0x89: {  	s3 =	sld [smem:$0x3FFE];
	_ =	sdelay $0x1  }
0x8a: {  	s1 =	srdreg.scid  }
0x8b: {  	s0 =	sand.u32 $0x1, s1  }
0x8c: {  	s14 =	sshll.u32 s0, $0xA;
	s2 =	sadd.s32 s3, s2  }
0x8d: {  	s2 =	sadd.s32 s2, s14  }
0x8e: {  	[smem:$0x3FC1] =	sst s2  }
0x8f: {  	_ = 	snop  }
0x90: {  	s2 =	sld [smem:$0x3FD0];
	_ =	sdelay $0x2  }
0x91: {  	s15 =	simm.s32 $0xA;
	s4 =	simm.s32 $0x10  }
0x92: {  	[smem:s4], [sflag:s15] =	dma.local [hbm:s2], $0x1  }
0x93: {  	_ =	swait.eq [sflag:s15], $0x1  }
0x94: {  	[sflag:s15] =	ssyncset.done $0x0  }
0x95: {  	[sflag:s15] =	ssyncadd.s32 $0xFFFFFFFF  }
0x96: {  	s16 =	sld [smem:$0x10];
	(tm) =	ssettm $0x1  }
0x97: {  	s17 =	sld [smem:$0x3FFB];
	_ =	sdelay $0x3  }
0x98: {  	_ =	strace s17  }
0x99: {  	s3 =	sld [smem:$0x3FFC];
	_ =	sdelay $0x3  }
0x9a: {  	_ =	strace s3  }
0x9b: {  	s3 =	sld [smem:$0x3FFD];
	_ =	sdelay $0x3  }
0x9c: {  	_ =	strace s3  }
0x9d: {  	_ =	strace $0x8FFFFFFF  }
0x9e: {  	s18 =	sld [smem:$0x3FDB];
	_ =	sdelay $0x1  }
0x9f: {  	s19 =	simm.s32 $_scs_section_size  }
0xa0: {  	s5 =	simm.s32 $_size__tile_overlayer_lowered;
	s6 =	simm.s32 $_tile_overlayer_lowered  }
0xa1: {  	s22 =	simm.s32 $0x1BFF;
	s21 =	sshll.u32 s6, $0x1;
	s3 =	sadd.s32 s19, s18  }
0xa2: {  	s7 =	simm.s32 $0x0;
	s20 =	sshll.u32 s5, $0x1;
	s5 =	sadd.s32 s21, s3  }
0xa3: {  	[timem:s7], [sflag:s22] =	dma.local [hbm:s5], s20  }
0xa4: {  	_ =	swait.ge [sflag:s22], s20  }
0xa5: {  	s4 =	ssub.s32 $0x0, s20;
	[sflag:s22] =	ssyncset.done $0x0  }
0xa6: {  	[sflag:s22] =	ssyncadd.s32 s4;
	_ =	sdelay $0x1  }
0xa7: {  	s23 =	simm.s32 $0x1B8B  }
0xa8: {  	_ =	swait.ge [sflag:s23], $0x1  }
0xa9: {  	[sflag:s23] =	ssyncset.done $0x0  }
0xaa: {  	s25 =	simm.s32 $0x1B8E;
	s24 =	sld [smem:$0x3FFE];
	[sflag:s23] =	ssyncadd.s32 $0xFFFFFFFF  }
0xab: {  	s26 =	simm.s32 $execute0_lowered;
	[smem:$0x3FD2] =	sst s25  }
0xac: {  	s5 =	sshll.u32 s26, $0x1;
	_ =	strace $0x8000004F;
	[dreg:$0x1] =	wrdreg $0xFFFFFFFF  }
0xad: {  	s28 =	simm.s32 $_size_execute0_lowered;
	s3 =	sadd.s32 s3, s5;
	[dreg:$0x0] =	wrdreg $0x0  }
0xae: {  	s5 =	sshll.u32 s28, $0x1;
	[dreg:$0x2] =	wrdreg s3  }
0xaf: {  	[dreg:$0x3] =	wrdreg s5  }
0xb0: {  	[dreg:$0x4] =	wrdreg $0xC0  }
0xb1: {  	_ =	task [dreg:s7], $0x5FFFF  }
0xb2: {  	[dreg:$0x1] =	wrdreg $0xFFFFFFFF  }
0xb3: {  	[dreg:$0x0] =	wrdreg $0x60  }
0xb4: {  	[dreg:$0x2] =	wrdreg s24  }
0xb5: {  	[dreg:$0x3] =	wrdreg s16  }
0xb6: {  	[dreg:$0x4] =	wrdreg $0x9  }
0xb7: {  	_ =	task.clear_ibuf [dreg:s7], $0x5FFFF;
	_ =	strace $0x9000004F  }
0xb8: {  	s29 =	simm.s32 $0x9;
	_ =	strace $0x80000051  }
0xb9: {  	_ =	swait.ge [sflag:s29], $0x1  }
0xba: {  	[sflag:s29] =	ssyncadd.s32 $0xFFFFFFFF  }
0xbb: {  	_ =	strace $0x90000051  }
0xbc: {  	_ =	sfence  }
0xbd: {  	s30 =	sld [smem:$0x0];
	_ =	sdelay $0x2  }
0xbe: {  	s31 =	sshll.u32 s1, $0xD;
	s1 =	sshrl.u32 s1, $0x2  }
0xbf: {  	s3 =	sand.u32 $0x4000, s31;
	s1 =	sadd.s32 s1, s30  }
0xc0: {  	s0 =	sor.u32 s3, s0;
	s1 =	sshll.u32 s1, $0x11  }
0xc1: {  	s0 =	sor.u32 s1, s0  }
0xc2: {  	s0 =	sadd.s32 $0x8F2B, s0  }
0xc3: {  	[sflag:s0] =	ssyncadd.remote.s32 $0x1  }
0xc4: {  	_ =	sfence.sel $0xFFFF  }
0xc5: {  	[dreg:$0x0] =	wrdreg $0xFFFFFFFF;
	(pc) =	sbr.abs _section_cstart, $3  }
0xc6: {  	[dreg:$0x1] =	wrdreg $0xFFFFFFFF  }
0xc7: {  	_ =	task.clear_ibuf [dreg:s7], $0x2FFFF;
	_ =	strace $0x9FFFFFFF  }
0xc8: {  	(tm) =	ssettm $0x7FFFFFFF  }
0xc9: {  	_ =	shalt  }
tec
execute0_lowered:
.L_overlay_start_1:
0x0: {  	(tag) =	ssettag $0x1  }
0x1: {  	s14 =	rddreg [dreg:$0x0];
	s1 =	srdreg.scid  }
0x2: {  	s0 =	stileid.u32;
	s9 =	rddreg [dreg:$0x1];
	s2 =	simm.s32 $0x0  }
0x3: {  	s17 =	simm.s32 $0x1;
	s18 =	simm.s32 $0xC80;
	s19 =	simm.s32 $0x12580  }
0x4: {  	s20 =	simm.s32 $0x16580;
	s21 =	simm.s32 $0x80;
	s22 =	simm.s32 $0x400  }
0x5: {  	s23 =	simm.s32 $0x1900;
	s24 =	simm.s32 $0x11900;
	s25 =	simm.s32 $0x0  }
0x6: {  	s5 =	sand.u32 $0x1, s1;
	s3 =	sshll.u32 s0, $0x1;
	s1 =	rddreg [dreg:$0x2]  }
0x7: {  	[smem:$0x7FF] =	sst s2;
	s4 =	sshll.u32 s0, $0xC;
	s7 =	sor.u32 s5, s3  }
0x8: {  	_ =	strace $0x80000050;
	s31 =	ssub.s32 $0x2, s5;
	s5 =	sadd.s32 $0x18CE00, s14  }
0x9: {  	s3 =	smul.u32 $0x188, s7;
	s6 =	sshll.u32 s7, $0x4;
	s12 =	sshrl.u32 s31, $0x1  }
0xa: {  	s7 =	smul.u32 $0xC8000, s7;
	s6 =	sor.u32 s4, s6;
	s4 =	sadd.s32 $0x65E400, s14  }
0xb: {  	s16 =	ssub.s32 s31, s12;
	s8 =	sadd.s32 s3, s14;
	s3 =	sadd.s32 $0x65A400, s14  }
0xc: {  	s10 =	sand.u32 $0xC070, s6;
	s12 =	sadd.s32 $0x32000, s7;
	s13 =	sadd.s32 $0x64000, s7  }
0xd: {  	s15 =	sadd.s32 $0x96000, s7;
	s11 =	sadd.s32 s10, s14;
	s6 =	sadd.s32 $0x189C00, s8  }
0xe: {  	v1 =	vlaneseq.u32;
	s8 =	sadd.s32 $0x1C00, s8;
	s9 =	sadd.s32 s9, s10;
	s10 =	sadd.s32 $0x4E00, s11  }
0xf: {  	v0 =	vimm.f32 $0.0e+00;
	v2 =	vimm.f32 $1.000000000e+00;
	v1 =	vmul.u32 $0x400, v1;
	s16 =	smax.u32 s16, $0x1;
	s11 =	sadd.s32 $0x65C400, s14;
	s14 =	sadd.s32 $0x660400, s14  }
.LBB2_1:
0x10: {  	[tilespmem:s2], [sflag:$0x1] =	stream.linear.gather [hbm4b:s6+s2], $0xC40, $0x38;
	[tilespmem:$0x1A580] =	vst v63  }
0x11: {  	_ =	swait.ge [sflag:s17], $0xC40  }
0x12: {  	[sflag:s17] =	ssyncset.done $0x0  }
0x13: {  	[sflag:s17] =	ssyncadd.s32 $0xFFFFF3C0  }
0x14: {  	[tilespmem:s18], [sflag:$0x1] =	stream.linear.gather [hbm4b:s8+s2], $0xC40, $0x38;
	[tilespmem:$0x1A580] =	vst v63  }
0x15: {  	_ =	swait.ge [sflag:s17], $0xC40  }
0x16: {  	[sflag:s17] =	ssyncset.done $0x0  }
0x17: {  	s26 =	simm.s32 $0x0;
	[sflag:s17] =	ssyncadd.s32 $0xFFFFF3C0  }
.LBB2_2:
0x18: {  	p0 =	sne.s32 s26, $0xFFC0  }
.Ltmp0:
0x19: {  	_ = 	snop;
	(pc) =	sbr.rel @p0 .LBB2_2-.Ltmp0, $4  }
0x1a: {  	_ = 	snop  }
0x1b: {  	s28 =	sshra.s32 s26, $0x2  }
0x1c: {  	[tilespmem:s28+$0x12580] =	vst v0  }
0x1d: {  	s26 =	sadd.s32 $0x40, s26;
	[tilespmem:s28+$0x16580] =	vst v0  }
0x1e: {  	s28 =	simm.s32 $0x0  }
0x1f: {  	s26 =	simm.s32 $0x40;
	v3 =	vld [tilespmem:s28+$0x0]  }
.LBB2_4:
0x20: {  	p0 =	sne.s32 s26, $0x30C0;
	v4 =	vld [tilespmem:s28+$0xC80];
	_ =	sdelay $0x3  }
0x21: {  	v3 =	vadd.s32 v1, v3  }
0x22: {  	v4 =	vadd.s32 v1, v4;
	_ =	sdelay $0x1  }
.Ltmp1:
0x23: {  	(pc) =	sbr.rel @p0 .LBB2_4-.Ltmp1, $4  }
0x24: {  	_ = 	snop  }
0x25: {  	[tilespmem:v3+s19+$0x0] =	vst.idx.add.f32.msk $0xffff, v2  }
0x26: {  	s28 =	sshra.s32 s26, $0x2;
	[tilespmem:v4+s20+$0x0] =	vst.idx.add.f32.msk $0xffff, v2  }
0x27: {  	s26 =	sadd.s32 $0x40, s26;
	v3 =	vld [tilespmem:s28+$0x0]  }
0x28: {  	v4 =	vld [tilespmem:s28+$0xC80];
	_ =	sdelay $0x3  }
0x29: {  	v3 =	vadd.s32 v1, v3  }
0x2a: {  	v4 =	vadd.s32 v1, v4;
	_ =	sdelay $0x3  }
0x2b: {  	[tilespmem:v3+s19+$0x0] =	vst.idx.add.f32.msk $0xffff, v2  }
0x2c: {  	[tilespmem:v4+s20+$0x0] =	vst.idx.add.f32.msk $0xffff, v2  }
0x2d: {  	[hbm4b:s9+s21] =	stream.strided.scatter [tilespmem:s19], [sflag:$0x1], $0x4000, s22, s21, $0x38;
	[tilespmem:$0x1A580] =	vst v63  }
0x2e: {  	_ =	swait.ge [sflag:s17], $0x4000  }
0x2f: {  	[sflag:s17] =	ssyncset.done $0x0  }
0x30: {  	[sflag:s17] =	ssyncadd.s32 $0xFFFFC000  }
0x31: {  	[hbm4b:s10+s21] =	stream.strided.scatter [tilespmem:s20], [sflag:$0x1], $0x4000, s22, s21, $0x38;
	[tilespmem:$0x1A580] =	vst v63  }
0x32: {  	_ =	swait.ge [sflag:s17], $0x4000  }
0x33: {  	[sflag:s17] =	ssyncset.done $0x0  }
0x34: {  	s26 =	simm.s32 $0x0;
	[sflag:s17] =	ssyncadd.s32 $0xFFFFC000  }
0x35: {  	[tilespmem:s23], [sflag:$0x1] =	stream.linear.gather [hbm4b:s3+s26], $0x10000, $0x38;
	[tilespmem:$0x1A580] =	vst v63  }
0x36: {  	_ =	swait.ge [sflag:s17], $0x10000  }
0x37: {  	[sflag:s17] =	ssyncset.done $0x0  }
0x38: {  	[sflag:s17] =	ssyncadd.s32 $0xFFFF0000  }
.LBB2_6:
0x39: {  	s28 =	simm.s32 $0x0  }
0x3a: {  	v4 =	vld [tilespmem:s28+$0x0];
	_ =	sdelay $0x2  }
0x3b: {  	s29 =	sshll.u32 s26, $0xA  }
0x3c: {  	v3 =	vmov s29  }
0x3d: {  	s29 =	simm.s32 $0x10;
	v4 =	vadd.s32 v3, v4  }
0x3e: {  	v6 =	vld [tilespmem:s29+$0x0];
	_ =	sdelay $0x3  }
0x3f: {  	v5 =	vld.idx.msk [tilespmem:v4+s23+$0x0], $0xffff  }
0x40: {  	v4 =	vadd.s32 v3, v6  }
0x41: {  	s30 =	simm.s32 $0x20;
	s31 =	simm.s32 $0xC0  }
.LBB2_7:
0x42: {  	p0 =	sne.s32 s31, $0x30C0;
	v6 =	vld [tilespmem:s30+$0x0];
	_ =	sdelay $0x1  }
.Ltmp2:
0x43: {  	[tilespmem:s28+$0x11900] =	vst v5;
	s28 =	smov.u32 s29;
	s29 =	smov.u32 s30;
	(pc) =	sbr.rel @p0 .LBB2_7-.Ltmp2, $3  }
0x44: {  	v5 =	vld.idx.msk [tilespmem:v4+s23+$0x0], $0xffff;
	_ =	sdelay $0x1  }
0x45: {  	v4 =	vadd.s32 v3, v6  }
0x46: {  	s30 =	sshra.s32 s31, $0x2;
	s31 =	sadd.s32 $0x40, s31  }
0x47: {  	v6 =	vld [tilespmem:s30+$0x0];
	_ =	sdelay $0x2  }
0x48: {  	[tilespmem:s28+$0x11900] =	vst v5  }
0x49: {  	v4 =	vld.idx.msk [tilespmem:v4+s23+$0x0], $0xffff  }
0x4a: {  	v3 =	vadd.s32 v3, v6;
	_ =	sdelay $0x3  }
0x4b: {  	[tilespmem:s29+$0x11900] =	vst v4;
	s29 =	sshrl.u32 s26, $0x3  }
0x4c: {  	s28 =	smul.u32 $0x6400, s29;
	v3 =	vld.idx.msk [tilespmem:v3+s23+$0x0], $0xffff  }
0x4d: {  	s31 =	sshll.u32 s26, $0x7  }
0x4e: {  	s29 =	sand.u32 $0x380, s31;
	s28 =	sadd.s32 s7, s28  }
0x4f: {  	s26 =	sadd.s32 $0x1, s26;
	s28 =	sor.u32 s29, s28  }
0x50: {  	p0 =	sne.s32 s26, $0x40;
	s28 =	sshrl.u32 s28, $0x3  }
.Ltmp3:
0x51: {  	s28 =	sadd.s32 s5, s28;
	[tilespmem:s30+$0x11900] =	vst v3;
	(pc) =	sbr.rel @p0 .LBB2_6-.Ltmp3, $4  }
0x52: {  	[hbm4b:s28+s21] =	stream.strided.scatter [tilespmem:s24], [sflag:$0x1], $0xC80, s22, s21, $0x38;
	[tilespmem:$0x1A580] =	vst v63  }
0x53: {  	_ =	swait.ge [sflag:s17], $0xC80  }
0x54: {  	[sflag:s17] =	ssyncset.done $0x0  }
0x55: {  	[sflag:s17] =	ssyncadd.s32 $0xFFFFF380  }
0x56: {  	s26 =	simm.s32 $0x0  }
0x57: {  	[tilespmem:s23], [sflag:$0x1] =	stream.linear.gather [hbm4b:s11+s26], $0x10000, $0x38;
	[tilespmem:$0x1A580] =	vst v63  }
0x58: {  	_ =	swait.ge [sflag:s17], $0x10000  }
0x59: {  	[sflag:s17] =	ssyncset.done $0x0  }
0x5a: {  	[sflag:s17] =	ssyncadd.s32 $0xFFFF0000  }
.LBB2_10:
0x5b: {  	s28 =	simm.s32 $0x0  }
0x5c: {  	v4 =	vld [tilespmem:s28+$0x0];
	_ =	sdelay $0x2  }
0x5d: {  	s29 =	sshll.u32 s26, $0xA  }
0x5e: {  	v3 =	vmov s29  }
0x5f: {  	s29 =	simm.s32 $0x10;
	v4 =	vadd.s32 v3, v4  }
0x60: {  	v6 =	vld [tilespmem:s29+$0x0];
	_ =	sdelay $0x3  }
0x61: {  	v5 =	vld.idx.msk [tilespmem:v4+s23+$0x0], $0xffff  }
0x62: {  	v4 =	vadd.s32 v3, v6  }
0x63: {  	s30 =	simm.s32 $0x20;
	s31 =	simm.s32 $0xC0  }
.LBB2_11:
0x64: {  	p0 =	sne.s32 s31, $0x30C0;
	v6 =	vld [tilespmem:s30+$0x0];
	_ =	sdelay $0x1  }
.Ltmp4:
0x65: {  	[tilespmem:s28+$0x11900] =	vst v5;
	s28 =	smov.u32 s29;
	s29 =	smov.u32 s30;
	(pc) =	sbr.rel @p0 .LBB2_11-.Ltmp4, $3  }
0x66: {  	v5 =	vld.idx.msk [tilespmem:v4+s23+$0x0], $0xffff;
	_ =	sdelay $0x1  }
0x67: {  	v4 =	vadd.s32 v3, v6  }
0x68: {  	s30 =	sshra.s32 s31, $0x2;
	s31 =	sadd.s32 $0x40, s31  }
0x69: {  	v6 =	vld [tilespmem:s30+$0x0];
	_ =	sdelay $0x2  }
0x6a: {  	[tilespmem:s28+$0x11900] =	vst v5  }
0x6b: {  	v4 =	vld.idx.msk [tilespmem:v4+s23+$0x0], $0xffff  }
0x6c: {  	v3 =	vadd.s32 v3, v6;
	_ =	sdelay $0x3  }
0x6d: {  	[tilespmem:s29+$0x11900] =	vst v4;
	s29 =	sshrl.u32 s26, $0x3  }
0x6e: {  	s28 =	smul.u32 $0x6400, s29;
	v3 =	vld.idx.msk [tilespmem:v3+s23+$0x0], $0xffff  }
0x6f: {  	s31 =	sshll.u32 s26, $0x7  }
0x70: {  	s29 =	sand.u32 $0x380, s31;
	s28 =	sadd.s32 s28, s12  }
0x71: {  	s26 =	sadd.s32 $0x1, s26;
	s28 =	sor.u32 s29, s28  }
0x72: {  	p0 =	sne.s32 s26, $0x40;
	s28 =	sshrl.u32 s28, $0x3  }
.Ltmp5:
0x73: {  	s28 =	sadd.s32 s5, s28;
	[tilespmem:s30+$0x11900] =	vst v3;
	(pc) =	sbr.rel @p0 .LBB2_10-.Ltmp5, $4  }
0x74: {  	[hbm4b:s28+s21] =	stream.strided.scatter [tilespmem:s24], [sflag:$0x1], $0xC80, s22, s21, $0x38;
	[tilespmem:$0x1A580] =	vst v63  }
0x75: {  	_ =	swait.ge [sflag:s17], $0xC80  }
0x76: {  	[sflag:s17] =	ssyncset.done $0x0  }
0x77: {  	[sflag:s17] =	ssyncadd.s32 $0xFFFFF380  }
0x78: {  	s26 =	simm.s32 $0x0  }
0x79: {  	[tilespmem:s23], [sflag:$0x1] =	stream.linear.gather [hbm4b:s4+s26], $0x10000, $0x38;
	[tilespmem:$0x1A580] =	vst v63  }
0x7a: {  	_ =	swait.ge [sflag:s17], $0x10000  }
0x7b: {  	[sflag:s17] =	ssyncset.done $0x0  }
0x7c: {  	[sflag:s17] =	ssyncadd.s32 $0xFFFF0000  }
.LBB2_14:
0x7d: {  	s28 =	simm.s32 $0x0  }
0x7e: {  	v4 =	vld [tilespmem:s28+$0xC80];
	_ =	sdelay $0x2  }
0x7f: {  	s29 =	sshll.u32 s26, $0xA  }
0x80: {  	v3 =	vmov s29  }
0x81: {  	s29 =	simm.s32 $0x10;
	v4 =	vadd.s32 v3, v4  }
0x82: {  	v6 =	vld [tilespmem:s29+$0xC80];
	_ =	sdelay $0x3  }
0x83: {  	v5 =	vld.idx.msk [tilespmem:v4+s23+$0x0], $0xffff  }
0x84: {  	v4 =	vadd.s32 v3, v6  }
0x85: {  	s30 =	simm.s32 $0x20;
	s31 =	simm.s32 $0xC0  }
.LBB2_15:
0x86: {  	p0 =	sne.s32 s31, $0x30C0;
	v6 =	vld [tilespmem:s30+$0xC80];
	_ =	sdelay $0x1  }
.Ltmp6:
0x87: {  	[tilespmem:s28+$0x11900] =	vst v5;
	s28 =	smov.u32 s29;
	s29 =	smov.u32 s30;
	(pc) =	sbr.rel @p0 .LBB2_15-.Ltmp6, $3  }
0x88: {  	v5 =	vld.idx.msk [tilespmem:v4+s23+$0x0], $0xffff;
	_ =	sdelay $0x1  }
0x89: {  	v4 =	vadd.s32 v3, v6  }
0x8a: {  	s30 =	sshra.s32 s31, $0x2;
	s31 =	sadd.s32 $0x40, s31  }
0x8b: {  	v6 =	vld [tilespmem:s30+$0xC80];
	_ =	sdelay $0x2  }
0x8c: {  	[tilespmem:s28+$0x11900] =	vst v5  }
0x8d: {  	v4 =	vld.idx.msk [tilespmem:v4+s23+$0x0], $0xffff  }
0x8e: {  	v3 =	vadd.s32 v3, v6;
	_ =	sdelay $0x3  }
0x8f: {  	[tilespmem:s29+$0x11900] =	vst v4;
	s29 =	sshrl.u32 s26, $0x3  }
0x90: {  	s28 =	smul.u32 $0x6400, s29;
	v3 =	vld.idx.msk [tilespmem:v3+s23+$0x0], $0xffff  }
0x91: {  	s31 =	sshll.u32 s26, $0x7  }
0x92: {  	s29 =	sand.u32 $0x380, s31;
	s28 =	sadd.s32 s28, s13  }
0x93: {  	s26 =	sadd.s32 $0x1, s26;
	s28 =	sor.u32 s29, s28  }
0x94: {  	p0 =	sne.s32 s26, $0x40;
	s28 =	sshrl.u32 s28, $0x3  }
.Ltmp7:
0x95: {  	s28 =	sadd.s32 s5, s28;
	[tilespmem:s30+$0x11900] =	vst v3;
	(pc) =	sbr.rel @p0 .LBB2_14-.Ltmp7, $4  }
0x96: {  	[hbm4b:s28+s21] =	stream.strided.scatter [tilespmem:s24], [sflag:$0x1], $0xC80, s22, s21, $0x38;
	[tilespmem:$0x1A580] =	vst v63  }
0x97: {  	_ =	swait.ge [sflag:s17], $0xC80  }
0x98: {  	[sflag:s17] =	ssyncset.done $0x0  }
0x99: {  	[sflag:s17] =	ssyncadd.s32 $0xFFFFF380  }
0x9a: {  	s26 =	simm.s32 $0x0  }
0x9b: {  	[tilespmem:s23], [sflag:$0x1] =	stream.linear.gather [hbm4b:s14+s26], $0x10000, $0x38;
	[tilespmem:$0x1A580] =	vst v63  }
0x9c: {  	_ =	swait.ge [sflag:s17], $0x10000  }
0x9d: {  	[sflag:s17] =	ssyncset.done $0x0  }
0x9e: {  	[sflag:s17] =	ssyncadd.s32 $0xFFFF0000  }
.LBB2_18:
0x9f: {  	s28 =	simm.s32 $0x0  }
0xa0: {  	v4 =	vld [tilespmem:s28+$0xC80];
	_ =	sdelay $0x2  }
0xa1: {  	s29 =	sshll.u32 s26, $0xA  }
0xa2: {  	v3 =	vmov s29  }
0xa3: {  	s29 =	simm.s32 $0x10;
	v4 =	vadd.s32 v3, v4  }
0xa4: {  	v6 =	vld [tilespmem:s29+$0xC80];
	_ =	sdelay $0x3  }
0xa5: {  	v5 =	vld.idx.msk [tilespmem:v4+s23+$0x0], $0xffff  }
0xa6: {  	v4 =	vadd.s32 v3, v6  }
0xa7: {  	s30 =	simm.s32 $0x20;
	s31 =	simm.s32 $0xC0  }
.LBB2_19:
0xa8: {  	p0 =	sne.s32 s31, $0x30C0;
	v6 =	vld [tilespmem:s30+$0xC80];
	_ =	sdelay $0x1  }
.Ltmp8:
0xa9: {  	[tilespmem:s28+$0x11900] =	vst v5;
	s28 =	smov.u32 s29;
	s29 =	smov.u32 s30;
	(pc) =	sbr.rel @p0 .LBB2_19-.Ltmp8, $3  }
0xaa: {  	v5 =	vld.idx.msk [tilespmem:v4+s23+$0x0], $0xffff;
	_ =	sdelay $0x1  }
0xab: {  	v4 =	vadd.s32 v3, v6  }
0xac: {  	s30 =	sshra.s32 s31, $0x2;
	s31 =	sadd.s32 $0x40, s31  }
0xad: {  	v6 =	vld [tilespmem:s30+$0xC80];
	_ =	sdelay $0x2  }
0xae: {  	[tilespmem:s28+$0x11900] =	vst v5  }
0xaf: {  	v4 =	vld.idx.msk [tilespmem:v4+s23+$0x0], $0xffff  }
0xb0: {  	v3 =	vadd.s32 v3, v6;
	_ =	sdelay $0x3  }
0xb1: {  	[tilespmem:s29+$0x11900] =	vst v4;
	s29 =	sshrl.u32 s26, $0x3  }
0xb2: {  	s28 =	smul.u32 $0x6400, s29;
	v3 =	vld.idx.msk [tilespmem:v3+s23+$0x0], $0xffff  }
0xb3: {  	s31 =	sshll.u32 s26, $0x7  }
0xb4: {  	s29 =	sand.u32 $0x380, s31;
	s28 =	sadd.s32 s28, s15  }
0xb5: {  	s26 =	sadd.s32 $0x1, s26;
	s28 =	sor.u32 s29, s28  }
0xb6: {  	p0 =	sne.s32 s26, $0x40;
	s28 =	sshrl.u32 s28, $0x3  }
.Ltmp9:
0xb7: {  	s28 =	sadd.s32 s5, s28;
	[tilespmem:s30+$0x11900] =	vst v3;
	(pc) =	sbr.rel @p0 .LBB2_18-.Ltmp9, $4  }
0xb8: {  	[hbm4b:s28+s21] =	stream.strided.scatter [tilespmem:s24], [sflag:$0x1], $0xC80, s22, s21, $0x38;
	[tilespmem:$0x1A580] =	vst v63  }
0xb9: {  	_ =	swait.ge [sflag:s17], $0xC80  }
0xba: {  	[sflag:s17] =	ssyncset.done $0x0  }
0xbb: {  	[sflag:s17] =	ssyncadd.s32 $0xFFFFF380  }
0xbc: {  	s25 =	sadd.s32 $0x1, s25  }
0xbd: {  	p0 =	sne.s32 s25, s16  }
.Ltmp10:
0xbe: {  	_ = 	snop;
	(pc) =	sbr.rel @p0 .LBB2_1-.Ltmp10, $1  }
0xbf: {  	_ =	sdelay $0x3  }
0xc0: {  	_ =	sfence.sel $0x180000  }
0xc1: {  	[bflag:$0x0] =	sbarrier.arrive $0xFFFF  }
0xc2: {  	p0 =	sne.s32 s0, $0x0;
	_ =	strace $0x90000050  }
0xc3: {  	s0 =	sadd.s32 @!p0 $0x100000, s1;
	[bflag:$0x2] =	sbarrier.arrive $0xFFFF  }
0xc4: {  	[sflag:s0] =	ssyncadd.tile.s32 @!p0 $0x1;
	_ =	shalt  }
.Lfunc_end2:
_tile_overlayer_lowered:
.L_overlay_start_2:
0xc5: {  	(tag) =	ssettag $0x2  }
0xc6: {  	s0 =	rddreg [dreg:$0x0];
	s2 =	stileid.u32  }
0xc7: {  	s1 =	rddreg [dreg:$0x1];
	p0 =	sne.s32 s2, $0x0  }
0xc8: {  	s3 =	rddreg [dreg:$0x2];
	[bflag:$0x3] =	sbarrier.arrive $0xFFFF;
	s2 =	simm.s32 @!p0 $0x1C01  }
0xc9: {  	[timem:s3], [sflag:s2] =	dma.local @!p0 [hbm:s0], s1  }
0xca: {  	s0 =	simm.s32 @!p0 $0x1  }
0xcb: {  	_ =	swait.ge @!p0 [sflag:s0], s1  }
0xcc: {  	s1 =	ssub.s32 @!p0 $0x0, s1;
	[sflag:s0] =	ssyncset.done @!p0 $0x0  }
0xcd: {  	[sflag:s0] =	ssyncadd.s32 @!p0 s1  }
0xce: {  	[bflag:$0x3] =	sbarrier.arrive $0xFFFF  }
0xcf: {  	_ =	shalt  }

// kernel: sparse-core-data-format-call.1.cloned.1.call-start
scs
called_computation.1_lowered:
.L_overlay_start_0:
0x0: {  	s1 =	sld [smem:$0x3FD9]  }
0x1: {  	s2 =	sld [smem:$0x3FFE];
	_ =	sdelay $0x1  }
0x2: {  	s3 =	srdreg.scid  }
0x3: {  	s0 =	sand.u32 $0x1, s3  }
0x4: {  	s17 =	sshll.u32 s0, $0xA;
	s1 =	sadd.s32 s2, s1  }
0x5: {  	s1 =	sadd.s32 s1, s17  }
0x6: {  	[smem:$0x3FC1] =	sst s1  }
0x7: {  	_ = 	snop  }
0x8: {  	(tm) =	ssettm $0x1  }
0x9: {  	s18 =	sld [smem:$0x3FFB];
	_ =	sdelay $0x3  }
0xa: {  	_ =	strace s18  }
0xb: {  	s1 =	sld [smem:$0x3FFC];
	_ =	sdelay $0x3  }
0xc: {  	_ =	strace s1  }
0xd: {  	s1 =	sld [smem:$0x3FFD];
	_ =	sdelay $0x3  }
0xe: {  	_ =	strace s1  }
0xf: {  	_ =	strace $0x8FFFFFFF  }
0x10: {  	s19 =	sld [smem:$0x3FDB];
	_ =	sdelay $0x1  }
0x11: {  	s20 =	simm.s32 $_scs_section_size  }
0x12: {  	s4 =	simm.s32 $_size__tile_overlayer_lowered;
	s5 =	simm.s32 $_tile_overlayer_lowered  }
0x13: {  	s23 =	simm.s32 $0x1BFF;
	s22 =	sshll.u32 s5, $0x1;
	s1 =	sadd.s32 s20, s19  }
0x14: {  	s6 =	simm.s32 $0x0;
	s21 =	sshll.u32 s4, $0x1;
	s4 =	sadd.s32 s22, s1  }
0x15: {  	[timem:s6], [sflag:s23] =	dma.local [hbm:s4], s21  }
0x16: {  	_ =	swait.ge [sflag:s23], s21  }
0x17: {  	s2 =	ssub.s32 $0x0, s21;
	[sflag:s23] =	ssyncset.done $0x0  }
0x18: {  	[sflag:s23] =	ssyncadd.s32 s2;
	_ =	sdelay $0x1  }
0x19: {  	s24 =	simm.s32 $0x1B8B  }
0x1a: {  	_ =	swait.ge [sflag:s24], $0x1  }
0x1b: {  	[sflag:s24] =	ssyncset.done $0x0  }
0x1c: {  	s26 =	simm.s32 $0x1B8E;
	s25 =	sld [smem:$0x3FFE];
	[sflag:s24] =	ssyncadd.s32 $0xFFFFFFFF  }
0x1d: {  	s27 =	simm.s32 $execute0_lowered;
	[smem:$0x3FD2] =	sst s26  }
0x1e: {  	s4 =	sshll.u32 s27, $0x1;
	_ =	strace $0x80000049;
	[dreg:$0x1] =	wrdreg $0xFFFFFFFF  }
0x1f: {  	s28 =	simm.s32 $_size_execute0_lowered;
	s1 =	sadd.s32 s1, s4;
	[dreg:$0x0] =	wrdreg $0x0  }
0x20: {  	s4 =	sshll.u32 s28, $0x1;
	[dreg:$0x2] =	wrdreg s1  }
0x21: {  	[dreg:$0x3] =	wrdreg s4  }
0x22: {  	[dreg:$0x4] =	wrdreg $0xC0  }
0x23: {  	_ =	task [dreg:s6], $0x5FFFF  }
0x24: {  	[dreg:$0x1] =	wrdreg $0xFFFFFFFF  }
0x25: {  	[dreg:$0x0] =	wrdreg $0x60  }
0x26: {  	[dreg:$0x2] =	wrdreg s25  }
0x27: {  	[dreg:$0x3] =	wrdreg $0x9  }
0x28: {  	_ =	task.clear_ibuf [dreg:s6], $0x4FFFF;
	_ =	strace $0x90000049  }
0x29: {  	s29 =	simm.s32 $0x9;
	_ =	strace $0x8000004B  }
0x2a: {  	_ =	swait.ge [sflag:s29], $0x1  }
0x2b: {  	[sflag:s29] =	ssyncadd.s32 $0xFFFFFFFF  }
0x2c: {  	_ =	strace $0x9000004B  }
0x2d: {  	_ =	sfence  }
0x2e: {  	s30 =	sld [smem:$0x0];
	_ =	sdelay $0x2  }
0x2f: {  	s31 =	sshll.u32 s3, $0xD;
	s3 =	sshrl.u32 s3, $0x2  }
0x30: {  	s2 =	sand.u32 $0x4000, s31;
	s1 =	sadd.s32 s3, s30  }
0x31: {  	s0 =	sor.u32 s2, s0;
	s1 =	sshll.u32 s1, $0x11  }
0x32: {  	s0 =	sor.u32 s1, s0  }
0x33: {  	s0 =	sadd.s32 $0x8F2B, s0  }
0x34: {  	[sflag:s0] =	ssyncadd.remote.s32 $0x1  }
0x35: {  	_ =	sfence.sel $0xFFFF  }
0x36: {  	[dreg:$0x0] =	wrdreg $0xFFFFFFFF;
	(pc) =	sbr.abs _section_cstart, $3  }
0x37: {  	[dreg:$0x1] =	wrdreg $0xFFFFFFFF  }
0x38: {  	_ =	task.clear_ibuf [dreg:s6], $0x2FFFF;
	_ =	strace $0x9FFFFFFF  }
0x39: {  	(tm) =	ssettm $0x7FFFFFFF  }
tec
execute0_lowered:
.L_overlay_start_1:
0x0: {  	(tag) =	ssettag $0x1  }
0x1: {  	s6 =	rddreg [dreg:$0x0]  }
0x2: {  	s0 =	stileid.u32;
	s1 =	rddreg [dreg:$0x1];
	_ =	strace $0x8000004A  }
0x3: {  	s5 =	srdreg.scid;
	s31 =	simm.s32 $0x2;
	s16 =	simm.s32 $0x0  }
0x4: {  	s10 =	simm.s32 $0x1000;
	s11 =	simm.s32 $0x0;
	s2 =	sshll.u32 s0, $0x3  }
0x5: {  	s17 =	simm.s32 $0x0;
	s18 =	simm.s32 $0x0;
	s2 =	sand.u32 $0x18, s2  }
0x6: {  	s12 =	simm.s32 $0x0;
	s15 =	simm.s32 $0x0;
	s4 =	ssub.s32 $0x20, s2  }
0x7: {  	s3 =	sadd.s32 $0x1C00, s6;
	s5 =	sshll.u32 s5, $0x4;
	s7 =	sand.u32 $0x18, s4  }
0x8: {  	s6 =	sadd.s32 $0x621C00, s6;
	p0 =	sne.s32 s7, $0x0;
	s7 =	simm.s32 $0x1  }
.Ltmp0:
0x9: {  	s8 =	sshrl.u32 s4, $0x5;
	s7 =	simm.s32 @!p0 $0x0;
	(pc) =	sbr.rel .LBB1_1-.Ltmp0, $4  }
0xa: {  	s5 =	sand.u32 $0x10, s5;
	s4 =	simm.s32 $0x1;
	s30 =	sadd.s32 s7, s8  }
0xb: {  	s9 =	sor.u32 s0, s5;
	[sflag:s4] =	ssyncpa.u1 $0x0;
	s5 =	smul.u32 $0x62, s30  }
0xc: {  	s14 =	smov.u32 s2;
	[sflag:s31] =	ssyncpa.u1 $0x0;
	s7 =	sshrl.u32 s9, $0x2  }
0xd: {  	s9 =	simm.s32 $0x400;
	s13 =	smov.u32 s7;
	s8 =	sor.u32 $0x1, s5  }
.LBB1_7:
0xe: {  	s19 =	sadd.s32 $0x10, s12  }
0xf: {  	s16 =	sadd.s32 $0x8, s13;
	s20 =	smov.u32 s13;
	p1 =	sgt.s32 s19, $0x6F  }
0x10: {  	s20 =	smov.u32 @p1 s16  }
0x11: {  	s22 =	smov.u32 s14;
	s16 =	sadd.s32 $0x20, s14;
	p2 =	sgt.s32 s20, $0x6F  }
0x12: {  	s22 =	smov.u32 @p2 s16  }
0x13: {  	s19 =	simm.s32 @p1 $0x0;
	p1 =	sgt.s32 s22, $0x1F  }
0x14: {  	p0 =	slt.u32 s15, $0x2;
	s22 =	smov.u32 @p1 s2;
	p1 =	sne.s32 s15, s8  }
.Ltmp1:
0x15: {  	s21 =	simm.s32 @!p0 $0x2;
	(pc) =	sbr.rel @!p1 .LBB1_8-.Ltmp1, $4  }
0x16: {  	s17 =	smov.u32 s13;
	s18 =	smov.u32 s14;
	_ =	swait.ge @!p0 [sflag:s21], $0x4000  }
0x17: {  	s11 =	sadd.s32 $0x4000, s11;
	[sflag:s21] =	ssyncset.done @!p0 $0x0;
	s20 =	smov.u32 @p2 s7  }
0x18: {  	s16 =	smov.u32 s12;
	[sflag:s21] =	ssyncadd.s32 @!p0 $0xFFFFC000;
	s12 =	smov.u32 s19  }
0x19: {  	s13 =	smov.u32 s20;
	s15 =	sadd.s32 $0x1, s15;
	s14 =	smov.u32 s22  }
.LBB1_1:
0x1a: {  	p0 =	sge.u32 s15, s5  }
0x1b: {  	s19 =	sand.u32 @!p0 $0x1FFFFFF, s12;
	s21 =	smul.u32 @!p0 $0x31000, s14  }
0x1c: {  	s20 =	smulhi.u32 @!p0 $0x2492493, s19  }
0x1d: {  	s23 =	smul.u32 @!p0 $0x700, s13  }
0x1e: {  	s20 =	smul.u32 @!p0 $0x70, s20  }
0x1f: {  	s31 =	sadd.s32 $0xFFFFFFFF, s15;
	s21 =	sadd.s32 @!p0 s3, s21  }
0x20: {  	s22 =	sxor.u32 @!p0 $0xFFFFFFFF, s15;
	s21 =	sadd.s32 @!p0 s23, s21;
	s19 =	ssub.s32 @!p0 s19, s20  }
0x21: {  	s20 =	sshll.u32 @!p0 s22, $0xE;
	s22 =	simm.s32 @!p0 $0x188000;
	s19 =	sshll.u32 @!p0 s19, $0x4  }
0x22: {  	s20 =	sand.u32 @!p0 $0x4000, s20;
	s19 =	sadd.s32 @!p0 s19, s21;
	s21 =	simm.s32 @!p0 $0x800  }
0x23: {  	[tilespmem:s20], [sflag:$0x1] =	stream.strided.gather @!p0 [hbm4b:s19+s21], $0x4000, s22, s21, $0x38;
	[tilespmem:$0x10000] =	vst v63  }
0x24: {  	p0 =	sge.u32 s31, s5  }
.Ltmp2:
0x25: {  	_ = 	snop;
	(pc) =	sbr.rel @p0 .LBB1_7-.Ltmp2, $1  }
0x26: {  	_ =	sdelay $0x3  }
0x27: {  	s19 =	sand.u32 $0x4000, s11  }
0x28: {  	_ =	swait.ge [sflag:s4], $0x4000;
	s22 =	sshll.u32 s15, $0xE;
	s20 =	sor.u32 $0x8040, s19  }
0x29: {  	s21 =	sor.u32 $0x40, s19;
	[sflag:s4] =	ssyncset.done $0x0;
	s31 =	sand.u32 $0x4000, s22  }
0x2a: {  	s22 =	simm.s32 $0x0;
	[sflag:s4] =	ssyncadd.s32 $0xFFFFC000;
	s19 =	sor.u32 $0x8000, s31  }
.LBB1_3:
0x2b: {  	v0 =	vmov s21;
	_ =	sdelay $0x3  }
0x2c: {  	s24 =	simm.s32 $0x0  }
0x2d: {  	v6 =	vld.idx.msk [tilespmem:v0+s24+$0x30 ss:$0x1], $0xffff  }
0x2e: {  	v7 =	vld.idx.msk [tilespmem:v0+s24+$0xFFFFFFC0 ss:$0x1], $0xffff  }
0x2f: {  	v5 =	vld.idx.msk [tilespmem:v0+s24+$0xFFFFFFD0 ss:$0x1], $0xffff  }
0x30: {  	v4 =	vld.idx.msk [tilespmem:v0+s24+$0xFFFFFFE0 ss:$0x1], $0xffff  }
0x31: {  	v3 =	vld.idx.msk [tilespmem:v0+s24+$0xFFFFFFF0 ss:$0x1], $0xffff  }
0x32: {  	v1 =	vld.idx.msk [tilespmem:v0+s24+$0x0 ss:$0x1], $0xffff  }
0x33: {  	v2 =	vld.idx.msk [tilespmem:v0+s24+$0x10 ss:$0x1], $0xffff;
	[tilespmem:s20+$0x30] =	vst v6  }
0x34: {  	s23 =	simm.s32 $0x80;
	s25 =	simm.s32 $0x400;
	[tilespmem:s20+$0xFFFFFFC0] =	vst v7;
	v6 =	vld.idx.msk [tilespmem:v0+s24+$0x20 ss:$0x1], $0xffff;
	s24 =	smov.u32 s20  }
.LBB1_4:
0x35: {  	p0 =	sne.s32 s25, $0x1E00;
	v7 =	vld.idx.msk [tilespmem:v0+s23+$0x30 ss:$0x1], $0xffff;
	[tilespmem:s24+$0xFFFFFFD0] =	vst v5  }
0x36: {  	v8 =	vld.idx.msk [tilespmem:v0+s23+$0xFFFFFFC0 ss:$0x1], $0xffff;
	[tilespmem:s24+$0xFFFFFFE0] =	vst v4  }
0x37: {  	v5 =	vld.idx.msk [tilespmem:v0+s23+$0xFFFFFFD0 ss:$0x1], $0xffff;
	[tilespmem:s24+$0xFFFFFFF0] =	vst v3  }
.Ltmp3:
0x38: {  	v4 =	vld.idx.msk [tilespmem:v0+s23+$0xFFFFFFE0 ss:$0x1], $0xffff;
	[tilespmem:s24+$0x0] =	vst v1;
	(pc) =	sbr.rel @p0 .LBB1_4-.Ltmp3, $4  }
0x39: {  	v3 =	vld.idx.msk [tilespmem:v0+s23+$0xFFFFFFF0 ss:$0x1], $0xffff;
	[tilespmem:s24+$0x10] =	vst v2  }
0x3a: {  	v1 =	vld.idx.msk [tilespmem:v0+s23+$0x0 ss:$0x1], $0xffff;
	[tilespmem:s24+$0x20] =	vst v6;
	s24 =	sadd.s32 $0x400, s24  }
0x3b: {  	v2 =	vld.idx.msk [tilespmem:v0+s23+$0x10 ss:$0x1], $0xffff;
	[tilespmem:s24+$0x30] =	vst v7  }
0x3c: {  	[tilespmem:s24+$0xFFFFFFC0] =	vst v8;
	v6 =	vld.idx.msk [tilespmem:v0+s23+$0x20 ss:$0x1], $0xffff;
	s23 =	sshra.s32 s25, $0x2;
	s25 =	sadd.s32 $0x200, s25  }
0x3d: {  	_ =	sdelay $0x2  }
0x3e: {  	[tilespmem:s24+$0xFFFFFFD0] =	vst v5  }
0x3f: {  	v56 =	vld.idx.msk [tilespmem:v0+s23+$0x30 ss:$0x1], $0xffff;
	[tilespmem:s24+$0xFFFFFFE0] =	vst v4  }
0x40: {  	v57 =	vld.idx.msk [tilespmem:v0+s23+$0xFFFFFFC0 ss:$0x1], $0xffff;
	[tilespmem:s24+$0xFFFFFFF0] =	vst v3  }
0x41: {  	v58 =	vld.idx.msk [tilespmem:v0+s23+$0xFFFFFFD0 ss:$0x1], $0xffff;
	[tilespmem:s24+$0x0] =	vst v1  }
0x42: {  	v59 =	vld.idx.msk [tilespmem:v0+s23+$0xFFFFFFE0 ss:$0x1], $0xffff;
	[tilespmem:s24+$0x10] =	vst v2  }
0x43: {  	v60 =	vld.idx.msk [tilespmem:v0+s23+$0xFFFFFFF0 ss:$0x1], $0xffff;
	s31 =	sadd.s32 $0x400, s24;
	[tilespmem:s24+$0x20] =	vst v6  }
0x44: {  	v61 =	vld.idx.msk [tilespmem:v0+s23+$0x0 ss:$0x1], $0xffff;
	[tilespmem:s31+$0x30] =	vst v56  }
0x45: {  	v62 =	vld.idx.msk [tilespmem:v0+s23+$0x10 ss:$0x1], $0xffff;
	s22 =	sadd.s32 $0x1, s22;
	[tilespmem:s31+$0xFFFFFFC0] =	vst v57  }
0x46: {  	v63 =	vld.idx.msk [tilespmem:v0+s23+$0x20 ss:$0x1], $0xffff;
	p0 =	sne.s32 s22, $0x8;
	[tilespmem:s31+$0xFFFFFFD0] =	vst v58  }
.Ltmp4:
0x47: {  	[tilespmem:s31+$0xFFFFFFE0] =	vst v59;
	(pc) =	sbr.rel @p0 .LBB1_3-.Ltmp4, $4  }
0x48: {  	[tilespmem:s31+$0xFFFFFFF0] =	vst v60  }
0x49: {  	[tilespmem:s31+$0x0] =	vst v61  }
0x4a: {  	[tilespmem:s31+$0x10] =	vst v62  }
0x4b: {  	s20 =	sadd.s32 $0x80, s20;
	s21 =	sadd.s32 $0x800, s21;
	[tilespmem:s31+$0x20] =	vst v63  }
0x4c: {  	s17 =	smul.u32 $0xE000, s17  }
.Ltmp5:
0x4d: {  	s18 =	sshll.u32 s18, $0x4;
	(pc) =	sbr.rel .LBB1_7-.Ltmp5, $4  }
0x4e: {  	s18 =	sand.u32 $0x1F0, s18;
	s17 =	sadd.s32 s6, s17  }
0x4f: {  	s16 =	sshll.u32 s16, $0x9;
	s17 =	sadd.s32 s18, s17  }
0x50: {  	s16 =	sadd.s32 s16, s17  }
0x51: {  	[hbm4b:s16+s9] =	stream.strided.scatter [tilespmem:s19], [sflag:$0x2], $0x4000, s10, s9, $0x38;
	[tilespmem:$0x10000] =	vst v63  }
.LBB1_8:
0x52: {  	_ =	sfence.sel $0x180000  }
0x53: {  	s2 =	simm.s32 $0x1;
	[bflag:$0x0] =	sbarrier.arrive $0xFFFF  }
0x54: {  	s31 =	simm.s32 $0x2;
	[sflag:s2] =	ssyncpa.u1 $0x1  }
0x55: {  	[sflag:s31] =	ssyncpa.u1 $0x1  }
0x56: {  	p0 =	sne.s32 s0, $0x0;
	_ =	strace $0x9000004A  }
0x57: {  	s0 =	sadd.s32 @!p0 $0x100000, s1;
	[bflag:$0x2] =	sbarrier.arrive $0xFFFF  }
0x58: {  	[sflag:s0] =	ssyncadd.tile.s32 @!p0 $0x1;
	_ =	shalt  }
.Lfunc_end1:
_tile_overlayer_lowered:
.L_overlay_start_2:
0x59: {  	(tag) =	ssettag $0x2  }
0x5a: {  	s0 =	rddreg [dreg:$0x0];
	s2 =	stileid.u32  }
0x5b: {  	s1 =	rddreg [dreg:$0x1];
	p0 =	sne.s32 s2, $0x0  }
0x5c: {  	s3 =	rddreg [dreg:$0x2];
	[bflag:$0x3] =	sbarrier.arrive $0xFFFF;
	s2 =	simm.s32 @!p0 $0x1C01  }
0x5d: {  	[timem:s3], [sflag:s2] =	dma.local @!p0 [hbm:s0], s1  }
0x5e: {  	s0 =	simm.s32 @!p0 $0x1  }
0x5f: {  	_ =	swait.ge @!p0 [sflag:s0], s1  }
0x60: {  	s1 =	ssub.s32 @!p0 $0x0, s1;
	[sflag:s0] =	ssyncset.done @!p0 $0x0  }
0x61: {  	[sflag:s0] =	ssyncadd.s32 @!p0 s1  }
0x62: {  	[bflag:$0x3] =	sbarrier.arrive $0xFFFF  }
0x63: {  	_ =	shalt  }

// kernel: sparse-core-data-format-call.2.cloned.1.call-start
scs
called_computation.2_lowered:
.L_overlay_start_0:
0x0: {  	s1 =	sld [smem:$0x3FD9]  }
0x1: {  	s2 =	sld [smem:$0x3FFE];
	_ =	sdelay $0x1  }
0x2: {  	s3 =	srdreg.scid  }
0x3: {  	s0 =	sand.u32 $0x1, s3  }
0x4: {  	s17 =	sshll.u32 s0, $0xA;
	s1 =	sadd.s32 s2, s1  }
0x5: {  	s1 =	sadd.s32 s1, s17  }
0x6: {  	[smem:$0x3FC1] =	sst s1  }
0x7: {  	_ = 	snop  }
0x8: {  	(tm) =	ssettm $0x1  }
0x9: {  	s18 =	sld [smem:$0x3FFB];
	_ =	sdelay $0x3  }
0xa: {  	_ =	strace s18  }
0xb: {  	s1 =	sld [smem:$0x3FFC];
	_ =	sdelay $0x3  }
0xc: {  	_ =	strace s1  }
0xd: {  	s1 =	sld [smem:$0x3FFD];
	_ =	sdelay $0x3  }
0xe: {  	_ =	strace s1  }
0xf: {  	_ =	strace $0x8FFFFFFF  }
0x10: {  	s19 =	sld [smem:$0x3FDB];
	_ =	sdelay $0x1  }
0x11: {  	s20 =	simm.s32 $_scs_section_size  }
0x12: {  	s4 =	simm.s32 $_size__tile_overlayer_lowered;
	s5 =	simm.s32 $_tile_overlayer_lowered  }
0x13: {  	s23 =	simm.s32 $0x1BFF;
	s22 =	sshll.u32 s5, $0x1;
	s1 =	sadd.s32 s20, s19  }
0x14: {  	s6 =	simm.s32 $0x0;
	s21 =	sshll.u32 s4, $0x1;
	s4 =	sadd.s32 s22, s1  }
0x15: {  	[timem:s6], [sflag:s23] =	dma.local [hbm:s4], s21  }
0x16: {  	_ =	swait.ge [sflag:s23], s21  }
0x17: {  	s2 =	ssub.s32 $0x0, s21;
	[sflag:s23] =	ssyncset.done $0x0  }
0x18: {  	[sflag:s23] =	ssyncadd.s32 s2;
	_ =	sdelay $0x1  }
0x19: {  	s24 =	simm.s32 $0x1B8B  }
0x1a: {  	_ =	swait.ge [sflag:s24], $0x1  }
0x1b: {  	[sflag:s24] =	ssyncset.done $0x0  }
0x1c: {  	s26 =	simm.s32 $0x1B8E;
	s25 =	sld [smem:$0x3FFE];
	[sflag:s24] =	ssyncadd.s32 $0xFFFFFFFF  }
0x1d: {  	s27 =	simm.s32 $execute0_lowered;
	[smem:$0x3FD2] =	sst s26  }
0x1e: {  	s4 =	sshll.u32 s27, $0x1;
	_ =	strace $0x80000046;
	[dreg:$0x1] =	wrdreg $0xFFFFFFFF  }
0x1f: {  	s28 =	simm.s32 $_size_execute0_lowered;
	s1 =	sadd.s32 s1, s4;
	[dreg:$0x0] =	wrdreg $0x0  }
0x20: {  	s4 =	sshll.u32 s28, $0x1;
	[dreg:$0x2] =	wrdreg s1  }
0x21: {  	[dreg:$0x3] =	wrdreg s4  }
0x22: {  	[dreg:$0x4] =	wrdreg $0xC0  }
0x23: {  	_ =	task [dreg:s6], $0x5FFFF  }
0x24: {  	[dreg:$0x1] =	wrdreg $0xFFFFFFFF  }
0x25: {  	[dreg:$0x0] =	wrdreg $0x60  }
0x26: {  	[dreg:$0x2] =	wrdreg s25  }
0x27: {  	[dreg:$0x3] =	wrdreg $0x9  }
0x28: {  	_ =	task.clear_ibuf [dreg:s6], $0x4FFFF;
	_ =	strace $0x90000046  }
0x29: {  	s29 =	simm.s32 $0x9;
	_ =	strace $0x80000048  }
0x2a: {  	_ =	swait.ge [sflag:s29], $0x1  }
0x2b: {  	[sflag:s29] =	ssyncadd.s32 $0xFFFFFFFF  }
0x2c: {  	_ =	strace $0x90000048  }
0x2d: {  	_ =	sfence  }
0x2e: {  	s30 =	sld [smem:$0x0];
	_ =	sdelay $0x2  }
0x2f: {  	s31 =	sshll.u32 s3, $0xD;
	s3 =	sshrl.u32 s3, $0x2  }
0x30: {  	s2 =	sand.u32 $0x4000, s31;
	s1 =	sadd.s32 s3, s30  }
0x31: {  	s0 =	sor.u32 s2, s0;
	s1 =	sshll.u32 s1, $0x11  }
0x32: {  	s0 =	sor.u32 s1, s0  }
0x33: {  	s0 =	sadd.s32 $0x8F2B, s0  }
0x34: {  	[sflag:s0] =	ssyncadd.remote.s32 $0x1  }
0x35: {  	_ =	sfence.sel $0xFFFF  }
0x36: {  	[dreg:$0x0] =	wrdreg $0xFFFFFFFF;
	(pc) =	sbr.abs _section_cstart, $3  }
0x37: {  	[dreg:$0x1] =	wrdreg $0xFFFFFFFF  }
0x38: {  	_ =	task.clear_ibuf [dreg:s6], $0x2FFFF;
	_ =	strace $0x9FFFFFFF  }
0x39: {  	(tm) =	ssettm $0x7FFFFFFF  }
tec
execute0_lowered:
.L_overlay_start_1:
0x0: {  	(tag) =	ssettag $0x1  }
0x1: {  	s0 =	srdreg.scid;
	s6 =	rddreg [dreg:$0x0];
	s4 =	simm.s32 $0x1  }
0x2: {  	s7 =	simm.s32 $0x2;
	s14 =	simm.s32 $0x0;
	s1 =	sshll.u32 s0, $0x4  }
0x3: {  	s8 =	simm.s32 $0x40;
	s0 =	stileid.u32;
	s1 =	sand.u32 $0x10, s1  }
0x4: {  	s9 =	simm.s32 $0x188000;
	s10 =	simm.s32 $0x0;
	s2 =	sor.u32 s0, s1  }
.Ltmp0:
0x5: {  	s15 =	simm.s32 $0x0;
	s3 =	ssub.s32 $0x8F, s2;
	(pc) =	sbr.rel .LBB1_1-.Ltmp0, $4  }
0x6: {  	s11 =	simm.s32 $0x0;
	s13 =	simm.s32 $0x0;
	s5 =	sshrl.u32 s3, $0x5  }
0x7: {  	s1 =	rddreg [dreg:$0x1];
	_ =	strace $0x80000047;
	s5 =	smul.u32 $0x70, s5  }
0x8: {  	[sflag:s4] =	ssyncpa.u1 $0x0;
	s12 =	smov.u32 s2;
	s3 =	sadd.s32 $0x1C00, s6  }
0x9: {  	s6 =	sadd.s32 $0x621C00, s6;
	[sflag:s7] =	ssyncpa.u1 $0x0;
	s7 =	sor.u32 $0x1, s5  }
.LBB1_4:
0xa: {  	s14 =	sand.u32 $0x1FFFFFF, s14  }
0xb: {  	s18 =	smulhi.u32 $0x2492493, s14;
	_ =	sdelay $0x1  }
0xc: {  	s18 =	smul.u32 $0x70, s18  }
0xd: {  	[tilespmem:v1+s16+$0x10 ss:$0x1] =	vst.idx.msk $0xffff, v2;
	s15 =	smul.u32 $0x700, s15  }
0xe: {  	[tilespmem:v1+s16+$0xFFFFFFE0 ss:$0x1] =	vst.idx.msk $0xffff, v3;
	s14 =	ssub.s32 s14, s18  }
0xf: {  	[tilespmem:v1+s16+$0xFFFFFFF0 ss:$0x1] =	vst.idx.msk $0xffff, v4;
	s15 =	sadd.s32 s6, s15;
	s14 =	sshll.u32 s14, $0x4  }
0x10: {  	[tilespmem:v1+s16+$0x0 ss:$0x1] =	vst.idx.msk $0xffff, v5;
	s14 =	sadd.s32 s14, s15  }
0x11: {  	[hbm4b:s14+s8] =	stream.strided.scatter [tilespmem:s17], [sflag:$0x2], $0x800, s9, s8, $0x38;
	[tilespmem:$0x2000] =	vst v63  }
.LBB1_5:
0x12: {  	s16 =	sadd.s32 $0x1, s11  }
0x13: {  	s14 =	sadd.s32 $0x20, s12;
	s18 =	smov.u32 s12;
	p1 =	sgt.s32 s16, $0x6F  }
0x14: {  	s18 =	smov.u32 @p1 s14  }
0x15: {  	s16 =	simm.s32 @p1 $0x0;
	p1 =	sgt.s32 s18, $0x6F  }
0x16: {  	s18 =	smov.u32 @p1 s2;
	p1 =	sne.s32 s13, s7  }
.Ltmp1:
0x17: {  	p0 =	slt.u32 s13, $0x2;
	(pc) =	sbr.rel @!p1 .LBB1_6-.Ltmp1, $4  }
0x18: {  	s17 =	simm.s32 @!p0 $0x2  }
0x19: {  	s15 =	smov.u32 s12;
	s10 =	sadd.s32 $0x800, s10;
	_ =	swait.ge @!p0 [sflag:s17], $0x800  }
0x1a: {  	s14 =	smov.u32 s11;
	[sflag:s17] =	ssyncset.done @!p0 $0x0;
	s11 =	smov.u32 s16  }
0x1b: {  	s13 =	sadd.s32 $0x1, s13;
	[sflag:s17] =	ssyncadd.s32 @!p0 $0xFFFFF800;
	s12 =	smov.u32 s18  }
.LBB1_1:
0x1c: {  	p0 =	sge.u32 s13, s5  }
0x1d: {  	s17 =	smul.u32 @!p0 $0xE000, s12  }
0x1e: {  	s31 =	sadd.s32 $0xFFFFFFFF, s13;
	s16 =	sxor.u32 @!p0 $0xFFFFFFFF, s13;
	s18 =	sshll.u32 @!p0 s11, $0x9  }
0x1f: {  	s19 =	simm.s32 @!p0 $0x80;
	s16 =	sshll.u32 @!p0 s16, $0xB;
	s17 =	sadd.s32 @!p0 s3, s17  }
0x20: {  	s16 =	sand.u32 @!p0 $0x800, s16;
	s17 =	sadd.s32 @!p0 s18, s17;
	s18 =	simm.s32 @!p0 $0x40  }
0x21: {  	[tilespmem:s16], [sflag:$0x1] =	stream.strided.gather @!p0 [hbm4b:s17+s18], $0x800, s19, s18, $0x38;
	[tilespmem:$0x2000] =	vst v63  }
0x22: {  	p0 =	sge.u32 s31, s5  }
.Ltmp2:
0x23: {  	_ = 	snop;
	(pc) =	sbr.rel @p0 .LBB1_5-.Ltmp2, $1  }
0x24: {  	_ =	sdelay $0x3  }
0x25: {  	s17 =	sand.u32 $0x800, s10  }
0x26: {  	v0 =	vmov s17;
	_ =	sdelay $0x1  }
0x27: {  	_ =	swait.ge [sflag:s4], $0x800  }
0x28: {  	[sflag:s4] =	ssyncset.done $0x0  }
0x29: {  	s16 =	simm.s32 $0x0;
	[sflag:s4] =	ssyncadd.s32 $0xFFFFF800  }
0x2a: {  	s19 =	sor.u32 $0x1020, s17;
	v2 =	vld.idx.msk [tilespmem:v0+s16+$0x30 ss:$0x1], $0xffff  }
0x2b: {  	s18 =	sshll.u32 s13, $0xB;
	v1 =	vmov s19;
	v3 =	vld.idx.msk [tilespmem:v0+s16+$0x0 ss:$0x1], $0xffff  }
0x2c: {  	s31 =	sand.u32 $0x800, s18;
	v4 =	vld.idx.msk [tilespmem:v0+s16+$0x10 ss:$0x1], $0xffff  }
0x2d: {  	s18 =	simm.s32 $0x100;
	s17 =	sor.u32 $0x1000, s31;
	v5 =	vld.idx.msk [tilespmem:v0+s16+$0x20 ss:$0x1], $0xffff  }
.LBB1_3:
0x2e: {  	p0 =	sne.s32 s18, $0x1F00  }
.Ltmp3:
0x2f: {  	s19 =	sshra.s32 s18, $0x2;
	s18 =	sadd.s32 $0x100, s18;
	(pc) =	sbr.rel @p0 .LBB1_3-.Ltmp3, $4  }
0x30: {  	[tilespmem:v1+s16+$0x10 ss:$0x1] =	vst.idx.msk $0xffff, v2;
	v2 =	vld.idx.msk [tilespmem:v0+s19+$0x30 ss:$0x1], $0xffff  }
0x31: {  	[tilespmem:v1+s16+$0xFFFFFFE0 ss:$0x1] =	vst.idx.msk $0xffff, v3;
	v3 =	vld.idx.msk [tilespmem:v0+s19+$0x0 ss:$0x1], $0xffff  }
0x32: {  	[tilespmem:v1+s16+$0xFFFFFFF0 ss:$0x1] =	vst.idx.msk $0xffff, v4;
	v4 =	vld.idx.msk [tilespmem:v0+s19+$0x10 ss:$0x1], $0xffff  }
0x33: {  	[tilespmem:v1+s16+$0x0 ss:$0x1] =	vst.idx.msk $0xffff, v5;
	v5 =	vld.idx.msk [tilespmem:v0+s19+$0x20 ss:$0x1], $0xffff;
	s16 =	smov.u32 s19  }
.Ltmp4:
0x34: {  	_ = 	snop;
	(pc) =	sbr.rel .LBB1_4-.Ltmp4, $1  }
0x35: {  	_ =	sdelay $0x3  }
.LBB1_6:
0x36: {  	_ =	sfence.sel $0x180000  }
0x37: {  	s2 =	simm.s32 $0x1;
	[bflag:$0x0] =	sbarrier.arrive $0xFFFF  }
0x38: {  	s31 =	simm.s32 $0x2;
	[sflag:s2] =	ssyncpa.u1 $0x1  }
0x39: {  	[sflag:s31] =	ssyncpa.u1 $0x1  }
0x3a: {  	p0 =	sne.s32 s0, $0x0;
	_ =	strace $0x90000047  }
0x3b: {  	s0 =	sadd.s32 @!p0 $0x100000, s1;
	[bflag:$0x2] =	sbarrier.arrive $0xFFFF  }
0x3c: {  	[sflag:s0] =	ssyncadd.tile.s32 @!p0 $0x1;
	_ =	shalt  }
.Lfunc_end1:
_tile_overlayer_lowered:
.L_overlay_start_2:
0x3d: {  	(tag) =	ssettag $0x2  }
0x3e: {  	s0 =	rddreg [dreg:$0x0];
	s2 =	stileid.u32  }
0x3f: {  	s1 =	rddreg [dreg:$0x1];
	p0 =	sne.s32 s2, $0x0  }
0x40: {  	s3 =	rddreg [dreg:$0x2];
	[bflag:$0x3] =	sbarrier.arrive $0xFFFF;
	s2 =	simm.s32 @!p0 $0x1C01  }
0x41: {  	[timem:s3], [sflag:s2] =	dma.local @!p0 [hbm:s0], s1  }
0x42: {  	s0 =	simm.s32 @!p0 $0x1  }
0x43: {  	_ =	swait.ge @!p0 [sflag:s0], s1  }
0x44: {  	s1 =	ssub.s32 @!p0 $0x0, s1;
	[sflag:s0] =	ssyncset.done @!p0 $0x0  }
0x45: {  	[sflag:s0] =	ssyncadd.s32 @!p0 s1  }
0x46: {  	[bflag:$0x3] =	sbarrier.arrive $0xFFFF  }
0x47: {  	_ =	shalt  }

// kernel: sparse-core-data-format-call.cloned.1.call-start
scs
called_computation_lowered:
.L_overlay_start_0:
0x0: {  	s1 =	sld [smem:$0x3FD9]  }
0x1: {  	s2 =	sld [smem:$0x3FFE];
	_ =	sdelay $0x1  }
0x2: {  	s3 =	srdreg.scid  }
0x3: {  	s0 =	sand.u32 $0x1, s3  }
0x4: {  	s17 =	sshll.u32 s0, $0xA;
	s1 =	sadd.s32 s2, s1  }
0x5: {  	s1 =	sadd.s32 s1, s17  }
0x6: {  	[smem:$0x3FC1] =	sst s1  }
0x7: {  	_ = 	snop  }
0x8: {  	(tm) =	ssettm $0x1  }
0x9: {  	s18 =	sld [smem:$0x3FFB];
	_ =	sdelay $0x3  }
0xa: {  	_ =	strace s18  }
0xb: {  	s1 =	sld [smem:$0x3FFC];
	_ =	sdelay $0x3  }
0xc: {  	_ =	strace s1  }
0xd: {  	s1 =	sld [smem:$0x3FFD];
	_ =	sdelay $0x3  }
0xe: {  	_ =	strace s1  }
0xf: {  	_ =	strace $0x8FFFFFFF  }
0x10: {  	s19 =	sld [smem:$0x3FDB];
	_ =	sdelay $0x1  }
0x11: {  	s20 =	simm.s32 $_scs_section_size  }
0x12: {  	s4 =	simm.s32 $_size__tile_overlayer_lowered;
	s5 =	simm.s32 $_tile_overlayer_lowered  }
0x13: {  	s23 =	simm.s32 $0x1BFF;
	s22 =	sshll.u32 s5, $0x1;
	s1 =	sadd.s32 s20, s19  }
0x14: {  	s6 =	simm.s32 $0x0;
	s21 =	sshll.u32 s4, $0x1;
	s4 =	sadd.s32 s22, s1  }
0x15: {  	[timem:s6], [sflag:s23] =	dma.local [hbm:s4], s21  }
0x16: {  	_ =	swait.ge [sflag:s23], s21  }
0x17: {  	s2 =	ssub.s32 $0x0, s21;
	[sflag:s23] =	ssyncset.done $0x0  }
0x18: {  	[sflag:s23] =	ssyncadd.s32 s2;
	_ =	sdelay $0x1  }
0x19: {  	s24 =	simm.s32 $0x1B8B  }
0x1a: {  	_ =	swait.ge [sflag:s24], $0x1  }
0x1b: {  	[sflag:s24] =	ssyncset.done $0x0  }
0x1c: {  	s26 =	simm.s32 $0x1B8E;
	s25 =	sld [smem:$0x3FFE];
	[sflag:s24] =	ssyncadd.s32 $0xFFFFFFFF  }
0x1d: {  	s27 =	simm.s32 $execute0_lowered;
	[smem:$0x3FD2] =	sst s26  }
0x1e: {  	s4 =	sshll.u32 s27, $0x1;
	_ =	strace $0x8000004C;
	[dreg:$0x1] =	wrdreg $0xFFFFFFFF  }
0x1f: {  	s28 =	simm.s32 $_size_execute0_lowered;
	s1 =	sadd.s32 s1, s4;
	[dreg:$0x0] =	wrdreg $0x0  }
0x20: {  	s4 =	sshll.u32 s28, $0x1;
	[dreg:$0x2] =	wrdreg s1  }
0x21: {  	[dreg:$0x3] =	wrdreg s4  }
0x22: {  	[dreg:$0x4] =	wrdreg $0xC0  }
0x23: {  	_ =	task [dreg:s6], $0x5FFFF  }
0x24: {  	[dreg:$0x1] =	wrdreg $0xFFFFFFFF  }
0x25: {  	[dreg:$0x0] =	wrdreg $0x60  }
0x26: {  	[dreg:$0x2] =	wrdreg s25  }
0x27: {  	[dreg:$0x3] =	wrdreg $0x9  }
0x28: {  	_ =	task.clear_ibuf [dreg:s6], $0x4FFFF;
	_ =	strace $0x9000004C  }
0x29: {  	s29 =	simm.s32 $0x9;
	_ =	strace $0x8000004E  }
0x2a: {  	_ =	swait.ge [sflag:s29], $0x1  }
0x2b: {  	[sflag:s29] =	ssyncadd.s32 $0xFFFFFFFF  }
0x2c: {  	_ =	strace $0x9000004E  }
0x2d: {  	_ =	sfence  }
0x2e: {  	s30 =	sld [smem:$0x0];
	_ =	sdelay $0x2  }
0x2f: {  	s31 =	sshll.u32 s3, $0xD;
	s3 =	sshrl.u32 s3, $0x2  }
0x30: {  	s2 =	sand.u32 $0x4000, s31;
	s1 =	sadd.s32 s3, s30  }
0x31: {  	s0 =	sor.u32 s2, s0;
	s1 =	sshll.u32 s1, $0x11  }
0x32: {  	s0 =	sor.u32 s1, s0  }
0x33: {  	s0 =	sadd.s32 $0x8F2B, s0  }
0x34: {  	[sflag:s0] =	ssyncadd.remote.s32 $0x1  }
0x35: {  	_ =	sfence.sel $0xFFFF  }
0x36: {  	[dreg:$0x0] =	wrdreg $0xFFFFFFFF;
	(pc) =	sbr.abs _section_cstart, $3  }
0x37: {  	[dreg:$0x1] =	wrdreg $0xFFFFFFFF  }
0x38: {  	_ =	task.clear_ibuf [dreg:s6], $0x2FFFF;
	_ =	strace $0x9FFFFFFF  }
0x39: {  	(tm) =	ssettm $0x7FFFFFFF  }
tec
execute0_lowered:
.L_overlay_start_1:
0x0: {  	(tag) =	ssettag $0x1  }
0x1: {  	s0 =	srdreg.scid;
	s6 =	rddreg [dreg:$0x0];
	s7 =	simm.s32 $0x2  }
0x2: {  	s15 =	simm.s32 $0x0;
	s8 =	simm.s32 $0x200;
	s9 =	simm.s32 $0x196200  }
0x3: {  	s10 =	simm.s32 $0x0;
	s16 =	simm.s32 $0x0;
	s1 =	sshll.u32 s0, $0x4  }
0x4: {  	s17 =	simm.s32 $0x0;
	s0 =	stileid.u32;
	s1 =	sand.u32 $0x10, s1  }
0x5: {  	s11 =	simm.s32 $0x0;
	s12 =	simm.s32 $0x0;
	s2 =	sor.u32 s0, s1  }
.Ltmp0:
0x6: {  	s14 =	simm.s32 $0x0;
	s3 =	ssub.s32 $0x58, s2;
	(pc) =	sbr.rel .LBB1_1-.Ltmp0, $4  }
0x7: {  	s26 =	simm.s32 $0x0;
	s1 =	rddreg [dreg:$0x1];
	s4 =	sshrl.u32 s3, $0x5  }
0x8: {  	_ =	strace $0x8000004D;
	s3 =	simm.s32 $0x1;
	s4 =	smul.u32 $0x39, s4  }
0x9: {  	s5 =	sadd.s32 $0xC41C00, s6;
	s6 =	sadd.s32 $0x1C00, s6;
	[sflag:s3] =	ssyncpa.u1 $0x0  }
0xa: {  	s13 =	smov.u32 s2;
	[sflag:s7] =	ssyncpa.u1 $0x0;
	s7 =	sadd.s32 $0x1, s4  }
.LBB1_9:
0xb: {  	s18 =	sadd.s32 $0x1, s11  }
0xc: {  	s15 =	sadd.s32 $0x2, s12;
	s19 =	smov.u32 s12;
	p1 =	sgt.s32 s18, $0x38  }
0xd: {  	s19 =	smov.u32 @p1 s15  }
0xe: {  	s21 =	smov.u32 s13;
	s15 =	sadd.s32 $0x20, s13;
	p2 =	sgt.s32 s19, $0x1  }
0xf: {  	s21 =	smov.u32 @p2 s15  }
0x10: {  	s18 =	simm.s32 @p1 $0x0;
	p1 =	sgt.s32 s21, $0x38  }
0x11: {  	p0 =	slt.u32 s14, $0x2;
	s21 =	smov.u32 @p1 s2;
	p1 =	sne.s32 s14, s7  }
.Ltmp1:
0x12: {  	s20 =	simm.s32 @!p0 $0x2;
	(pc) =	sbr.rel @!p1 .LBB1_10-.Ltmp1, $4  }
0x13: {  	s16 =	smov.u32 s12;
	s17 =	smov.u32 s13;
	_ =	swait.ge @!p0 [sflag:s20], $0x4000  }
0x14: {  	s10 =	sadd.s32 $0x4000, s10;
	[sflag:s20] =	ssyncset.done @!p0 $0x0;
	s19 =	simm.s32 @p2 $0x0  }
0x15: {  	s15 =	smov.u32 s11;
	[sflag:s20] =	ssyncadd.s32 @!p0 $0xFFFFC000;
	s11 =	smov.u32 s18  }
0x16: {  	s12 =	smov.u32 s19;
	s14 =	sadd.s32 $0x1, s14;
	s13 =	smov.u32 s21  }
.LBB1_1:
0x17: {  	p0 =	sge.u32 s14, s4  }
0x18: {  	s18 =	smul.u32 @!p0 $0x1C800, s13  }
0x19: {  	s19 =	sxor.u32 @!p0 $0xFFFFFFFF, s14;
	s20 =	smul.u32 @!p0 $0xE400, s12  }
0x1a: {  	s31 =	sadd.s32 $0xFFFFFFFF, s14;
	s19 =	sshll.u32 @!p0 s19, $0xE;
	s18 =	sadd.s32 @!p0 s5, s18  }
0x1b: {  	s21 =	sshll.u32 @!p0 s11, $0xA;
	s19 =	sand.u32 @!p0 $0x4000, s19;
	s18 =	sadd.s32 @!p0 s20, s18  }
0x1c: {  	s20 =	simm.s32 @!p0 $0x2000;
	s18 =	sadd.s32 @!p0 s21, s18;
	s21 =	simm.s32 @!p0 $0x72000  }
0x1d: {  	[tilespmem:s19], [sflag:$0x1] =	stream.strided.gather @!p0 [hbm4b:s18+s20], $0x4000, s21, s20, $0x38;
	[tilespmem:$0x10000] =	vst v63  }
0x1e: {  	p0 =	sge.u32 s31, s4  }
.Ltmp2:
0x1f: {  	_ = 	snop;
	(pc) =	sbr.rel @p0 .LBB1_9-.Ltmp2, $1  }
0x20: {  	_ =	sdelay $0x3  }
0x21: {  	s18 =	sshll.u32 s10, $0x2  }
0x22: {  	_ =	swait.ge [sflag:s3], $0x4000;
	s19 =	sshll.u32 s14, $0xE;
	s21 =	simm.s32 $0x0  }
0x23: {  	p1 =	por $0x1, $0x1;
	s18 =	sand.u32 $0x10000, s18;
	[sflag:s3] =	ssyncset.done $0x0  }
0x24: {  	s19 =	sand.u32 $0x4000, s19;
	s20 =	sshrl.u32 s18, $0x2;
	[sflag:s3] =	ssyncadd.s32 $0xFFFFC000  }
0x25: {  	s18 =	sor.u32 $0x8000, s19;
	s19 =	sadd.s32 $0x8040, s20;
	s20 =	sadd.s32 $0x40, s20  }
.LBB1_3:
0x26: {  	s22 =	sshll.u32 s21, $0x8;
	s23 =	sshll.u32 s21, $0xD;
	p0 =	por p1, p1  }
0x27: {  	p2 =	por $0x1, $0x1;
	s22 =	sand.u32 $0x3FFFFF00, s22;
	s31 =	sand.u32 $0x3FFFE000, s23  }
0x28: {  	s23 =	simm.s32 $0x0;
	s21 =	sadd.s32 s22, s19;
	s22 =	sadd.s32 s31, s20  }
.LBB1_4:
0x29: {  	s24 =	sshll.u32 s23, $0xC  }
0x2a: {  	s24 =	sand.u32 $0x3FFFF000, s24  }
0x2b: {  	s24 =	sadd.s32 s24, s22  }
0x2c: {  	v0 =	vmov s24;
	_ =	sdelay $0x4  }
0x2d: {  	v6 =	vld.idx.msk [tilespmem:v0+s26+$0x30 ss:$0x1], $0xffff  }
0x2e: {  	v7 =	vld.idx.msk [tilespmem:v0+s26+$0xFFFFFFC0 ss:$0x1], $0xffff  }
0x2f: {  	v1 =	vld.idx.msk [tilespmem:v0+s26+$0xFFFFFFD0 ss:$0x1], $0xffff  }
0x30: {  	s31 =	sshll.u32 s23, $0x7;
	v2 =	vld.idx.msk [tilespmem:v0+s26+$0xFFFFFFE0 ss:$0x1], $0xffff  }
0x31: {  	s23 =	sand.u32 $0x3FFFFF80, s31;
	v3 =	vld.idx.msk [tilespmem:v0+s26+$0xFFFFFFF0 ss:$0x1], $0xffff  }
0x32: {  	s23 =	sadd.s32 s23, s21;
	v4 =	vld.idx.msk [tilespmem:v0+s26+$0x0 ss:$0x1], $0xffff  }
0x33: {  	v5 =	vld.idx.msk [tilespmem:v0+s26+$0x10 ss:$0x1], $0xffff;
	[tilespmem:s23+$0x30] =	vst v6  }
0x34: {  	p1 =	por p2, p2;
	s25 =	simm.s32 $0x400;
	s24 =	simm.s32 $0x80;
	[tilespmem:s23+$0xFFFFFFC0] =	vst v7;
	v6 =	vld.idx.msk [tilespmem:v0+s26+$0x20 ss:$0x1], $0xffff  }
.LBB1_5:
0x35: {  	p2 =	sne.s32 s25, $0x3E00;
	v7 =	vld.idx.msk [tilespmem:v0+s24+$0x30 ss:$0x1], $0xffff;
	[tilespmem:s23+$0xFFFFFFD0] =	vst v1  }
0x36: {  	v8 =	vld.idx.msk [tilespmem:v0+s24+$0xFFFFFFC0 ss:$0x1], $0xffff;
	[tilespmem:s23+$0xFFFFFFE0] =	vst v2  }
0x37: {  	v1 =	vld.idx.msk [tilespmem:v0+s24+$0xFFFFFFD0 ss:$0x1], $0xffff;
	[tilespmem:s23+$0xFFFFFFF0] =	vst v3  }
.Ltmp3:
0x38: {  	v2 =	vld.idx.msk [tilespmem:v0+s24+$0xFFFFFFE0 ss:$0x1], $0xffff;
	[tilespmem:s23+$0x0] =	vst v4;
	(pc) =	sbr.rel @p2 .LBB1_5-.Ltmp3, $4  }
0x39: {  	v3 =	vld.idx.msk [tilespmem:v0+s24+$0xFFFFFFF0 ss:$0x1], $0xffff;
	[tilespmem:s23+$0x10] =	vst v5  }
0x3a: {  	v4 =	vld.idx.msk [tilespmem:v0+s24+$0x0 ss:$0x1], $0xffff;
	[tilespmem:s23+$0x20] =	vst v6;
	s23 =	sadd.s32 $0x200, s23  }
0x3b: {  	v5 =	vld.idx.msk [tilespmem:v0+s24+$0x10 ss:$0x1], $0xffff;
	[tilespmem:s23+$0x30] =	vst v7  }
0x3c: {  	[tilespmem:s23+$0xFFFFFFC0] =	vst v8;
	v6 =	vld.idx.msk [tilespmem:v0+s24+$0x20 ss:$0x1], $0xffff;
	s24 =	sshra.s32 s25, $0x2;
	s25 =	sadd.s32 $0x200, s25  }
0x3d: {  	_ =	sdelay $0x2  }
0x3e: {  	[tilespmem:s23+$0xFFFFFFD0] =	vst v1  }
0x3f: {  	v56 =	vld.idx.msk [tilespmem:v0+s24+$0x30 ss:$0x1], $0xffff;
	[tilespmem:s23+$0xFFFFFFE0] =	vst v2  }
0x40: {  	v57 =	vld.idx.msk [tilespmem:v0+s24+$0xFFFFFFC0 ss:$0x1], $0xffff;
	[tilespmem:s23+$0xFFFFFFF0] =	vst v3  }
0x41: {  	v58 =	vld.idx.msk [tilespmem:v0+s24+$0xFFFFFFD0 ss:$0x1], $0xffff;
	[tilespmem:s23+$0x0] =	vst v4  }
0x42: {  	v59 =	vld.idx.msk [tilespmem:v0+s24+$0xFFFFFFE0 ss:$0x1], $0xffff;
	[tilespmem:s23+$0x10] =	vst v5  }
0x43: {  	v60 =	vld.idx.msk [tilespmem:v0+s24+$0xFFFFFFF0 ss:$0x1], $0xffff;
	s31 =	sadd.s32 $0x200, s23;
	[tilespmem:s23+$0x20] =	vst v6  }
0x44: {  	v61 =	vld.idx.msk [tilespmem:v0+s24+$0x0 ss:$0x1], $0xffff;
	[tilespmem:s31+$0x30] =	vst v56  }
0x45: {  	v62 =	vld.idx.msk [tilespmem:v0+s24+$0x10 ss:$0x1], $0xffff;
	[tilespmem:s31+$0xFFFFFFC0] =	vst v57  }
0x46: {  	v63 =	vld.idx.msk [tilespmem:v0+s24+$0x20 ss:$0x1], $0xffff;
	[tilespmem:s31+$0xFFFFFFD0] =	vst v58  }
.Ltmp4:
0x47: {  	[tilespmem:s31+$0xFFFFFFE0] =	vst v59;
	(pc) =	sbr.rel @p1 .LBB1_4-.Ltmp4, $4  }
0x48: {  	[tilespmem:s31+$0xFFFFFFF0] =	vst v60  }
0x49: {  	[tilespmem:s31+$0x0] =	vst v61  }
0x4a: {  	[tilespmem:s31+$0x10] =	vst v62  }
0x4b: {  	p2 =	por $0x0, $0x0;
	s23 =	simm.s32 $0x1;
	[tilespmem:s31+$0x20] =	vst v63  }
.Ltmp5:
0x4c: {  	(pc) =	sbr.rel @p0 .LBB1_3-.Ltmp5, $2  }
0x4d: {  	_ =	sdelay $0x2  }
0x4e: {  	s21 =	simm.s32 $0x1;
	p1 =	por $0x0, $0x0  }
0x4f: {  	s17 =	smul.u32 $0xE40, s17  }
.Ltmp6:
0x50: {  	_ = 	snop;
	(pc) =	sbr.rel .LBB1_9-.Ltmp6, $4  }
0x51: {  	s16 =	sshll.u32 s16, $0x5;
	s17 =	sadd.s32 s6, s17  }
0x52: {  	s15 =	sshll.u32 s15, $0x6;
	s16 =	sadd.s32 s16, s17  }
0x53: {  	s15 =	sadd.s32 s15, s16  }
0x54: {  	[hbm4b:s15+s8] =	stream.strided.scatter [tilespmem:s18], [sflag:$0x2], $0x4000, s9, s8, $0x38;
	[tilespmem:$0x10000] =	vst v63  }
.LBB1_10:
0x55: {  	_ =	sfence.sel $0x180000  }
0x56: {  	s2 =	simm.s32 $0x1;
	[bflag:$0x0] =	sbarrier.arrive $0xFFFF  }
0x57: {  	s31 =	simm.s32 $0x2;
	[sflag:s2] =	ssyncpa.u1 $0x1  }
0x58: {  	[sflag:s31] =	ssyncpa.u1 $0x1  }
0x59: {  	p0 =	sne.s32 s0, $0x0;
	_ =	strace $0x9000004D  }
0x5a: {  	s0 =	sadd.s32 @!p0 $0x100000, s1;
	[bflag:$0x2] =	sbarrier.arrive $0xFFFF  }
0x5b: {  	[sflag:s0] =	ssyncadd.tile.s32 @!p0 $0x1;
	_ =	shalt  }
.Lfunc_end1:
_tile_overlayer_lowered:
.L_overlay_start_2:
0x5c: {  	(tag) =	ssettag $0x2  }
0x5d: {  	s0 =	rddreg [dreg:$0x0];
	s2 =	stileid.u32  }
0x5e: {  	s1 =	rddreg [dreg:$0x1];
	p0 =	sne.s32 s2, $0x0  }
0x5f: {  	s3 =	rddreg [dreg:$0x2];
	[bflag:$0x3] =	sbarrier.arrive $0xFFFF;
	s2 =	simm.s32 @!p0 $0x1C01  }
0x60: {  	[timem:s3], [sflag:s2] =	dma.local @!p0 [hbm:s0], s1  }
0x61: {  	s0 =	simm.s32 @!p0 $0x1  }
0x62: {  	_ =	swait.ge @!p0 [sflag:s0], s1  }
0x63: {  	s1 =	ssub.s32 @!p0 $0x0, s1;
	[sflag:s0] =	ssyncset.done @!p0 $0x0  }
0x64: {  	[sflag:s0] =	ssyncadd.s32 @!p0 s1  }
0x65: {  	[bflag:$0x3] =	sbarrier.arrive $0xFFFF  }
0x66: {  	_ =	shalt  }

</sc_bundles>
